<compile_context>
chip_gen: v7x
topology: tpu7x:2x2x1
jax: 0.10.2.dev20260603
libtpu: 0.0.44.dev20260713+nightly
codegen_flags: <defaults>
</compile_context>

<pallas_src>
import functools

import jax
import jax.numpy as jnp
from jax import lax
from jax.experimental import pallas as pl
from jax.experimental.pallas import tpu as pltpu
from jax.experimental.pallas import tpu_sc as plsc

N = 262144
D = 64
C = 16
B = 8
MARGIN_ = 0.5
LOSS_W_ = 0.01

NCORES = 2
NSUB = 16
NW = NCORES * NSUB
SC_N = N // 2
CHP = 256
GPC = CHP // 128


def _sc_stage1(feat, tgt2, bat2):
    n_pts = feat.shape[0]
    pw = n_pts // NW
    idxrows = pw // 128
    nsc = pw // CHP
    mesh = plsc.VectorSubcoreMesh(core_axis_name="c", subcore_axis_name="s")
    out_type = jax.ShapeDtypeStruct((NCORES, B * C, D), jnp.float32)
    scratch = [
        pltpu.VMEM((CHP, D), jnp.float32),
        pltpu.VMEM((CHP, D), jnp.float32),
        pltpu.VMEM((idxrows, 128), jnp.int32),
        pltpu.VMEM((idxrows, 128), jnp.int32),
        pltpu.VMEM((idxrows, 128), jnp.int32),
        pltpu.VMEM((8, D), jnp.float32),
        pltpu.VMEM_SHARED((B * C, D), jnp.float32),
        pltpu.SemaphoreType.DMA,
        pltpu.SemaphoreType.DMA,
        pltpu.SemaphoreType.DMA,
        pltpu.SemaphoreType.DMA,
    ]

    @functools.partial(pl.kernel, out_type=out_type, mesh=mesh,
                       scratch_types=scratch)
    def k(feat_h, tgt_h, bat_h, fs_o, fA, fB, tgtv, batv, segv, zv, fs_sh,
          lsemA, lsemB, ssemA, ssemB):
        cid = lax.axis_index("c")
        sid = lax.axis_index("s")
        zero16 = jnp.zeros((16,), jnp.float32)

        for r in range(8):
            for j in range(D // 16):
                zv[r, pl.ds(16 * j, 16)] = zero16

        pltpu.sync_copy(zv, fs_sh.at[pl.ds(sid * 8, 8)])

        wid = cid * NSUB + sid
        base = wid * pw

        row0 = pl.multiple_of(wid * idxrows, 8)
        pltpu.sync_copy(tgt_h.at[pl.ds(row0, idxrows)], tgtv)
        pltpu.sync_copy(bat_h.at[pl.ds(row0, idxrows)], batv)

        def segrow(r, carry):
            for j in range(8):
                sl = pl.ds(16 * j, 16)
                segv[r, sl] = batv[r, sl] * C + tgtv[r, sl]
            return carry
        lax.fori_loop(0, idxrows, segrow, 0)
        plsc.subcore_barrier()

        def feat_src(c):
            pt0 = pl.multiple_of(base + c * CHP, CHP)
            return feat_h.at[pl.ds(pt0, CHP)]

        def ld_start(c, buf, sem):
            pltpu.async_copy(feat_src(c), buf, sem)

        def ld_wait(c, buf, sem):
            pltpu.make_async_copy(feat_src(c), buf, sem).wait()

        def scat_start(c, buf, sem):
            for g in range(GPC):
                pltpu.async_copy(buf.at[pl.ds(g * 128, 128)],
                                 fs_sh.at[segv.at[c * GPC + g]], sem, add=True)

        def scat_wait(c, buf, sem):
            for g in range(GPC):
                pltpu.make_async_copy(buf.at[pl.ds(g * 128, 128)],
                                      fs_sh.at[segv.at[c * GPC + g]],
                                      sem).wait()

        ld_start(0, fA, lsemA)

        def pipe(i, carry):
            for b in range(2):
                c = i * 2 + b
                buf, lsem, ssem = (fA, lsemA, ssemA) if b == 0 else (fB, lsemB, ssemB)
                obuf, olsem, ossem = (fB, lsemB, ssemB) if b == 0 else (fA, lsemA, ssemA)
                ld_wait(c, buf, lsem)

                @pl.when(c >= 1)
                def _():
                    scat_wait(c - 1, obuf, ossem)

                @pl.when(c + 1 < nsc)
                def _():
                    ld_start(c + 1, obuf, olsem)

                scat_start(c, buf, ssem)
            return carry
        lax.fori_loop(0, nsc // 2, pipe, 0)
        scat_wait(nsc - 1, fB, ssemB)

        plsc.subcore_barrier()

        @pl.when(sid == 0)
        def _():
            pltpu.sync_copy(fs_sh, fs_o.at[cid])

    return k(feat, tgt2, bat2)




def _stats(ft, bids, tids, nb):
    g2 = ft * ft
    rs = lax.dot_general(jnp.ones((1, D), jnp.float32), g2,
                         (((1,), (0,)), ((), ())))
    brow = bids.reshape(1, nb)
    trow = tids.reshape(1, nb)
    ohb = (brow == lax.broadcasted_iota(jnp.int32, (B, 1), 0)).astype(jnp.float32)
    ohc = (trow == lax.broadcasted_iota(jnp.int32, (C, 1), 0)).astype(jnp.float32)
    sq8 = lax.dot_general(ohb, rs, (((1,), (1,)), ((), ())))
    cntbc = lax.dot_general(ohb, ohc, (((1,), (1,)), ((), ())))
    return sq8, cntbc, ohb, ohc


_TBLK = 4096


def _t2_body(ft_ref, bat_ref, tgt_ref, out_ref, sq_ref, cnt_ref):
    ft = ft_ref[...]
    out_ref[...] = ft.T
    sq8, cntbc, _, _ = _stats(ft, bat_ref[...], tgt_ref[...], _TBLK)
    sq_ref[...] = sq8.reshape(1, B, 1)
    cnt_ref[...] = cntbc.reshape(1, B, C)


def _tc_transpose_stats(ft, batch, target, off, nblk):
    return pl.pallas_call(
        _t2_body,
        grid=(nblk,),
        in_specs=[
            pl.BlockSpec((D, _TBLK), lambda i: (0, i + off)),
            pl.BlockSpec((_TBLK,), lambda i: (i + off,)),
            pl.BlockSpec((_TBLK,), lambda i: (i + off,)),
        ],
        out_specs=[
            pl.BlockSpec((_TBLK, D), lambda i: (i, 0)),
            pl.BlockSpec((1, B, 1), lambda i: (i, 0, 0)),
            pl.BlockSpec((1, B, C), lambda i: (i, 0, 0)),
        ],
        out_shape=[
            jax.ShapeDtypeStruct((nblk * _TBLK, D), jnp.float32),
            jax.ShapeDtypeStruct((nblk, B, 1), jnp.float32),
            jax.ShapeDtypeStruct((nblk, B, C), jnp.float32),
        ],
    )(ft, batch, target)


_FSBLK = 8192
_FSNBLK = (N - SC_N) // _FSBLK


def _fs_tc_body(ft_ref, bat_ref, tgt_ref, out_ref, sq_ref, cnt_ref):
    i = pl.program_id(0)
    ft = ft_ref[...]
    bids = bat_ref[...]
    tids = tgt_ref[...]
    sq8, cntbc, ohb, ohc = _stats(ft, bids, tids, _FSBLK)
    sq_ref[...] = sq8.reshape(1, B, 1)
    cnt_ref[...] = cntbc.reshape(1, B, C)
    seg = bids.reshape(1, _FSBLK) * C + tids.reshape(1, _FSBLK)
    ohs = (seg == lax.broadcasted_iota(jnp.int32, (B * C, 1), 0)
           ).astype(jnp.float32)
    part = lax.dot_general(ohs, ft, (((1,), (1,)), ((), ())))

    @pl.when(i == 0)
    def _():
        out_ref[...] = jnp.zeros((B * C, D), jnp.float32)
    out_ref[...] += part


def _fs_tc(ft, batch, target):
    return pl.pallas_call(
        _fs_tc_body,
        grid=(_FSNBLK,),
        in_specs=[
            pl.BlockSpec((D, _FSBLK), lambda i: (0, i)),
            pl.BlockSpec((_FSBLK,), lambda i: (i,)),
            pl.BlockSpec((_FSBLK,), lambda i: (i,)),
        ],
        out_specs=[
            pl.BlockSpec((B * C, D), lambda i: (0, 0)),
            pl.BlockSpec((1, B, 1), lambda i: (i, 0, 0)),
            pl.BlockSpec((1, B, C), lambda i: (i, 0, 0)),
        ],
        out_shape=[
            jax.ShapeDtypeStruct((B * C, D), jnp.float32),
            jax.ShapeDtypeStruct((_FSNBLK, B, 1), jnp.float32),
            jax.ShapeDtypeStruct((_FSNBLK, B, C), jnp.float32),
        ],
    )(ft, batch, target)


def _dot00(a, b):
    return lax.dot_general(a, b, (((0,), (0,)), ((), ())))


def _dot11(a, b):
    return lax.dot_general(a, b, (((1,), (1,)), ((), ())))


def _final_body(fs_ref, fstc_ref, cnt_ref, sqp_ref, cen_ref, out_ref):
    fs = jnp.sum(fs_ref[...], axis=0) + fstc_ref[...]
    cnt_bc = jnp.sum(cnt_ref[...], axis=0)
    sqb8 = jnp.sum(sqp_ref[...], axis=0)
    cen = cen_ref[...]
    cen_t = jnp.concatenate([cen] * B, axis=0)

    ohg = (lax.broadcasted_iota(jnp.int32, (B * C, B), 0) // C
           == lax.broadcasted_iota(jnp.int32, (B * C, B), 1)).astype(jnp.float32)
    m128 = (lax.broadcasted_iota(jnp.int32, (B * C, C), 0) % C
            == lax.broadcasted_iota(jnp.int32, (B * C, C), 1)).astype(jnp.float32)
    cnt = jnp.sum(jnp.dot(ohg, cnt_bc) * m128, axis=1, keepdims=True)

    rowdot = jnp.sum(fs * cen_t, axis=1, keepdims=True)
    rowcn2 = jnp.sum(cen_t * cen_t, axis=1, keepdims=True)
    dotterm = _dot00(ohg, rowdot)
    cterm = _dot00(ohg, cnt * rowcn2)
    cnt_b = _dot00(ohg, cnt)
    intra_sum = sqb8 - 2.0 * dotterm + cterm
    has_b = cnt_b > 0
    intra_b = jnp.where(has_b, intra_sum / jnp.maximum(cnt_b, 1.0), 0.0)
    total_intra = jnp.sum(intra_b)
    batch_count = jnp.sum(has_b.astype(jnp.float32))

    ri = lax.broadcasted_iota(jnp.int32, (C, C), 0)
    ci = lax.broadcasted_iota(jnp.int32, (C, C), 1)
    eye_f = (ri == ci).astype(jnp.float32)
    noteye_f = 1.0 - eye_f
    total_inter = jnp.float32(0.0)
    for b in range(B):
        ccnt = cnt[b * C:(b + 1) * C, :]
        cc = fs[b * C:(b + 1) * C, :] / jnp.maximum(ccnt, 1.0)
        g = _dot11(cc, cc)
        ncol = jnp.sum(g * eye_f, axis=1, keepdims=True)
        nrow = jnp.sum(g * eye_f, axis=0, keepdims=True)
        sq = ncol + nrow - 2.0 * g
        pos = sq > 0
        dist = jnp.where(pos, jnp.sqrt(jnp.where(pos, sq, 1.0)), 0.0)
        pres = (ccnt > 0).astype(jnp.float32)
        pm = _dot11(pres, pres) * noteye_f
        hinge = jnp.maximum(MARGIN_ - dist, 0.0)
        n_pairs = jnp.sum(pm)
        n_present = jnp.sum(pres)
        inter_b = jnp.where(
            n_present > 1,
            jnp.sum(hinge * pm) / jnp.maximum(n_pairs, 1.0),
            0.0)
        total_inter = total_inter + inter_b

    avg_intra = jnp.where(batch_count > 0,
                          total_intra / jnp.maximum(batch_count, 1.0), 0.0)
    avg_inter = jnp.where(batch_count > 0,
                          total_inter / jnp.maximum(batch_count, 1.0), 0.0)
    out_ref[...] = (LOSS_W_ * (avg_intra + avg_inter)).reshape(1, 1)


def _tc_finalize(fs, fs_tc, cnt, sqp, centers):
    return pl.pallas_call(
        _final_body,
        out_shape=jax.ShapeDtypeStruct((1, 1), jnp.float32),
    )(fs, fs_tc, cnt, sqp, centers)


def kernel(pred, target, feat, batch, centers):
    del pred
    ft = feat.T
    off = N - SC_N
    q = SC_N // 2
    qb = q // _TBLK
    fs_parts = []
    sqs, cnts = [], []
    for s in range(2):
        lo = off + s * q
        f_sc, sq2, cnt2 = _tc_transpose_stats(ft, batch, target,
                                              lo // _TBLK, qb)
        fs_parts.append(_sc_stage1(
            f_sc,
            target[lo:lo + q].reshape(q // 128, 128),
            batch[lo:lo + q].reshape(q // 128, 128)))
        sqs.append(sq2)
        cnts.append(cnt2)
    fs_tc, sqp1, cntp1 = _fs_tc(ft, batch, target)
    fs = jnp.concatenate(fs_parts, axis=0)
    sqp = jnp.concatenate([sqp1] + sqs, axis=0)
    cntp = jnp.concatenate([cntp1] + cnts, axis=0)
    out = _tc_finalize(fs, fs_tc, cntp, sqp, centers)
    return out[0, 0]

# --- scband reference (transcript-rebuilt; emitter-appended) ---
"""Pipeline reference for scband-dynamic-center-loss-12807592477411 (READ-ONLY COPY).

The authoritative reference and input builder live on the scoring server;
editing this copy changes nothing except your own understanding.
"""

import jax, jax.numpy as jnp
import numpy as np

N = 262144
D = 64
C = 16
B = 8
MARGIN = 0.5
INTRA_W = 1.0
INTER_W = 1.0
LOSS_W = 0.01


def setup_inputs(seed: int = 0) -> dict:
    key = jax.random.key(seed)
    k1, k2, k3, k4, k5 = jax.random.split(key, 5)
    pred = jax.random.normal(k1, (N, C), dtype=jnp.float32)
    target = jax.random.randint(k2, (N,), 0, C, dtype=jnp.int32)
    feat = jax.random.normal(k3, (N, D), dtype=jnp.float32)
    batch = jnp.sort(jax.random.randint(k4, (N,), 0, B, dtype=jnp.int32))
    centers = jax.random.normal(k5, (C, D), dtype=jnp.float32)
    return {"pred": pred, "target": target, "feat": feat, "batch": batch, "centers": centers}


def _loss(feat, centers, target, batch):
    # intra: per-point squared distance to its class center, averaged per batch element
    per_point = ((feat - centers[target]) ** 2).sum(axis=1)
    ones = jnp.ones((feat.shape[0],), dtype=jnp.float32)
    cnt_b = jax.ops.segment_sum(ones, batch, num_segments=B)
    intra_sum_b = jax.ops.segment_sum(per_point, batch, num_segments=B)
    has_b = cnt_b > 0
    intra_b = jnp.where(has_b, intra_sum_b / jnp.maximum(cnt_b, 1.0), 0.0)
    total_intra = intra_b.sum()
    batch_count = has_b.astype(jnp.float32).sum()
    # inter: per-batch, per-class dynamic centers (mean of features of that class in that batch)
    seg = batch * C + target
    feat_sums = jax.ops.segment_sum(feat, seg, num_segments=B * C)
    cnts = jax.ops.segment_sum(ones, seg, num_segments=B * C)
    cls_centers = (feat_sums / jnp.maximum(cnts, 1.0)[:, None]).reshape(B, C, D)
    present = (cnts > 0).reshape(B, C)
    diff = cls_centers[:, :, None, :] - cls_centers[:, None, :, :]
    sq = (diff ** 2).sum(axis=-1)
    pos = sq > 0
    dist = jnp.where(pos, jnp.sqrt(jnp.where(pos, sq, 1.0)), 0.0)
    eye = jnp.eye(C, dtype=bool)[None, :, :]
    pair_mask = present[:, :, None] & present[:, None, :] & (~eye)
    hinge = jnp.maximum(MARGIN - dist, 0.0)
    n_pairs = pair_mask.sum(axis=(1, 2)).astype(jnp.float32)
    n_present = present.sum(axis=1)
    inter_b = jnp.where(n_present > 1, (hinge * pair_mask).sum(axis=(1, 2)) / jnp.maximum(n_pairs, 1.0), 0.0)
    total_inter = inter_b.sum()
    avg_intra = jnp.where(batch_count > 0, total_intra / jnp.maximum(batch_count, 1.0), 0.0)
    avg_inter = jnp.where(batch_count > 0, total_inter / jnp.maximum(batch_count, 1.0), 0.0)
    return LOSS_W * (INTRA_W * avg_intra + INTER_W * avg_inter)


def reference(pred, target, feat, batch, centers):
    # pred is accepted by the torch forward signature but unused in the loss computation
    return _loss(feat, centers, target, batch)

if __name__ == "__main__":
    import jax
    _d = setup_inputs()
    print(jax.jit(kernel)(*tuple(_d.values())))

</pallas_src>

<mosaic_0001>
#map = affine_map<(d0, d1) -> (0, 0)>
#map1 = affine_map<(d0, d1) -> (0, 0, 0)>
module attributes {stable_mosaic.version = 14 : i64} {
  func.func @k(%arg0: i32, %arg1: i32, %arg2: memref<65536x64xf32, #tpu.memory_space<hbm>>, %arg3: memref<512x128xi32, #tpu.memory_space<hbm>>, %arg4: memref<512x128xi32, #tpu.memory_space<hbm>>, %arg5: memref<2x128x64xf32, #tpu.memory_space<hbm>>, %arg6: memref<256x64xf32, #tpu.memory_space<vmem>>, %arg7: memref<256x64xf32, #tpu.memory_space<vmem>>, %arg8: memref<16x128xi32, #tpu.memory_space<vmem>>, %arg9: memref<16x128xi32, #tpu.memory_space<vmem>>, %arg10: memref<16x128xi32, #tpu.memory_space<vmem>>, %arg11: memref<8x64xf32, #tpu.memory_space<vmem>>, %arg12: memref<128x64xf32, #tpu.memory_space<vmem_shared>>, %arg13: memref<!tpu.dma_semaphore, #tpu.memory_space<semaphore_mem>>, %arg14: memref<!tpu.dma_semaphore, #tpu.memory_space<semaphore_mem>>, %arg15: memref<!tpu.dma_semaphore, #tpu.memory_space<semaphore_mem>>, %arg16: memref<!tpu.dma_semaphore, #tpu.memory_space<semaphore_mem>>) attributes {dimension_semantics = [#tpu.dimension_semantics<core_parallel>, #tpu.dimension_semantics<subcore_parallel>], iteration_bounds = array<i64: 2, 16>, scalar_prefetch = 0 : i64, scratch_operands = 11 : i64, tpu.core_type = #tpu.core_type<sc_vector_subcore>, window_params = [{transform_indices = #map}, {transform_indices = #map}, {transform_indices = #map}, {transform_indices = #map1}]} {
    %broadcast_in_dim3A = arith.constant 0.000000e+00 : f32
    %broadcast_in_dim3A_0 = vector.broadcast %broadcast_in_dim3A : f32 to vector<16xf32>
    %swap3A = arith.constant 0 : i32
    %swap3A_1 = arith.index_cast %swap3A : i32 to index
    %swap3A_2 = arith.constant 0 : index
    %swap3A_3 = tpu.vector_load %arg11[%swap3A_1, %swap3A_2] {strides = array<i32>} : memref<8x64xf32, #tpu.memory_space<vmem>>, vector<1x16xf32>,
    %swap3A_4 = vector.shape_cast %swap3A_3 : vector<1x16xf32> to vector<16xf32>
    %swap3A_5 = vector.shape_cast %broadcast_in_dim3A_0 : vector<16xf32> to vector<1x16xf32>
    tpu.vector_store %arg11[%swap3A_1, %swap3A_2], %swap3A_5 {strides = array<i32>} : memref<8x64xf32, #tpu.memory_space<vmem>>, vector<1x16xf32>,
    %swap3A_6 = arith.constant 0 : i32
    %swap3A_7 = arith.index_cast %swap3A_6 : i32 to index
    %swap3A_8 = arith.constant 16 : index
    %swap3A_9 = tpu.vector_load %arg11[%swap3A_7, %swap3A_8] {strides = array<i32>} : memref<8x64xf32, #tpu.memory_space<vmem>>, vector<1x16xf32>,
    %swap3A_10 = vector.shape_cast %swap3A_9 : vector<1x16xf32> to vector<16xf32>
    %swap3A_11 = vector.shape_cast %broadcast_in_dim3A_0 : vector<16xf32> to vector<1x16xf32>
    tpu.vector_store %arg11[%swap3A_7, %swap3A_8], %swap3A_11 {strides = array<i32>} : memref<8x64xf32, #tpu.memory_space<vmem>>, vector<1x16xf32>,
    %swap3A_12 = arith.constant 0 : i32
    %swap3A_13 = arith.index_cast %swap3A_12 : i32 to index
    %swap3A_14 = arith.constant 32 : index
    %swap3A_15 = tpu.vector_load %arg11[%swap3A_13, %swap3A_14] {strides = array<i32>} : memref<8x64xf32, #tpu.memory_space<vmem>>, vector<1x16xf32>,
    %swap3A_16 = vector.shape_cast %swap3A_15 : vector<1x16xf32> to vector<16xf32>
    %swap3A_17 = vector.shape_cast %broadcast_in_dim3A_0 : vector<16xf32> to vector<1x16xf32>
    tpu.vector_store %arg11[%swap3A_13, %swap3A_14], %swap3A_17 {strides = array<i32>} : memref<8x64xf32, #tpu.memory_space<vmem>>, vector<1x16xf32>,
    %swap3A_18 = arith.constant 0 : i32
    %swap3A_19 = arith.index_cast %swap3A_18 : i32 to index
    %swap3A_20 = arith.constant 48 : index
    %swap3A_21 = tpu.vector_load %arg11[%swap3A_19, %swap3A_20] {strides = array<i32>} : memref<8x64xf32, #tpu.memory_space<vmem>>, vector<1x16xf32>,
    %swap3A_22 = vector.shape_cast %swap3A_21 : vector<1x16xf32> to vector<16xf32>
    %swap3A_23 = vector.shape_cast %broadcast_in_dim3A_0 : vector<16xf32> to vector<1x16xf32>
    tpu.vector_store %arg11[%swap3A_19, %swap3A_20], %swap3A_23 {strides = array<i32>} : memref<8x64xf32, #tpu.memory_space<vmem>>, vector<1x16xf32>,
    %swap3A_24 = arith.constant 1 : i32
    %swap3A_25 = arith.index_cast %swap3A_24 : i32 to index
    %swap3A_26 = arith.constant 0 : index
    %swap3A_27 = tpu.vector_load %arg11[%swap3A_25, %swap3A_26] {strides = array<i32>} : memref<8x64xf32, #tpu.memory_space<vmem>>, vector<1x16xf32>,
    %swap3A_28 = vector.shape_cast %swap3A_27 : vector<1x16xf32> to vector<16xf32>
    %swap3A_29 = vector.shape_cast %broadcast_in_dim3A_0 : vector<16xf32> to vector<1x16xf32>
    tpu.vector_store %arg11[%swap3A_25, %swap3A_26], %swap3A_29 {strides = array<i32>} : memref<8x64xf32, #tpu.memory_space<vmem>>, vector<1x16xf32>,
    %swap3A_30 = arith.constant 1 : i32
    %swap3A_31 = arith.index_cast %swap3A_30 : i32 to index
    %swap3A_32 = arith.constant 16 : index
    %swap3A_33 = tpu.vector_load %arg11[%swap3A_31, %swap3A_32] {strides = array<i32>} : memref<8x64xf32, #tpu.memory_space<vmem>>, vector<1x16xf32>,
    %swap3A_34 = vector.shape_cast %swap3A_33 : vector<1x16xf32> to vector<16xf32>
    %swap3A_35 = vector.shape_cast %broadcast_in_dim3A_0 : vector<16xf32> to vector<1x16xf32>
    tpu.vector_store %arg11[%swap3A_31, %swap3A_32], %swap3A_35 {strides = array<i32>} : memref<8x64xf32, #tpu.memory_space<vmem>>, vector<1x16xf32>,
    %swap3A_36 = arith.constant 1 : i32
    %swap3A_37 = arith.index_cast %swap3A_36 : i32 to index
    %swap3A_38 = arith.constant 32 : index
    %swap3A_39 = tpu.vector_load %arg11[%swap3A_37, %swap3A_38] {strides = array<i32>} : memref<8x64xf32, #tpu.memory_space<vmem>>, vector<1x16xf32>,
    %swap3A_40 = vector.shape_cast %swap3A_39 : vector<1x16xf32> to vector<16xf32>
    %swap3A_41 = vector.shape_cast %broadcast_in_dim3A_0 : vector<16xf32> to vector<1x16xf32>
    tpu.vector_store %arg11[%swap3A_37, %swap3A_38], %swap3A_41 {strides = array<i32>} : memref<8x64xf32, #tpu.memory_space<vmem>>, vector<1x16xf32>,
    %swap3A_42 = arith.constant 1 : i32
    %swap3A_43 = arith.index_cast %swap3A_42 : i32 to index
    %swap3A_44 = arith.constant 48 : index
    %swap3A_45 = tpu.vector_load %arg11[%swap3A_43, %swap3A_44] {strides = array<i32>} : memref<8x64xf32, #tpu.memory_space<vmem>>, vector<1x16xf32>,
    %swap3A_46 = vector.shape_cast %swap3A_45 : vector<1x16xf32> to vector<16xf32>
    %swap3A_47 = vector.shape_cast %broadcast_in_dim3A_0 : vector<16xf32> to vector<1x16xf32>
    tpu.vector_store %arg11[%swap3A_43, %swap3A_44], %swap3A_47 {strides = array<i32>} : memref<8x64xf32, #tpu.memory_space<vmem>>, vector<1x16xf32>,
    %swap3A_48 = arith.constant 2 : i32
    %swap3A_49 = arith.index_cast %swap3A_48 : i32 to index
    %swap3A_50 = arith.constant 0 : index
    %swap3A_51 = tpu.vector_load %arg11[%swap3A_49, %swap3A_50] {strides = array<i32>} : memref<8x64xf32, #tpu.memory_space<vmem>>, vector<1x16xf32>,
    %swap3A_52 = vector.shape_cast %swap3A_51 : vector<1x16xf32> to vector<16xf32>
    %swap3A_53 = vector.shape_cast %broadcast_in_dim3A_0 : vector<16xf32> to vector<1x16xf32>
    tpu.vector_store %arg11[%swap3A_49, %swap3A_50], %swap3A_53 {strides = array<i32>} : memref<8x64xf32, #tpu.memory_space<vmem>>, vector<1x16xf32>,
    %swap3A_54 = arith.constant 2 : i32
    %swap3A_55 = arith.index_cast %swap3A_54 : i32 to index
    %swap3A_56 = arith.constant 16 : index
    %swap3A_57 = tpu.vector_load %arg11[%swap3A_55, %swap3A_56] {strides = array<i32>} : memref<8x64xf32, #tpu.memory_space<vmem>>, vector<1x16xf32>,
    %swap3A_58 = vector.shape_cast %swap3A_57 : vector<1x16xf32> to vector<16xf32>
    %swap3A_59 = vector.shape_cast %broadcast_in_dim3A_0 : vector<16xf32> to vector<1x16xf32>
    tpu.vector_store %arg11[%swap3A_55, %swap3A_56], %swap3A_59 {strides = array<i32>} : memref<8x64xf32, #tpu.memory_space<vmem>>, vector<1x16xf32>,
    %swap3A_60 = arith.constant 2 : i32
    %swap3A_61 = arith.index_cast %swap3A_60 : i32 to index
    %swap3A_62 = arith.constant 32 : index
    %swap3A_63 = tpu.vector_load %arg11[%swap3A_61, %swap3A_62] {strides = array<i32>} : memref<8x64xf32, #tpu.memory_space<vmem>>, vector<1x16xf32>,
    %swap3A_64 = vector.shape_cast %swap3A_63 : vector<1x16xf32> to vector<16xf32>
    %swap3A_65 = vector.shape_cast %broadcast_in_dim3A_0 : vector<16xf32> to vector<1x16xf32>
    tpu.vector_store %arg11[%swap3A_61, %swap3A_62], %swap3A_65 {strides = array<i32>} : memref<8x64xf32, #tpu.memory_space<vmem>>, vector<1x16xf32>,
    %swap3A_66 = arith.constant 2 : i32
    %swap3A_67 = arith.index_cast %swap3A_66 : i32 to index
    %swap3A_68 = arith.constant 48 : index
    %swap3A_69 = tpu.vector_load %arg11[%swap3A_67, %swap3A_68] {strides = array<i32>} : memref<8x64xf32, #tpu.memory_space<vmem>>, vector<1x16xf32>,
    %swap3A_70 = vector.shape_cast %swap3A_69 : vector<1x16xf32> to vector<16xf32>
    %swap3A_71 = vector.shape_cast %broadcast_in_dim3A_0 : vector<16xf32> to vector<1x16xf32>
    tpu.vector_store %arg11[%swap3A_67, %swap3A_68], %swap3A_71 {strides = array<i32>} : memref<8x64xf32, #tpu.memory_space<vmem>>, vector<1x16xf32>,
    %swap3A_72 = arith.constant 3 : i32
    %swap3A_73 = arith.index_cast %swap3A_72 : i32 to index
    %swap3A_74 = arith.constant 0 : index
    %swap3A_75 = tpu.vector_load %arg11[%swap3A_73, %swap3A_74] {strides = array<i32>} : memref<8x64xf32, #tpu.memory_space<vmem>>, vector<1x16xf32>,
    %swap3A_76 = vector.shape_cast %swap3A_75 : vector<1x16xf32> to vector<16xf32>
    %swap3A_77 = vector.shape_cast %broadcast_in_dim3A_0 : vector<16xf32> to vector<1x16xf32>
    tpu.vector_store %arg11[%swap3A_73, %swap3A_74], %swap3A_77 {strides = array<i32>} : memref<8x64xf32, #tpu.memory_space<vmem>>, vector<1x16xf32>,
    %swap3A_78 = arith.constant 3 : i32
    %swap3A_79 = arith.index_cast %swap3A_78 : i32 to index
    %swap3A_80 = arith.constant 16 : index
    %swap3A_81 = tpu.vector_load %arg11[%swap3A_79, %swap3A_80] {strides = array<i32>} : memref<8x64xf32, #tpu.memory_space<vmem>>, vector<1x16xf32>,
    %swap3A_82 = vector.shape_cast %swap3A_81 : vector<1x16xf32> to vector<16xf32>
    %swap3A_83 = vector.shape_cast %broadcast_in_dim3A_0 : vector<16xf32> to vector<1x16xf32>
    tpu.vector_store %arg11[%swap3A_79, %swap3A_80], %swap3A_83 {strides = array<i32>} : memref<8x64xf32, #tpu.memory_space<vmem>>, vector<1x16xf32>,
    %swap3A_84 = arith.constant 3 : i32
    %swap3A_85 = arith.index_cast %swap3A_84 : i32 to index
    %swap3A_86 = arith.constant 32 : index
    %swap3A_87 = tpu.vector_load %arg11[%swap3A_85, %swap3A_86] {strides = array<i32>} : memref<8x64xf32, #tpu.memory_space<vmem>>, vector<1x16xf32>,
    %swap3A_88 = vector.shape_cast %swap3A_87 : vector<1x16xf32> to vector<16xf32>
    %swap3A_89 = vector.shape_cast %broadcast_in_dim3A_0 : vector<16xf32> to vector<1x16xf32>
    tpu.vector_store %arg11[%swap3A_85, %swap3A_86], %swap3A_89 {strides = array<i32>} : memref<8x64xf32, #tpu.memory_space<vmem>>, vector<1x16xf32>,
    %swap3A_90 = arith.constant 3 : i32
    %swap3A_91 = arith.index_cast %swap3A_90 : i32 to index
    %swap3A_92 = arith.constant 48 : index
    %swap3A_93 = tpu.vector_load %arg11[%swap3A_91, %swap3A_92] {strides = array<i32>} : memref<8x64xf32, #tpu.memory_space<vmem>>, vector<1x16xf32>,
    %swap3A_94 = vector.shape_cast %swap3A_93 : vector<1x16xf32> to vector<16xf32>
    %swap3A_95 = vector.shape_cast %broadcast_in_dim3A_0 : vector<16xf32> to vector<1x16xf32>
    tpu.vector_store %arg11[%swap3A_91, %swap3A_92], %swap3A_95 {strides = array<i32>} : memref<8x64xf32, #tpu.memory_space<vmem>>, vector<1x16xf32>,
    %swap3A_96 = arith.constant 4 : i32
    %swap3A_97 = arith.index_cast %swap3A_96 : i32 to index
    %swap3A_98 = arith.constant 0 : index
    %swap3A_99 = tpu.vector_load %arg11[%swap3A_97, %swap3A_98] {strides = array<i32>} : memref<8x64xf32, #tpu.memory_space<vmem>>, vector<1x16xf32>,
    %swap3A_100 = vector.shape_cast %swap3A_99 : vector<1x16xf32> to vector<16xf32>
    %swap3A_101 = vector.shape_cast %broadcast_in_dim3A_0 : vector<16xf32> to vector<1x16xf32>
    tpu.vector_store %arg11[%swap3A_97, %swap3A_98], %swap3A_101 {strides = array<i32>} : memref<8x64xf32, #tpu.memory_space<vmem>>, vector<1x16xf32>,
    %swap3A_102 = arith.constant 4 : i32
    %swap3A_103 = arith.index_cast %swap3A_102 : i32 to index
    %swap3A_104 = arith.constant 16 : index
    %swap3A_105 = tpu.vector_load %arg11[%swap3A_103, %swap3A_104] {strides = array<i32>} : memref<8x64xf32, #tpu.memory_space<vmem>>, vector<1x16xf32>,
    %swap3A_106 = vector.shape_cast %swap3A_105 : vector<1x16xf32> to vector<16xf32>
    %swap3A_107 = vector.shape_cast %broadcast_in_dim3A_0 : vector<16xf32> to vector<1x16xf32>
    tpu.vector_store %arg11[%swap3A_103, %swap3A_104], %swap3A_107 {strides = array<i32>} : memref<8x64xf32, #tpu.memory_space<vmem>>, vector<1x16xf32>,
    %swap3A_108 = arith.constant 4 : i32
    %swap3A_109 = arith.index_cast %swap3A_108 : i32 to index
    %swap3A_110 = arith.constant 32 : index
    %swap3A_111 = tpu.vector_load %arg11[%swap3A_109, %swap3A_110] {strides = array<i32>} : memref<8x64xf32, #tpu.memory_space<vmem>>, vector<1x16xf32>,
    %swap3A_112 = vector.shape_cast %swap3A_111 : vector<1x16xf32> to vector<16xf32>
    %swap3A_113 = vector.shape_cast %broadcast_in_dim3A_0 : vector<16xf32> to vector<1x16xf32>
    tpu.vector_store %arg11[%swap3A_109, %swap3A_110], %swap3A_113 {strides = array<i32>} : memref<8x64xf32, #tpu.memory_space<vmem>>, vector<1x16xf32>,
    %swap3A_114 = arith.constant 4 : i32
    %swap3A_115 = arith.index_cast %swap3A_114 : i32 to index
    %swap3A_116 = arith.constant 48 : index
    %swap3A_117 = tpu.vector_load %arg11[%swap3A_115, %swap3A_116] {strides = array<i32>} : memref<8x64xf32, #tpu.memory_space<vmem>>, vector<1x16xf32>,
    %swap3A_118 = vector.shape_cast %swap3A_117 : vector<1x16xf32> to vector<16xf32>
    %swap3A_119 = vector.shape_cast %broadcast_in_dim3A_0 : vector<16xf32> to vector<1x16xf32>
    tpu.vector_store %arg11[%swap3A_115, %swap3A_116], %swap3A_119 {strides = array<i32>} : memref<8x64xf32, #tpu.memory_space<vmem>>, vector<1x16xf32>,
    %swap3A_120 = arith.constant 5 : i32
    %swap3A_121 = arith.index_cast %swap3A_120 : i32 to index
    %swap3A_122 = arith.constant 0 : index
    %swap3A_123 = tpu.vector_load %arg11[%swap3A_121, %swap3A_122] {strides = array<i32>} : memref<8x64xf32, #tpu.memory_space<vmem>>, vector<1x16xf32>,
    %swap3A_124 = vector.shape_cast %swap3A_123 : vector<1x16xf32> to vector<16xf32>
    %swap3A_125 = vector.shape_cast %broadcast_in_dim3A_0 : vector<16xf32> to vector<1x16xf32>
    tpu.vector_store %arg11[%swap3A_121, %swap3A_122], %swap3A_125 {strides = array<i32>} : memref<8x64xf32, #tpu.memory_space<vmem>>, vector<1x16xf32>,
    %swap3A_126 = arith.constant 5 : i32
    %swap3A_127 = arith.index_cast %swap3A_126 : i32 to index
    %swap3A_128 = arith.constant 16 : index
    %swap3A_129 = tpu.vector_load %arg11[%swap3A_127, %swap3A_128] {strides = array<i32>} : memref<8x64xf32, #tpu.memory_space<vmem>>, vector<1x16xf32>,
    %swap3A_130 = vector.shape_cast %swap3A_129 : vector<1x16xf32> to vector<16xf32>
    %swap3A_131 = vector.shape_cast %broadcast_in_dim3A_0 : vector<16xf32> to vector<1x16xf32>
    tpu.vector_store %arg11[%swap3A_127, %swap3A_128], %swap3A_131 {strides = array<i32>} : memref<8x64xf32, #tpu.memory_space<vmem>>, vector<1x16xf32>,
    %swap3A_132 = arith.constant 5 : i32
    %swap3A_133 = arith.index_cast %swap3A_132 : i32 to index
    %swap3A_134 = arith.constant 32 : index
    %swap3A_135 = tpu.vector_load %arg11[%swap3A_133, %swap3A_134] {strides = array<i32>} : memref<8x64xf32, #tpu.memory_space<vmem>>, vector<1x16xf32>,
    %swap3A_136 = vector.shape_cast %swap3A_135 : vector<1x16xf32> to vector<16xf32>
    %swap3A_137 = vector.shape_cast %broadcast_in_dim3A_0 : vector<16xf32> to vector<1x16xf32>
    tpu.vector_store %arg11[%swap3A_133, %swap3A_134], %swap3A_137 {strides = array<i32>} : memref<8x64xf32, #tpu.memory_space<vmem>>, vector<1x16xf32>,
    %swap3A_138 = arith.constant 5 : i32
    %swap3A_139 = arith.index_cast %swap3A_138 : i32 to index
    %swap3A_140 = arith.constant 48 : index
    %swap3A_141 = tpu.vector_load %arg11[%swap3A_139, %swap3A_140] {strides = array<i32>} : memref<8x64xf32, #tpu.memory_space<vmem>>, vector<1x16xf32>,
    %swap3A_142 = vector.shape_cast %swap3A_141 : vector<1x16xf32> to vector<16xf32>
    %swap3A_143 = vector.shape_cast %broadcast_in_dim3A_0 : vector<16xf32> to vector<1x16xf32>
    tpu.vector_store %arg11[%swap3A_139, %swap3A_140], %swap3A_143 {strides = array<i32>} : memref<8x64xf32, #tpu.memory_space<vmem>>, vector<1x16xf32>,
    %swap3A_144 = arith.constant 6 : i32
    %swap3A_145 = arith.index_cast %swap3A_144 : i32 to index
    %swap3A_146 = arith.constant 0 : index
    %swap3A_147 = tpu.vector_load %arg11[%swap3A_145, %swap3A_146] {strides = array<i32>} : memref<8x64xf32, #tpu.memory_space<vmem>>, vector<1x16xf32>,
    %swap3A_148 = vector.shape_cast %swap3A_147 : vector<1x16xf32> to vector<16xf32>
    %swap3A_149 = vector.shape_cast %broadcast_in_dim3A_0 : vector<16xf32> to vector<1x16xf32>
    tpu.vector_store %arg11[%swap3A_145, %swap3A_146], %swap3A_149 {strides = array<i32>} : memref<8x64xf32, #tpu.memory_space<vmem>>, vector<1x16xf32>,
    %swap3A_150 = arith.constant 6 : i32
    %swap3A_151 = arith.index_cast %swap3A_150 : i32 to index
    %swap3A_152 = arith.constant 16 : index
    %swap3A_153 = tpu.vector_load %arg11[%swap3A_151, %swap3A_152] {strides = array<i32>} : memref<8x64xf32, #tpu.memory_space<vmem>>, vector<1x16xf32>,
    %swap3A_154 = vector.shape_cast %swap3A_153 : vector<1x16xf32> to vector<16xf32>
    %swap3A_155 = vector.shape_cast %broadcast_in_dim3A_0 : vector<16xf32> to vector<1x16xf32>
    tpu.vector_store %arg11[%swap3A_151, %swap3A_152], %swap3A_155 {strides = array<i32>} : memref<8x64xf32, #tpu.memory_space<vmem>>, vector<1x16xf32>,
    %swap3A_156 = arith.constant 6 : i32
    %swap3A_157 = arith.index_cast %swap3A_156 : i32 to index
    %swap3A_158 = arith.constant 32 : index
    %swap3A_159 = tpu.vector_load %arg11[%swap3A_157, %swap3A_158] {strides = array<i32>} : memref<8x64xf32, #tpu.memory_space<vmem>>, vector<1x16xf32>,
    %swap3A_160 = vector.shape_cast %swap3A_159 : vector<1x16xf32> to vector<16xf32>
    %swap3A_161 = vector.shape_cast %broadcast_in_dim3A_0 : vector<16xf32> to vector<1x16xf32>
    tpu.vector_store %arg11[%swap3A_157, %swap3A_158], %swap3A_161 {strides = array<i32>} : memref<8x64xf32, #tpu.memory_space<vmem>>, vector<1x16xf32>,
    %swap3A_162 = arith.constant 6 : i32
    %swap3A_163 = arith.index_cast %swap3A_162 : i32 to index
    %swap3A_164 = arith.constant 48 : index
    %swap3A_165 = tpu.vector_load %arg11[%swap3A_163, %swap3A_164] {strides = array<i32>} : memref<8x64xf32, #tpu.memory_space<vmem>>, vector<1x16xf32>,
    %swap3A_166 = vector.shape_cast %swap3A_165 : vector<1x16xf32> to vector<16xf32>
    %swap3A_167 = vector.shape_cast %broadcast_in_dim3A_0 : vector<16xf32> to vector<1x16xf32>
    tpu.vector_store %arg11[%swap3A_163, %swap3A_164], %swap3A_167 {strides = array<i32>} : memref<8x64xf32, #tpu.memory_space<vmem>>, vector<1x16xf32>,
    %swap3A_168 = arith.constant 7 : i32
    %swap3A_169 = arith.index_cast %swap3A_168 : i32 to index
    %swap3A_170 = arith.constant 0 : index
    %swap3A_171 = tpu.vector_load %arg11[%swap3A_169, %swap3A_170] {strides = array<i32>} : memref<8x64xf32, #tpu.memory_space<vmem>>, vector<1x16xf32>,
    %swap3A_172 = vector.shape_cast %swap3A_171 : vector<1x16xf32> to vector<16xf32>
    %swap3A_173 = vector.shape_cast %broadcast_in_dim3A_0 : vector<16xf32> to vector<1x16xf32>
    tpu.vector_store %arg11[%swap3A_169, %swap3A_170], %swap3A_173 {strides = array<i32>} : memref<8x64xf32, #tpu.memory_space<vmem>>, vector<1x16xf32>,
    %swap3A_174 = arith.constant 7 : i32
    %swap3A_175 = arith.index_cast %swap3A_174 : i32 to index
    %swap3A_176 = arith.constant 16 : index
    %swap3A_177 = tpu.vector_load %arg11[%swap3A_175, %swap3A_176] {strides = array<i32>} : memref<8x64xf32, #tpu.memory_space<vmem>>, vector<1x16xf32>,
    %swap3A_178 = vector.shape_cast %swap3A_177 : vector<1x16xf32> to vector<16xf32>
    %swap3A_179 = vector.shape_cast %broadcast_in_dim3A_0 : vector<16xf32> to vector<1x16xf32>
    tpu.vector_store %arg11[%swap3A_175, %swap3A_176], %swap3A_179 {strides = array<i32>} : memref<8x64xf32, #tpu.memory_space<vmem>>, vector<1x16xf32>,
    %swap3A_180 = arith.constant 7 : i32
    %swap3A_181 = arith.index_cast %swap3A_180 : i32 to index
    %swap3A_182 = arith.constant 32 : index
    %swap3A_183 = tpu.vector_load %arg11[%swap3A_181, %swap3A_182] {strides = array<i32>} : memref<8x64xf32, #tpu.memory_space<vmem>>, vector<1x16xf32>,
    %swap3A_184 = vector.shape_cast %swap3A_183 : vector<1x16xf32> to vector<16xf32>
    %swap3A_185 = vector.shape_cast %broadcast_in_dim3A_0 : vector<16xf32> to vector<1x16xf32>
    tpu.vector_store %arg11[%swap3A_181, %swap3A_182], %swap3A_185 {strides = array<i32>} : memref<8x64xf32, #tpu.memory_space<vmem>>, vector<1x16xf32>,
    %swap3A_186 = arith.constant 7 : i32
    %swap3A_187 = arith.index_cast %swap3A_186 : i32 to index
    %swap3A_188 = arith.constant 48 : index
    %swap3A_189 = tpu.vector_load %arg11[%swap3A_187, %swap3A_188] {strides = array<i32>} : memref<8x64xf32, #tpu.memory_space<vmem>>, vector<1x16xf32>,
    %swap3A_190 = vector.shape_cast %swap3A_189 : vector<1x16xf32> to vector<16xf32>
    %swap3A_191 = vector.shape_cast %broadcast_in_dim3A_0 : vector<16xf32> to vector<1x16xf32>
    tpu.vector_store %arg11[%swap3A_187, %swap3A_188], %swap3A_191 {strides = array<i32>} : memref<8x64xf32, #tpu.memory_space<vmem>>, vector<1x16xf32>,
    %mul3A = arith.constant 8 : i32
    %mul3A_192 = arith.muli %arg1, %mul3A : i32
    "tpu.region"() ({
      %run_scoped3A = tpu.sem_alloc : memref<!tpu.dma_semaphore, #tpu.memory_space<semaphore_mem>>
      %dma_start3A_238 = arith.constant 0 : i32
      %dma_start3A_239 = tpu.memref_slice %arg12[%mul3A_192, %dma_start3A_238] : memref<128x64xf32, #tpu.memory_space<vmem_shared>> -> memref<8x64xf32, #tpu.memory_space<vmem_shared>>
      %dma_start3A_240 = arith.constant 0 : i32
      %dma_start3A_241 = tpu.memref_slice %arg12[%mul3A_192, %dma_start3A_240] : memref<128x64xf32, #tpu.memory_space<vmem_shared>> -> memref<8x64xf32, #tpu.memory_space<vmem_shared>>
      tpu.enqueue_dma source(%arg11 : memref<8x64xf32, #tpu.memory_space<vmem>>) target(%dma_start3A_241 : memref<8x64xf32, #tpu.memory_space<vmem_shared>>) target_semaphore(%run_scoped3A : memref<!tpu.dma_semaphore, #tpu.memory_space<semaphore_mem>>)
      %dma_wait3A_242 = arith.constant 0 : i32
      %dma_wait3A_243 = tpu.memref_slice %arg12[%mul3A_192, %dma_wait3A_242] : memref<128x64xf32, #tpu.memory_space<vmem_shared>> -> memref<8x64xf32, #tpu.memory_space<vmem_shared>>
      %dma_wait3A_244 = arith.constant 0 : i32
      %dma_wait3A_245 = tpu.memref_slice %arg12[%mul3A_192, %dma_wait3A_244] : memref<128x64xf32, #tpu.memory_space<vmem_shared>> -> memref<8x64xf32, #tpu.memory_space<vmem_shared>>
      tpu.wait_dma2 semaphore(%run_scoped3A : memref<!tpu.dma_semaphore, #tpu.memory_space<semaphore_mem>>) src(%arg11 : memref<8x64xf32, #tpu.memory_space<vmem>>) dst(%dma_wait3A_245 : memref<8x64xf32, #tpu.memory_space<vmem_shared>>)
      tpu.yield
    }) : () -> ()
    %mul3A_193 = arith.constant 16 : i32
    %mul3A_194 = arith.muli %arg0, %mul3A_193 : i32
    %add3A = arith.addi %mul3A_194, %arg1 : i32
    %mul3A_195 = arith.constant 2048 : i32
    %mul3A_196 = arith.muli %add3A, %mul3A_195 : i32
    %mul3A_197 = arith.constant 16 : i32
    %mul3A_198 = arith.muli %add3A, %mul3A_197 : i32
    %multiple_of3A = tpu.assume_multiple %mul3A_198, 8 : i32
    "tpu.region"() ({
      %run_scoped3A = tpu.sem_alloc : memref<!tpu.dma_semaphore, #tpu.memory_space<semaphore_mem>>
      %dma_start3A_238 = arith.constant 0 : i32
      %dma_start3A_239 = tpu.memref_slice %arg3[%multiple_of3A, %dma_start3A_238] : memref<512x128xi32, #tpu.memory_space<hbm>> -> memref<16x128xi32, #tpu.memory_space<hbm>>
      %dma_start3A_240 = arith.constant 0 : i32
      %dma_start3A_241 = tpu.memref_slice %arg3[%multiple_of3A, %dma_start3A_240] : memref<512x128xi32, #tpu.memory_space<hbm>> -> memref<16x128xi32, #tpu.memory_space<hbm>>
      tpu.enqueue_dma source(%dma_start3A_241 : memref<16x128xi32, #tpu.memory_space<hbm>>) target(%arg8 : memref<16x128xi32, #tpu.memory_space<vmem>>) target_semaphore(%run_scoped3A : memref<!tpu.dma_semaphore, #tpu.memory_space<semaphore_mem>>)
      %dma_wait3A_242 = arith.constant 0 : i32
      %dma_wait3A_243 = tpu.memref_slice %arg3[%multiple_of3A, %dma_wait3A_242] : memref<512x128xi32, #tpu.memory_space<hbm>> -> memref<16x128xi32, #tpu.memory_space<hbm>>
      %dma_wait3A_244 = arith.constant 0 : i32
      %dma_wait3A_245 = tpu.memref_slice %arg3[%multiple_of3A, %dma_wait3A_244] : memref<512x128xi32, #tpu.memory_space<hbm>> -> memref<16x128xi32, #tpu.memory_space<hbm>>
      tpu.wait_dma2 semaphore(%run_scoped3A : memref<!tpu.dma_semaphore, #tpu.memory_space<semaphore_mem>>) src(%dma_wait3A_245 : memref<16x128xi32, #tpu.memory_space<hbm>>) dst(%arg8 : memref<16x128xi32, #tpu.memory_space<vmem>>)
      tpu.yield
    }) : () -> ()
    "tpu.region"() ({
      %run_scoped3A = tpu.sem_alloc : memref<!tpu.dma_semaphore, #tpu.memory_space<semaphore_mem>>
      %dma_start3A_238 = arith.constant 0 : i32
      %dma_start3A_239 = tpu.memref_slice %arg4[%multiple_of3A, %dma_start3A_238] : memref<512x128xi32, #tpu.memory_space<hbm>> -> memref<16x128xi32, #tpu.memory_space<hbm>>
      %dma_start3A_240 = arith.constant 0 : i32
      %dma_start3A_241 = tpu.memref_slice %arg4[%multiple_of3A, %dma_start3A_240] : memref<512x128xi32, #tpu.memory_space<hbm>> -> memref<16x128xi32, #tpu.memory_space<hbm>>
      tpu.enqueue_dma source(%dma_start3A_241 : memref<16x128xi32, #tpu.memory_space<hbm>>) target(%arg9 : memref<16x128xi32, #tpu.memory_space<vmem>>) target_semaphore(%run_scoped3A : memref<!tpu.dma_semaphore, #tpu.memory_space<semaphore_mem>>)
      %dma_wait3A_242 = arith.constant 0 : i32
      %dma_wait3A_243 = tpu.memref_slice %arg4[%multiple_of3A, %dma_wait3A_242] : memref<512x128xi32, #tpu.memory_space<hbm>> -> memref<16x128xi32, #tpu.memory_space<hbm>>
      %dma_wait3A_244 = arith.constant 0 : i32
      %dma_wait3A_245 = tpu.memref_slice %arg4[%multiple_of3A, %dma_wait3A_244] : memref<512x128xi32, #tpu.memory_space<hbm>> -> memref<16x128xi32, #tpu.memory_space<hbm>>
      tpu.wait_dma2 semaphore(%run_scoped3A : memref<!tpu.dma_semaphore, #tpu.memory_space<semaphore_mem>>) src(%dma_wait3A_245 : memref<16x128xi32, #tpu.memory_space<hbm>>) dst(%arg9 : memref<16x128xi32, #tpu.memory_space<vmem>>)
      tpu.yield
    }) : () -> ()
    %scan3A = arith.constant 0 : i32
    %scan3A_199 = arith.constant 0 : i32
    %scan3A_200 = arith.constant 16 : i32
    %scan3A_201 = arith.addi %scan3A_199, %scan3A_200 : i32
    %scan3A_202 = arith.constant 1 : i32
    scf.for %scan3A_238 = %scan3A_199 to %scan3A_201 step %scan3A_202  : i32 {
      %get3A = arith.index_cast %scan3A_238 : i32 to index
      %get3A_239 = arith.constant 0 : index
      %get3A_240 = tpu.vector_load %arg9[%get3A, %get3A_239] {strides = array<i32>} : memref<16x128xi32, #tpu.memory_space<vmem>>, vector<1x16xi32>,
      %get3A_241 = vector.shape_cast %get3A_240 : vector<1x16xi32> to vector<16xi32>
      %mul3A_242 = arith.constant 16 : i32
      %mul3A_243 = vector.broadcast %mul3A_242 : i32 to vector<16xi32>
      %mul3A_244 = arith.muli %get3A_241, %mul3A_243 : vector<16xi32>
      %get3A_245 = arith.index_cast %scan3A_238 : i32 to index
      %get3A_246 = arith.constant 0 : index
      %get3A_247 = tpu.vector_load %arg8[%get3A_245, %get3A_246] {strides = array<i32>} : memref<16x128xi32, #tpu.memory_space<vmem>>, vector<1x16xi32>,
      %get3A_248 = vector.shape_cast %get3A_247 : vector<1x16xi32> to vector<16xi32>
      %add3A_249 = arith.addi %mul3A_244, %get3A_248 : vector<16xi32>
      %swap3A_250 = arith.index_cast %scan3A_238 : i32 to index
      %swap3A_251 = arith.constant 0 : index
      %swap3A_252 = tpu.vector_load %arg10[%swap3A_250, %swap3A_251] {strides = array<i32>} : memref<16x128xi32, #tpu.memory_space<vmem>>, vector<1x16xi32>,
      %swap3A_253 = vector.shape_cast %swap3A_252 : vector<1x16xi32> to vector<16xi32>
      %swap3A_254 = vector.shape_cast %add3A_249 : vector<16xi32> to vector<1x16xi32>
      tpu.vector_store %arg10[%swap3A_250, %swap3A_251], %swap3A_254 {strides = array<i32>} : memref<16x128xi32, #tpu.memory_space<vmem>>, vector<1x16xi32>,
      %get3A_255 = arith.index_cast %scan3A_238 : i32 to index
      %get3A_256 = arith.constant 16 : index
      %get3A_257 = tpu.vector_load %arg9[%get3A_255, %get3A_256] {strides = array<i32>} : memref<16x128xi32, #tpu.memory_space<vmem>>, vector<1x16xi32>,
      %get3A_258 = vector.shape_cast %get3A_257 : vector<1x16xi32> to vector<16xi32>
      %mul3A_259 = arith.constant 16 : i32
      %mul3A_260 = vector.broadcast %mul3A_259 : i32 to vector<16xi32>
      %mul3A_261 = arith.muli %get3A_258, %mul3A_260 : vector<16xi32>
      %get3A_262 = arith.index_cast %scan3A_238 : i32 to index
      %get3A_263 = arith.constant 16 : index
      %get3A_264 = tpu.vector_load %arg8[%get3A_262, %get3A_263] {strides = array<i32>} : memref<16x128xi32, #tpu.memory_space<vmem>>, vector<1x16xi32>,
      %get3A_265 = vector.shape_cast %get3A_264 : vector<1x16xi32> to vector<16xi32>
      %add3A_266 = arith.addi %mul3A_261, %get3A_265 : vector<16xi32>
      %swap3A_267 = arith.index_cast %scan3A_238 : i32 to index
      %swap3A_268 = arith.constant 16 : index
      %swap3A_269 = tpu.vector_load %arg10[%swap3A_267, %swap3A_268] {strides = array<i32>} : memref<16x128xi32, #tpu.memory_space<vmem>>, vector<1x16xi32>,
      %swap3A_270 = vector.shape_cast %swap3A_269 : vector<1x16xi32> to vector<16xi32>
      %swap3A_271 = vector.shape_cast %add3A_266 : vector<16xi32> to vector<1x16xi32>
      tpu.vector_store %arg10[%swap3A_267, %swap3A_268], %swap3A_271 {strides = array<i32>} : memref<16x128xi32, #tpu.memory_space<vmem>>, vector<1x16xi32>,
      %get3A_272 = arith.index_cast %scan3A_238 : i32 to index
      %get3A_273 = arith.constant 32 : index
      %get3A_274 = tpu.vector_load %arg9[%get3A_272, %get3A_273] {strides = array<i32>} : memref<16x128xi32, #tpu.memory_space<vmem>>, vector<1x16xi32>,
      %get3A_275 = vector.shape_cast %get3A_274 : vector<1x16xi32> to vector<16xi32>
      %mul3A_276 = arith.constant 16 : i32
      %mul3A_277 = vector.broadcast %mul3A_276 : i32 to vector<16xi32>
      %mul3A_278 = arith.muli %get3A_275, %mul3A_277 : vector<16xi32>
      %get3A_279 = arith.index_cast %scan3A_238 : i32 to index
      %get3A_280 = arith.constant 32 : index
      %get3A_281 = tpu.vector_load %arg8[%get3A_279, %get3A_280] {strides = array<i32>} : memref<16x128xi32, #tpu.memory_space<vmem>>, vector<1x16xi32>,
      %get3A_282 = vector.shape_cast %get3A_281 : vector<1x16xi32> to vector<16xi32>
      %add3A_283 = arith.addi %mul3A_278, %get3A_282 : vector<16xi32>
      %swap3A_284 = arith.index_cast %scan3A_238 : i32 to index
      %swap3A_285 = arith.constant 32 : index
      %swap3A_286 = tpu.vector_load %arg10[%swap3A_284, %swap3A_285] {strides = array<i32>} : memref<16x128xi32, #tpu.memory_space<vmem>>, vector<1x16xi32>,
      %swap3A_287 = vector.shape_cast %swap3A_286 : vector<1x16xi32> to vector<16xi32>
      %swap3A_288 = vector.shape_cast %add3A_283 : vector<16xi32> to vector<1x16xi32>
      tpu.vector_store %arg10[%swap3A_284, %swap3A_285], %swap3A_288 {strides = array<i32>} : memref<16x128xi32, #tpu.memory_space<vmem>>, vector<1x16xi32>,
      %get3A_289 = arith.index_cast %scan3A_238 : i32 to index
      %get3A_290 = arith.constant 48 : index
      %get3A_291 = tpu.vector_load %arg9[%get3A_289, %get3A_290] {strides = array<i32>} : memref<16x128xi32, #tpu.memory_space<vmem>>, vector<1x16xi32>,
      %get3A_292 = vector.shape_cast %get3A_291 : vector<1x16xi32> to vector<16xi32>
      %mul3A_293 = arith.constant 16 : i32
      %mul3A_294 = vector.broadcast %mul3A_293 : i32 to vector<16xi32>
      %mul3A_295 = arith.muli %get3A_292, %mul3A_294 : vector<16xi32>
      %get3A_296 = arith.index_cast %scan3A_238 : i32 to index
      %get3A_297 = arith.constant 48 : index
      %get3A_298 = tpu.vector_load %arg8[%get3A_296, %get3A_297] {strides = array<i32>} : memref<16x128xi32, #tpu.memory_space<vmem>>, vector<1x16xi32>,
      %get3A_299 = vector.shape_cast %get3A_298 : vector<1x16xi32> to vector<16xi32>
      %add3A_300 = arith.addi %mul3A_295, %get3A_299 : vector<16xi32>
      %swap3A_301 = arith.index_cast %scan3A_238 : i32 to index
      %swap3A_302 = arith.constant 48 : index
      %swap3A_303 = tpu.vector_load %arg10[%swap3A_301, %swap3A_302] {strides = array<i32>} : memref<16x128xi32, #tpu.memory_space<vmem>>, vector<1x16xi32>,
      %swap3A_304 = vector.shape_cast %swap3A_303 : vector<1x16xi32> to vector<16xi32>
      %swap3A_305 = vector.shape_cast %add3A_300 : vector<16xi32> to vector<1x16xi32>
      tpu.vector_store %arg10[%swap3A_301, %swap3A_302], %swap3A_305 {strides = array<i32>} : memref<16x128xi32, #tpu.memory_space<vmem>>, vector<1x16xi32>,
      %get3A_306 = arith.index_cast %scan3A_238 : i32 to index
      %get3A_307 = arith.constant 64 : index
      %get3A_308 = tpu.vector_load %arg9[%get3A_306, %get3A_307] {strides = array<i32>} : memref<16x128xi32, #tpu.memory_space<vmem>>, vector<1x16xi32>,
      %get3A_309 = vector.shape_cast %get3A_308 : vector<1x16xi32> to vector<16xi32>
      %mul3A_310 = arith.constant 16 : i32
      %mul3A_311 = vector.broadcast %mul3A_310 : i32 to vector<16xi32>
      %mul3A_312 = arith.muli %get3A_309, %mul3A_311 : vector<16xi32>
      %get3A_313 = arith.index_cast %scan3A_238 : i32 to index
      %get3A_314 = arith.constant 64 : index
      %get3A_315 = tpu.vector_load %arg8[%get3A_313, %get3A_314] {strides = array<i32>} : memref<16x128xi32, #tpu.memory_space<vmem>>, vector<1x16xi32>,
      %get3A_316 = vector.shape_cast %get3A_315 : vector<1x16xi32> to vector<16xi32>
      %add3A_317 = arith.addi %mul3A_312, %get3A_316 : vector<16xi32>
      %swap3A_318 = arith.index_cast %scan3A_238 : i32 to index
      %swap3A_319 = arith.constant 64 : index
      %swap3A_320 = tpu.vector_load %arg10[%swap3A_318, %swap3A_319] {strides = array<i32>} : memref<16x128xi32, #tpu.memory_space<vmem>>, vector<1x16xi32>,
      %swap3A_321 = vector.shape_cast %swap3A_320 : vector<1x16xi32> to vector<16xi32>
      %swap3A_322 = vector.shape_cast %add3A_317 : vector<16xi32> to vector<1x16xi32>
      tpu.vector_store %arg10[%swap3A_318, %swap3A_319], %swap3A_322 {strides = array<i32>} : memref<16x128xi32, #tpu.memory_space<vmem>>, vector<1x16xi32>,
      %get3A_323 = arith.index_cast %scan3A_238 : i32 to index
      %get3A_324 = arith.constant 80 : index
      %get3A_325 = tpu.vector_load %arg9[%get3A_323, %get3A_324] {strides = array<i32>} : memref<16x128xi32, #tpu.memory_space<vmem>>, vector<1x16xi32>,
      %get3A_326 = vector.shape_cast %get3A_325 : vector<1x16xi32> to vector<16xi32>
      %mul3A_327 = arith.constant 16 : i32
      %mul3A_328 = vector.broadcast %mul3A_327 : i32 to vector<16xi32>
      %mul3A_329 = arith.muli %get3A_326, %mul3A_328 : vector<16xi32>
      %get3A_330 = arith.index_cast %scan3A_238 : i32 to index
      %get3A_331 = arith.constant 80 : index
      %get3A_332 = tpu.vector_load %arg8[%get3A_330, %get3A_331] {strides = array<i32>} : memref<16x128xi32, #tpu.memory_space<vmem>>, vector<1x16xi32>,
      %get3A_333 = vector.shape_cast %get3A_332 : vector<1x16xi32> to vector<16xi32>
      %add3A_334 = arith.addi %mul3A_329, %get3A_333 : vector<16xi32>
      %swap3A_335 = arith.index_cast %scan3A_238 : i32 to index
      %swap3A_336 = arith.constant 80 : index
      %swap3A_337 = tpu.vector_load %arg10[%swap3A_335, %swap3A_336] {strides = array<i32>} : memref<16x128xi32, #tpu.memory_space<vmem>>, vector<1x16xi32>,
      %swap3A_338 = vector.shape_cast %swap3A_337 : vector<1x16xi32> to vector<16xi32>
      %swap3A_339 = vector.shape_cast %add3A_334 : vector<16xi32> to vector<1x16xi32>
      tpu.vector_store %arg10[%swap3A_335, %swap3A_336], %swap3A_339 {strides = array<i32>} : memref<16x128xi32, #tpu.memory_space<vmem>>, vector<1x16xi32>,
      %get3A_340 = arith.index_cast %scan3A_238 : i32 to index
      %get3A_341 = arith.constant 96 : index
      %get3A_342 = tpu.vector_load %arg9[%get3A_340, %get3A_341] {strides = array<i32>} : memref<16x128xi32, #tpu.memory_space<vmem>>, vector<1x16xi32>,
      %get3A_343 = vector.shape_cast %get3A_342 : vector<1x16xi32> to vector<16xi32>
      %mul3A_344 = arith.constant 16 : i32
      %mul3A_345 = vector.broadcast %mul3A_344 : i32 to vector<16xi32>
      %mul3A_346 = arith.muli %get3A_343, %mul3A_345 : vector<16xi32>
      %get3A_347 = arith.index_cast %scan3A_238 : i32 to index
      %get3A_348 = arith.constant 96 : index
      %get3A_349 = tpu.vector_load %arg8[%get3A_347, %get3A_348] {strides = array<i32>} : memref<16x128xi32, #tpu.memory_space<vmem>>, vector<1x16xi32>,
      %get3A_350 = vector.shape_cast %get3A_349 : vector<1x16xi32> to vector<16xi32>
      %add3A_351 = arith.addi %mul3A_346, %get3A_350 : vector<16xi32>
      %swap3A_352 = arith.index_cast %scan3A_238 : i32 to index
      %swap3A_353 = arith.constant 96 : index
      %swap3A_354 = tpu.vector_load %arg10[%swap3A_352, %swap3A_353] {strides = array<i32>} : memref<16x128xi32, #tpu.memory_space<vmem>>, vector<1x16xi32>,
      %swap3A_355 = vector.shape_cast %swap3A_354 : vector<1x16xi32> to vector<16xi32>
      %swap3A_356 = vector.shape_cast %add3A_351 : vector<16xi32> to vector<1x16xi32>
      tpu.vector_store %arg10[%swap3A_352, %swap3A_353], %swap3A_356 {strides = array<i32>} : memref<16x128xi32, #tpu.memory_space<vmem>>, vector<1x16xi32>,
      %get3A_357 = arith.index_cast %scan3A_238 : i32 to index
      %get3A_358 = arith.constant 112 : index
      %get3A_359 = tpu.vector_load %arg9[%get3A_357, %get3A_358] {strides = array<i32>} : memref<16x128xi32, #tpu.memory_space<vmem>>, vector<1x16xi32>,
      %get3A_360 = vector.shape_cast %get3A_359 : vector<1x16xi32> to vector<16xi32>
      %mul3A_361 = arith.constant 16 : i32
      %mul3A_362 = vector.broadcast %mul3A_361 : i32 to vector<16xi32>
      %mul3A_363 = arith.muli %get3A_360, %mul3A_362 : vector<16xi32>
      %get3A_364 = arith.index_cast %scan3A_238 : i32 to index
      %get3A_365 = arith.constant 112 : index
      %get3A_366 = tpu.vector_load %arg8[%get3A_364, %get3A_365] {strides = array<i32>} : memref<16x128xi32, #tpu.memory_space<vmem>>, vector<1x16xi32>,
      %get3A_367 = vector.shape_cast %get3A_366 : vector<1x16xi32> to vector<16xi32>
      %add3A_368 = arith.addi %mul3A_363, %get3A_367 : vector<16xi32>
      %swap3A_369 = arith.index_cast %scan3A_238 : i32 to index
      %swap3A_370 = arith.constant 112 : index
      %swap3A_371 = tpu.vector_load %arg10[%swap3A_369, %swap3A_370] {strides = array<i32>} : memref<16x128xi32, #tpu.memory_space<vmem>>, vector<1x16xi32>,
      %swap3A_372 = vector.shape_cast %swap3A_371 : vector<1x16xi32> to vector<16xi32>
      %swap3A_373 = vector.shape_cast %add3A_368 : vector<16xi32> to vector<1x16xi32>
      tpu.vector_store %arg10[%swap3A_369, %swap3A_370], %swap3A_373 {strides = array<i32>} : memref<16x128xi32, #tpu.memory_space<vmem>>, vector<1x16xi32>,
    }
    %scan3A_203 = arith.constant 16 : i32
    %barrier3A = arith.constant 0 : index
    tpu.barrier barrier_id(%barrier3A)
    %add3A_204 = arith.constant 0 : i32
    %add3A_205 = arith.addi %mul3A_196, %add3A_204 : i32
    %multiple_of3A_206 = tpu.assume_multiple %add3A_205, 256 : i32
    %dma_start3A = arith.constant 0 : i32
    %dma_start3A_207 = tpu.memref_slice %arg2[%multiple_of3A_206, %dma_start3A] : memref<65536x64xf32, #tpu.memory_space<hbm>> -> memref<256x64xf32, #tpu.memory_space<hbm>>
    %dma_start3A_208 = arith.constant 0 : i32
    %dma_start3A_209 = tpu.memref_slice %arg2[%multiple_of3A_206, %dma_start3A_208] : memref<65536x64xf32, #tpu.memory_space<hbm>> -> memref<256x64xf32, #tpu.memory_space<hbm>>
    tpu.enqueue_dma source(%dma_start3A_209 : memref<256x64xf32, #tpu.memory_space<hbm>>) target(%arg6 : memref<256x64xf32, #tpu.memory_space<vmem>>) target_semaphore(%arg13 : memref<!tpu.dma_semaphore, #tpu.memory_space<semaphore_mem>>)
    %scan3A_210 = arith.constant 0 : i32
    %scan3A_211 = arith.constant 0 : i32
    %scan3A_212 = arith.constant 4 : i32
    %scan3A_213 = arith.addi %scan3A_211, %scan3A_212 : i32
    %scan3A_214 = arith.constant 1 : i32
    scf.for %scan3A_238 = %scan3A_211 to %scan3A_213 step %scan3A_214  : i32 {
      %mul3A_239 = arith.constant 2 : i32
      %mul3A_240 = arith.muli %scan3A_238, %mul3A_239 : i32
      %add3A_241 = arith.constant 0 : i32
      %add3A_242 = arith.addi %mul3A_240, %add3A_241 : i32
      %mul3A_243 = arith.constant 256 : i32
      %mul3A_244 = arith.muli %add3A_242, %mul3A_243 : i32
      %add3A_245 = arith.addi %mul3A_196, %mul3A_244 : i32
      %multiple_of3A_246 = tpu.assume_multiple %add3A_245, 256 : i32
      %dma_wait3A_247 = arith.constant 0 : i32
      %dma_wait3A_248 = tpu.memref_slice %arg2[%multiple_of3A_246, %dma_wait3A_247] : memref<65536x64xf32, #tpu.memory_space<hbm>> -> memref<256x64xf32, #tpu.memory_space<hbm>>
      %dma_wait3A_249 = arith.constant 0 : i32
      %dma_wait3A_250 = tpu.memref_slice %arg2[%multiple_of3A_246, %dma_wait3A_249] : memref<65536x64xf32, #tpu.memory_space<hbm>> -> memref<256x64xf32, #tpu.memory_space<hbm>>
      tpu.wait_dma2 semaphore(%arg13 : memref<!tpu.dma_semaphore, #tpu.memory_space<semaphore_mem>>) src(%dma_wait3A_250 : memref<256x64xf32, #tpu.memory_space<hbm>>) dst(%arg6 : memref<256x64xf32, #tpu.memory_space<vmem>>)
      %ge3A = arith.constant 1 : i32
      %ge3A_251 = arith.cmpi sge, %add3A_242, %ge3A : i32
      %convert_element_type3A_252 = arith.extui %ge3A_251 : i1 to i32
      %cond3A_253 = arith.constant 0 : i32
      %cond3A_254 = arith.cmpi ne, %convert_element_type3A_252, %cond3A_253 : i32
      scf.if %cond3A_254 {
        %sub3A = arith.constant 1 : i32
        %sub3A_337 = arith.subi %add3A_242, %sub3A : i32
        %mul3A_338 = arith.constant 2 : i32
        %mul3A_339 = arith.muli %sub3A_337, %mul3A_338 : i32
        %add3A_340 = arith.constant 0 : i32
        %add3A_341 = arith.addi %mul3A_339, %add3A_340 : i32
        %dma_wait3A_342 = arith.constant 0 : i32
        %dma_wait3A_343 = arith.constant 0 : i32
        %dma_wait3A_344 = tpu.memref_slice %arg7[%dma_wait3A_342, %dma_wait3A_343] : memref<256x64xf32, #tpu.memory_space<vmem>> -> memref<128x64xf32, #tpu.memory_space<vmem>>
        %dma_wait3A_345 = arith.constant 0 : i32
        %dma_wait3A_346 = tpu.memref_slice %arg10[%add3A_341, %dma_wait3A_345] : memref<16x128xi32, #tpu.memory_space<vmem>> -> memref<1x128xi32, #tpu.memory_space<vmem>>
        %dma_wait3A_347 = tpu.memref_squeeze %dma_wait3A_346 : memref<1x128xi32, #tpu.memory_space<vmem>> -> memref<128xi32, #tpu.memory_space<vmem>>
        %dma_wait3A_348 = arith.constant 0 : i32
        %dma_wait3A_349 = arith.constant 0 : i32
        %dma_wait3A_350 = tpu.memref_slice %arg12[%dma_wait3A_348, %dma_wait3A_349] : memref<128x64xf32, #tpu.memory_space<vmem_shared>> -> memref<128x64xf32, #tpu.memory_space<vmem_shared>>
        tpu.wait_indirect_dma semaphore(%arg16 : memref<!tpu.dma_semaphore, #tpu.memory_space<semaphore_mem>>) src(%dma_wait3A_344 : memref<128x64xf32, #tpu.memory_space<vmem>>) dst(%dma_wait3A_350 : memref<128x64xf32, #tpu.memory_space<vmem_shared>>)
        %mul3A_351 = arith.constant 2 : i32
        %mul3A_352 = arith.muli %sub3A_337, %mul3A_351 : i32
        %add3A_353 = arith.constant 1 : i32
        %add3A_354 = arith.addi %mul3A_352, %add3A_353 : i32
        %dma_wait3A_355 = arith.constant 128 : i32
        %dma_wait3A_356 = arith.constant 0 : i32
        %dma_wait3A_357 = tpu.memref_slice %arg7[%dma_wait3A_355, %dma_wait3A_356] : memref<256x64xf32, #tpu.memory_space<vmem>> -> memref<128x64xf32, #tpu.memory_space<vmem>>
        %dma_wait3A_358 = arith.constant 0 : i32
        %dma_wait3A_359 = tpu.memref_slice %arg10[%add3A_354, %dma_wait3A_358] : memref<16x128xi32, #tpu.memory_space<vmem>> -> memref<1x128xi32, #tpu.memory_space<vmem>>
        %dma_wait3A_360 = tpu.memref_squeeze %dma_wait3A_359 : memref<1x128xi32, #tpu.memory_space<vmem>> -> memref<128xi32, #tpu.memory_space<vmem>>
        %dma_wait3A_361 = arith.constant 0 : i32
        %dma_wait3A_362 = arith.constant 0 : i32
        %dma_wait3A_363 = tpu.memref_slice %arg12[%dma_wait3A_361, %dma_wait3A_362] : memref<128x64xf32, #tpu.memory_space<vmem_shared>> -> memref<128x64xf32, #tpu.memory_space<vmem_shared>>
        tpu.wait_indirect_dma semaphore(%arg16 : memref<!tpu.dma_semaphore, #tpu.memory_space<semaphore_mem>>) src(%dma_wait3A_357 : memref<128x64xf32, #tpu.memory_space<vmem>>) dst(%dma_wait3A_363 : memref<128x64xf32, #tpu.memory_space<vmem_shared>>)
      } else {
      }
      %add3A_255 = arith.constant 1 : i32
      %add3A_256 = arith.addi %add3A_242, %add3A_255 : i32
      %lt3A = arith.constant 8 : i32
      %lt3A_257 = arith.cmpi slt, %add3A_256, %lt3A : i32
      %convert_element_type3A_258 = arith.extui %lt3A_257 : i1 to i32
      %cond3A_259 = arith.constant 0 : i32
      %cond3A_260 = arith.cmpi ne, %convert_element_type3A_258, %cond3A_259 : i32
      scf.if %cond3A_260 {
        %add3A_337 = arith.constant 1 : i32
        %add3A_338 = arith.addi %add3A_242, %add3A_337 : i32
        %mul3A_339 = arith.constant 256 : i32
        %mul3A_340 = arith.muli %add3A_338, %mul3A_339 : i32
        %add3A_341 = arith.addi %mul3A_196, %mul3A_340 : i32
        %multiple_of3A_342 = tpu.assume_multiple %add3A_341, 256 : i32
        %dma_start3A_343 = arith.constant 0 : i32
        %dma_start3A_344 = tpu.memref_slice %arg2[%multiple_of3A_342, %dma_start3A_343] : memref<65536x64xf32, #tpu.memory_space<hbm>> -> memref<256x64xf32, #tpu.memory_space<hbm>>
        %dma_start3A_345 = arith.constant 0 : i32
        %dma_start3A_346 = tpu.memref_slice %arg2[%multiple_of3A_342, %dma_start3A_345] : memref<65536x64xf32, #tpu.memory_space<hbm>> -> memref<256x64xf32, #tpu.memory_space<hbm>>
        tpu.enqueue_dma source(%dma_start3A_346 : memref<256x64xf32, #tpu.memory_space<hbm>>) target(%arg7 : memref<256x64xf32, #tpu.memory_space<vmem>>) target_semaphore(%arg14 : memref<!tpu.dma_semaphore, #tpu.memory_space<semaphore_mem>>)
      } else {
      }
      %mul3A_261 = arith.constant 2 : i32
      %mul3A_262 = arith.muli %add3A_242, %mul3A_261 : i32
      %add3A_263 = arith.constant 0 : i32
      %add3A_264 = arith.addi %mul3A_262, %add3A_263 : i32
      %dma_start3A_265 = arith.constant 0 : i32
      %dma_start3A_266 = arith.constant 0 : i32
      %dma_start3A_267 = tpu.memref_slice %arg6[%dma_start3A_265, %dma_start3A_266] : memref<256x64xf32, #tpu.memory_space<vmem>> -> memref<128x64xf32, #tpu.memory_space<vmem>>
      %dma_start3A_268 = arith.constant 0 : i32
      %dma_start3A_269 = tpu.memref_slice %arg10[%add3A_264, %dma_start3A_268] : memref<16x128xi32, #tpu.memory_space<vmem>> -> memref<1x128xi32, #tpu.memory_space<vmem>>
      %dma_start3A_270 = tpu.memref_squeeze %dma_start3A_269 : memref<1x128xi32, #tpu.memory_space<vmem>> -> memref<128xi32, #tpu.memory_space<vmem>>
      %dma_start3A_271 = arith.constant 0 : i32
      %dma_start3A_272 = arith.constant 0 : i32
      %dma_start3A_273 = tpu.memref_slice %arg12[%dma_start3A_271, %dma_start3A_272] : memref<128x64xf32, #tpu.memory_space<vmem_shared>> -> memref<128x64xf32, #tpu.memory_space<vmem_shared>>
      tpu.enqueue_indirect_dma source(%dma_start3A_267 : memref<128x64xf32, #tpu.memory_space<vmem>>) target(%dma_start3A_273 : memref<128x64xf32, #tpu.memory_space<vmem_shared>>) offsets(%dma_start3A_270 : memref<128xi32, #tpu.memory_space<vmem>>) semaphore(%arg15 : memref<!tpu.dma_semaphore, #tpu.memory_space<semaphore_mem>>) {add = true}
      %mul3A_274 = arith.constant 2 : i32
      %mul3A_275 = arith.muli %add3A_242, %mul3A_274 : i32
      %add3A_276 = arith.constant 1 : i32
      %add3A_277 = arith.addi %mul3A_275, %add3A_276 : i32
      %dma_start3A_278 = arith.constant 128 : i32
      %dma_start3A_279 = arith.constant 0 : i32
      %dma_start3A_280 = tpu.memref_slice %arg6[%dma_start3A_278, %dma_start3A_279] : memref<256x64xf32, #tpu.memory_space<vmem>> -> memref<128x64xf32, #tpu.memory_space<vmem>>
      %dma_start3A_281 = arith.constant 0 : i32
      %dma_start3A_282 = tpu.memref_slice %arg10[%add3A_277, %dma_start3A_281] : memref<16x128xi32, #tpu.memory_space<vmem>> -> memref<1x128xi32, #tpu.memory_space<vmem>>
      %dma_start3A_283 = tpu.memref_squeeze %dma_start3A_282 : memref<1x128xi32, #tpu.memory_space<vmem>> -> memref<128xi32, #tpu.memory_space<vmem>>
      %dma_start3A_284 = arith.constant 0 : i32
      %dma_start3A_285 = arith.constant 0 : i32
      %dma_start3A_286 = tpu.memref_slice %arg12[%dma_start3A_284, %dma_start3A_285] : memref<128x64xf32, #tpu.memory_space<vmem_shared>> -> memref<128x64xf32, #tpu.memory_space<vmem_shared>>
      tpu.enqueue_indirect_dma source(%dma_start3A_280 : memref<128x64xf32, #tpu.memory_space<vmem>>) target(%dma_start3A_286 : memref<128x64xf32, #tpu.memory_space<vmem_shared>>) offsets(%dma_start3A_283 : memref<128xi32, #tpu.memory_space<vmem>>) semaphore(%arg15 : memref<!tpu.dma_semaphore, #tpu.memory_space<semaphore_mem>>) {add = true}
      %mul3A_287 = arith.constant 2 : i32
      %mul3A_288 = arith.muli %scan3A_238, %mul3A_287 : i32
      %add3A_289 = arith.constant 1 : i32
      %add3A_290 = arith.addi %mul3A_288, %add3A_289 : i32
      %mul3A_291 = arith.constant 256 : i32
      %mul3A_292 = arith.muli %add3A_290, %mul3A_291 : i32
      %add3A_293 = arith.addi %mul3A_196, %mul3A_292 : i32
      %multiple_of3A_294 = tpu.assume_multiple %add3A_293, 256 : i32
      %dma_wait3A_295 = arith.constant 0 : i32
      %dma_wait3A_296 = tpu.memref_slice %arg2[%multiple_of3A_294, %dma_wait3A_295] : memref<65536x64xf32, #tpu.memory_space<hbm>> -> memref<256x64xf32, #tpu.memory_space<hbm>>
      %dma_wait3A_297 = arith.constant 0 : i32
      %dma_wait3A_298 = tpu.memref_slice %arg2[%multiple_of3A_294, %dma_wait3A_297] : memref<65536x64xf32, #tpu.memory_space<hbm>> -> memref<256x64xf32, #tpu.memory_space<hbm>>
      tpu.wait_dma2 semaphore(%arg14 : memref<!tpu.dma_semaphore, #tpu.memory_space<semaphore_mem>>) src(%dma_wait3A_298 : memref<256x64xf32, #tpu.memory_space<hbm>>) dst(%arg7 : memref<256x64xf32, #tpu.memory_space<vmem>>)
      %ge3A_299 = arith.constant 1 : i32
      %ge3A_300 = arith.cmpi sge, %add3A_290, %ge3A_299 : i32
      %convert_element_type3A_301 = arith.extui %ge3A_300 : i1 to i32
      %cond3A_302 = arith.constant 0 : i32
      %cond3A_303 = arith.cmpi ne, %convert_element_type3A_301, %cond3A_302 : i32
      scf.if %cond3A_303 {
        %sub3A = arith.constant 1 : i32
        %sub3A_337 = arith.subi %add3A_290, %sub3A : i32
        %mul3A_338 = arith.constant 2 : i32
        %mul3A_339 = arith.muli %sub3A_337, %mul3A_338 : i32
        %add3A_340 = arith.constant 0 : i32
        %add3A_341 = arith.addi %mul3A_339, %add3A_340 : i32
        %dma_wait3A_342 = arith.constant 0 : i32
        %dma_wait3A_343 = arith.constant 0 : i32
        %dma_wait3A_344 = tpu.memref_slice %arg6[%dma_wait3A_342, %dma_wait3A_343] : memref<256x64xf32, #tpu.memory_space<vmem>> -> memref<128x64xf32, #tpu.memory_space<vmem>>
        %dma_wait3A_345 = arith.constant 0 : i32
        %dma_wait3A_346 = tpu.memref_slice %arg10[%add3A_341, %dma_wait3A_345] : memref<16x128xi32, #tpu.memory_space<vmem>> -> memref<1x128xi32, #tpu.memory_space<vmem>>
        %dma_wait3A_347 = tpu.memref_squeeze %dma_wait3A_346 : memref<1x128xi32, #tpu.memory_space<vmem>> -> memref<128xi32, #tpu.memory_space<vmem>>
        %dma_wait3A_348 = arith.constant 0 : i32
        %dma_wait3A_349 = arith.constant 0 : i32
        %dma_wait3A_350 = tpu.memref_slice %arg12[%dma_wait3A_348, %dma_wait3A_349] : memref<128x64xf32, #tpu.memory_space<vmem_shared>> -> memref<128x64xf32, #tpu.memory_space<vmem_shared>>
        tpu.wait_indirect_dma semaphore(%arg15 : memref<!tpu.dma_semaphore, #tpu.memory_space<semaphore_mem>>) src(%dma_wait3A_344 : memref<128x64xf32, #tpu.memory_space<vmem>>) dst(%dma_wait3A_350 : memref<128x64xf32, #tpu.memory_space<vmem_shared>>)
        %mul3A_351 = arith.constant 2 : i32
        %mul3A_352 = arith.muli %sub3A_337, %mul3A_351 : i32
        %add3A_353 = arith.constant 1 : i32
        %add3A_354 = arith.addi %mul3A_352, %add3A_353 : i32
        %dma_wait3A_355 = arith.constant 128 : i32
        %dma_wait3A_356 = arith.constant 0 : i32
        %dma_wait3A_357 = tpu.memref_slice %arg6[%dma_wait3A_355, %dma_wait3A_356] : memref<256x64xf32, #tpu.memory_space<vmem>> -> memref<128x64xf32, #tpu.memory_space<vmem>>
        %dma_wait3A_358 = arith.constant 0 : i32
        %dma_wait3A_359 = tpu.memref_slice %arg10[%add3A_354, %dma_wait3A_358] : memref<16x128xi32, #tpu.memory_space<vmem>> -> memref<1x128xi32, #tpu.memory_space<vmem>>
        %dma_wait3A_360 = tpu.memref_squeeze %dma_wait3A_359 : memref<1x128xi32, #tpu.memory_space<vmem>> -> memref<128xi32, #tpu.memory_space<vmem>>
        %dma_wait3A_361 = arith.constant 0 : i32
        %dma_wait3A_362 = arith.constant 0 : i32
        %dma_wait3A_363 = tpu.memref_slice %arg12[%dma_wait3A_361, %dma_wait3A_362] : memref<128x64xf32, #tpu.memory_space<vmem_shared>> -> memref<128x64xf32, #tpu.memory_space<vmem_shared>>
        tpu.wait_indirect_dma semaphore(%arg15 : memref<!tpu.dma_semaphore, #tpu.memory_space<semaphore_mem>>) src(%dma_wait3A_357 : memref<128x64xf32, #tpu.memory_space<vmem>>) dst(%dma_wait3A_363 : memref<128x64xf32, #tpu.memory_space<vmem_shared>>)
      } else {
      }
      %add3A_304 = arith.constant 1 : i32
      %add3A_305 = arith.addi %add3A_290, %add3A_304 : i32
      %lt3A_306 = arith.constant 8 : i32
      %lt3A_307 = arith.cmpi slt, %add3A_305, %lt3A_306 : i32
      %convert_element_type3A_308 = arith.extui %lt3A_307 : i1 to i32
      %cond3A_309 = arith.constant 0 : i32
      %cond3A_310 = arith.cmpi ne, %convert_element_type3A_308, %cond3A_309 : i32
      scf.if %cond3A_310 {
        %add3A_337 = arith.constant 1 : i32
        %add3A_338 = arith.addi %add3A_290, %add3A_337 : i32
        %mul3A_339 = arith.constant 256 : i32
        %mul3A_340 = arith.muli %add3A_338, %mul3A_339 : i32
        %add3A_341 = arith.addi %mul3A_196, %mul3A_340 : i32
        %multiple_of3A_342 = tpu.assume_multiple %add3A_341, 256 : i32
        %dma_start3A_343 = arith.constant 0 : i32
        %dma_start3A_344 = tpu.memref_slice %arg2[%multiple_of3A_342, %dma_start3A_343] : memref<65536x64xf32, #tpu.memory_space<hbm>> -> memref<256x64xf32, #tpu.memory_space<hbm>>
        %dma_start3A_345 = arith.constant 0 : i32
        %dma_start3A_346 = tpu.memref_slice %arg2[%multiple_of3A_342, %dma_start3A_345] : memref<65536x64xf32, #tpu.memory_space<hbm>> -> memref<256x64xf32, #tpu.memory_space<hbm>>
        tpu.enqueue_dma source(%dma_start3A_346 : memref<256x64xf32, #tpu.memory_space<hbm>>) target(%arg6 : memref<256x64xf32, #tpu.memory_space<vmem>>) target_semaphore(%arg13 : memref<!tpu.dma_semaphore, #tpu.memory_space<semaphore_mem>>)
      } else {
      }
      %mul3A_311 = arith.constant 2 : i32
      %mul3A_312 = arith.muli %add3A_290, %mul3A_311 : i32
      %add3A_313 = arith.constant 0 : i32
      %add3A_314 = arith.addi %mul3A_312, %add3A_313 : i32
      %dma_start3A_315 = arith.constant 0 : i32
      %dma_start3A_316 = arith.constant 0 : i32
      %dma_start3A_317 = tpu.memref_slice %arg7[%dma_start3A_315, %dma_start3A_316] : memref<256x64xf32, #tpu.memory_space<vmem>> -> memref<128x64xf32, #tpu.memory_space<vmem>>
      %dma_start3A_318 = arith.constant 0 : i32
      %dma_start3A_319 = tpu.memref_slice %arg10[%add3A_314, %dma_start3A_318] : memref<16x128xi32, #tpu.memory_space<vmem>> -> memref<1x128xi32, #tpu.memory_space<vmem>>
      %dma_start3A_320 = tpu.memref_squeeze %dma_start3A_319 : memref<1x128xi32, #tpu.memory_space<vmem>> -> memref<128xi32, #tpu.memory_space<vmem>>
      %dma_start3A_321 = arith.constant 0 : i32
      %dma_start3A_322 = arith.constant 0 : i32
      %dma_start3A_323 = tpu.memref_slice %arg12[%dma_start3A_321, %dma_start3A_322] : memref<128x64xf32, #tpu.memory_space<vmem_shared>> -> memref<128x64xf32, #tpu.memory_space<vmem_shared>>
      tpu.enqueue_indirect_dma source(%dma_start3A_317 : memref<128x64xf32, #tpu.memory_space<vmem>>) target(%dma_start3A_323 : memref<128x64xf32, #tpu.memory_space<vmem_shared>>) offsets(%dma_start3A_320 : memref<128xi32, #tpu.memory_space<vmem>>) semaphore(%arg16 : memref<!tpu.dma_semaphore, #tpu.memory_space<semaphore_mem>>) {add = true}
      %mul3A_324 = arith.constant 2 : i32
      %mul3A_325 = arith.muli %add3A_290, %mul3A_324 : i32
      %add3A_326 = arith.constant 1 : i32
      %add3A_327 = arith.addi %mul3A_325, %add3A_326 : i32
      %dma_start3A_328 = arith.constant 128 : i32
      %dma_start3A_329 = arith.constant 0 : i32
      %dma_start3A_330 = tpu.memref_slice %arg7[%dma_start3A_328, %dma_start3A_329] : memref<256x64xf32, #tpu.memory_space<vmem>> -> memref<128x64xf32, #tpu.memory_space<vmem>>
      %dma_start3A_331 = arith.constant 0 : i32
      %dma_start3A_332 = tpu.memref_slice %arg10[%add3A_327, %dma_start3A_331] : memref<16x128xi32, #tpu.memory_space<vmem>> -> memref<1x128xi32, #tpu.memory_space<vmem>>
      %dma_start3A_333 = tpu.memref_squeeze %dma_start3A_332 : memref<1x128xi32, #tpu.memory_space<vmem>> -> memref<128xi32, #tpu.memory_space<vmem>>
      %dma_start3A_334 = arith.constant 0 : i32
      %dma_start3A_335 = arith.constant 0 : i32
      %dma_start3A_336 = tpu.memref_slice %arg12[%dma_start3A_334, %dma_start3A_335] : memref<128x64xf32, #tpu.memory_space<vmem_shared>> -> memref<128x64xf32, #tpu.memory_space<vmem_shared>>
      tpu.enqueue_indirect_dma source(%dma_start3A_330 : memref<128x64xf32, #tpu.memory_space<vmem>>) target(%dma_start3A_336 : memref<128x64xf32, #tpu.memory_space<vmem_shared>>) offsets(%dma_start3A_333 : memref<128xi32, #tpu.memory_space<vmem>>) semaphore(%arg16 : memref<!tpu.dma_semaphore, #tpu.memory_space<semaphore_mem>>) {add = true}
    }
    %scan3A_215 = arith.constant 4 : i32
    %dma_wait3A = arith.constant 14 : i32
    %dma_wait3A_216 = arith.constant 0 : i32
    %dma_wait3A_217 = arith.constant 0 : i32
    %dma_wait3A_218 = tpu.memref_slice %arg7[%dma_wait3A_216, %dma_wait3A_217] : memref<256x64xf32, #tpu.memory_space<vmem>> -> memref<128x64xf32, #tpu.memory_space<vmem>>
    %dma_wait3A_219 = arith.constant 0 : i32
    %dma_wait3A_220 = tpu.memref_slice %arg10[%dma_wait3A, %dma_wait3A_219] : memref<16x128xi32, #tpu.memory_space<vmem>> -> memref<1x128xi32, #tpu.memory_space<vmem>>
    %dma_wait3A_221 = tpu.memref_squeeze %dma_wait3A_220 : memref<1x128xi32, #tpu.memory_space<vmem>> -> memref<128xi32, #tpu.memory_space<vmem>>
    %dma_wait3A_222 = arith.constant 0 : i32
    %dma_wait3A_223 = arith.constant 0 : i32
    %dma_wait3A_224 = tpu.memref_slice %arg12[%dma_wait3A_222, %dma_wait3A_223] : memref<128x64xf32, #tpu.memory_space<vmem_shared>> -> memref<128x64xf32, #tpu.memory_space<vmem_shared>>
    tpu.wait_indirect_dma semaphore(%arg16 : memref<!tpu.dma_semaphore, #tpu.memory_space<semaphore_mem>>) src(%dma_wait3A_218 : memref<128x64xf32, #tpu.memory_space<vmem>>) dst(%dma_wait3A_224 : memref<128x64xf32, #tpu.memory_space<vmem_shared>>)
    %dma_wait3A_225 = arith.constant 15 : i32
    %dma_wait3A_226 = arith.constant 128 : i32
    %dma_wait3A_227 = arith.constant 0 : i32
    %dma_wait3A_228 = tpu.memref_slice %arg7[%dma_wait3A_226, %dma_wait3A_227] : memref<256x64xf32, #tpu.memory_space<vmem>> -> memref<128x64xf32, #tpu.memory_space<vmem>>
    %dma_wait3A_229 = arith.constant 0 : i32
    %dma_wait3A_230 = tpu.memref_slice %arg10[%dma_wait3A_225, %dma_wait3A_229] : memref<16x128xi32, #tpu.memory_space<vmem>> -> memref<1x128xi32, #tpu.memory_space<vmem>>
    %dma_wait3A_231 = tpu.memref_squeeze %dma_wait3A_230 : memref<1x128xi32, #tpu.memory_space<vmem>> -> memref<128xi32, #tpu.memory_space<vmem>>
    %dma_wait3A_232 = arith.constant 0 : i32
    %dma_wait3A_233 = arith.constant 0 : i32
    %dma_wait3A_234 = tpu.memref_slice %arg12[%dma_wait3A_232, %dma_wait3A_233] : memref<128x64xf32, #tpu.memory_space<vmem_shared>> -> memref<128x64xf32, #tpu.memory_space<vmem_shared>>
    tpu.wait_indirect_dma semaphore(%arg16 : memref<!tpu.dma_semaphore, #tpu.memory_space<semaphore_mem>>) src(%dma_wait3A_228 : memref<128x64xf32, #tpu.memory_space<vmem>>) dst(%dma_wait3A_234 : memref<128x64xf32, #tpu.memory_space<vmem_shared>>)
    %barrier3A_235 = arith.constant 0 : index
    tpu.barrier barrier_id(%barrier3A_235)
    %eq3A = arith.constant 0 : i32
    %eq3A_236 = arith.cmpi eq, %arg1, %eq3A : i32
    %convert_element_type3A = arith.extui %eq3A_236 : i1 to i32
    %cond3A = arith.constant 0 : i32
    %cond3A_237 = arith.cmpi ne, %convert_element_type3A, %cond3A : i32
    scf.if %cond3A_237 {
      "tpu.region"() ({
        %run_scoped3A = tpu.sem_alloc : memref<!tpu.dma_semaphore, #tpu.memory_space<semaphore_mem>>
        %dma_start3A_238 = arith.constant 0 : i32
        %dma_start3A_239 = arith.constant 0 : i32
        %dma_start3A_240 = tpu.memref_slice %arg5[%arg0, %dma_start3A_238, %dma_start3A_239] : memref<2x128x64xf32, #tpu.memory_space<hbm>> -> memref<1x128x64xf32, #tpu.memory_space<hbm>>
        %dma_start3A_241 = tpu.memref_squeeze %dma_start3A_240 : memref<1x128x64xf32, #tpu.memory_space<hbm>> -> memref<128x64xf32, #tpu.memory_space<hbm>>
        tpu.enqueue_dma source(%arg12 : memref<128x64xf32, #tpu.memory_space<vmem_shared>>) target(%dma_start3A_241 : memref<128x64xf32, #tpu.memory_space<hbm>>) target_semaphore(%run_scoped3A : memref<!tpu.dma_semaphore, #tpu.memory_space<semaphore_mem>>)
        %dma_wait3A_242 = arith.constant 0 : i32
        %dma_wait3A_243 = arith.constant 0 : i32
        %dma_wait3A_244 = tpu.memref_slice %arg5[%arg0, %dma_wait3A_242, %dma_wait3A_243] : memref<2x128x64xf32, #tpu.memory_space<hbm>> -> memref<1x128x64xf32, #tpu.memory_space<hbm>>
        %dma_wait3A_245 = tpu.memref_squeeze %dma_wait3A_244 : memref<1x128x64xf32, #tpu.memory_space<hbm>> -> memref<128x64xf32, #tpu.memory_space<hbm>>
        tpu.wait_dma2 semaphore(%run_scoped3A : memref<!tpu.dma_semaphore, #tpu.memory_space<semaphore_mem>>) src(%arg12 : memref<128x64xf32, #tpu.memory_space<vmem_shared>>) dst(%dma_wait3A_245 : memref<128x64xf32, #tpu.memory_space<hbm>>)
        tpu.yield
      }) : () -> ()
    } else {
    }
    return
  }
}

#map = affine_map<(d0, d1) -> (0, 0)>
#map1 = affine_map<(d0, d1) -> (0, 0, 0)>
module attributes {stable_mosaic.version = 14 : i64} {
  func.func @k(%arg0: i32, %arg1: i32, %arg2: memref<65536x64xf32, #tpu.memory_space<hbm>>, %arg3: memref<512x128xi32, #tpu.memory_space<hbm>>, %arg4: memref<512x128xi32, #tpu.memory_space<hbm>>, %arg5: memref<2x128x64xf32, #tpu.memory_space<hbm>>, %arg6: memref<256x64xf32, #tpu.memory_space<vmem>>, %arg7: memref<256x64xf32, #tpu.memory_space<vmem>>, %arg8: memref<16x128xi32, #tpu.memory_space<vmem>>, %arg9: memref<16x128xi32, #tpu.memory_space<vmem>>, %arg10: memref<16x128xi32, #tpu.memory_space<vmem>>, %arg11: memref<8x64xf32, #tpu.memory_space<vmem>>, %arg12: memref<128x64xf32, #tpu.memory_space<vmem_shared>>, %arg13: memref<!tpu.dma_semaphore, #tpu.memory_space<semaphore_mem>>, %arg14: memref<!tpu.dma_semaphore, #tpu.memory_space<semaphore_mem>>, %arg15: memref<!tpu.dma_semaphore, #tpu.memory_space<semaphore_mem>>, %arg16: memref<!tpu.dma_semaphore, #tpu.memory_space<semaphore_mem>>) attributes {dimension_semantics = [#tpu.dimension_semantics<core_parallel>, #tpu.dimension_semantics<subcore_parallel>], iteration_bounds = array<i64: 2, 16>, scalar_prefetch = 0 : i64, scratch_operands = 11 : i64, tpu.core_type = #tpu.core_type<sc_vector_subcore>, window_params = [{transform_indices = #map}, {transform_indices = #map}, {transform_indices = #map}, {transform_indices = #map1}]} {
    %broadcast_in_dim3A = arith.constant 0.000000e+00 : f32
    %broadcast_in_dim3A_0 = vector.broadcast %broadcast_in_dim3A : f32 to vector<16xf32>
    %swap3A = arith.constant 0 : i32
    %swap3A_1 = arith.index_cast %swap3A : i32 to index
    %swap3A_2 = arith.constant 0 : index
    %swap3A_3 = tpu.vector_load %arg11[%swap3A_1, %swap3A_2] {strides = array<i32>} : memref<8x64xf32, #tpu.memory_space<vmem>>, vector<1x16xf32>,
    %swap3A_4 = vector.shape_cast %swap3A_3 : vector<1x16xf32> to vector<16xf32>
    %swap3A_5 = vector.shape_cast %broadcast_in_dim3A_0 : vector<16xf32> to vector<1x16xf32>
    tpu.vector_store %arg11[%swap3A_1, %swap3A_2], %swap3A_5 {strides = array<i32>} : memref<8x64xf32, #tpu.memory_space<vmem>>, vector<1x16xf32>,
    %swap3A_6 = arith.constant 0 : i32
    %swap3A_7 = arith.index_cast %swap3A_6 : i32 to index
    %swap3A_8 = arith.constant 16 : index
    %swap3A_9 = tpu.vector_load %arg11[%swap3A_7, %swap3A_8] {strides = array<i32>} : memref<8x64xf32, #tpu.memory_space<vmem>>, vector<1x16xf32>,
    %swap3A_10 = vector.shape_cast %swap3A_9 : vector<1x16xf32> to vector<16xf32>
    %swap3A_11 = vector.shape_cast %broadcast_in_dim3A_0 : vector<16xf32> to vector<1x16xf32>
    tpu.vector_store %arg11[%swap3A_7, %swap3A_8], %swap3A_11 {strides = array<i32>} : memref<8x64xf32, #tpu.memory_space<vmem>>, vector<1x16xf32>,
    %swap3A_12 = arith.constant 0 : i32
    %swap3A_13 = arith.index_cast %swap3A_12 : i32 to index
    %swap3A_14 = arith.constant 32 : index
    %swap3A_15 = tpu.vector_load %arg11[%swap3A_13, %swap3A_14] {strides = array<i32>} : memref<8x64xf32, #tpu.memory_space<vmem>>, vector<1x16xf32>,
    %swap3A_16 = vector.shape_cast %swap3A_15 : vector<1x16xf32> to vector<16xf32>
    %swap3A_17 = vector.shape_cast %broadcast_in_dim3A_0 : vector<16xf32> to vector<1x16xf32>
    tpu.vector_store %arg11[%swap3A_13, %swap3A_14], %swap3A_17 {strides = array<i32>} : memref<8x64xf32, #tpu.memory_space<vmem>>, vector<1x16xf32>,
    %swap3A_18 = arith.constant 0 : i32
    %swap3A_19 = arith.index_cast %swap3A_18 : i32 to index
    %swap3A_20 = arith.constant 48 : index
    %swap3A_21 = tpu.vector_load %arg11[%swap3A_19, %swap3A_20] {strides = array<i32>} : memref<8x64xf32, #tpu.memory_space<vmem>>, vector<1x16xf32>,
    %swap3A_22 = vector.shape_cast %swap3A_21 : vector<1x16xf32> to vector<16xf32>
    %swap3A_23 = vector.shape_cast %broadcast_in_dim3A_0 : vector<16xf32> to vector<1x16xf32>
    tpu.vector_store %arg11[%swap3A_19, %swap3A_20], %swap3A_23 {strides = array<i32>} : memref<8x64xf32, #tpu.memory_space<vmem>>, vector<1x16xf32>,
    %swap3A_24 = arith.constant 1 : i32
    %swap3A_25 = arith.index_cast %swap3A_24 : i32 to index
    %swap3A_26 = arith.constant 0 : index
    %swap3A_27 = tpu.vector_load %arg11[%swap3A_25, %swap3A_26] {strides = array<i32>} : memref<8x64xf32, #tpu.memory_space<vmem>>, vector<1x16xf32>,
    %swap3A_28 = vector.shape_cast %swap3A_27 : vector<1x16xf32> to vector<16xf32>
    %swap3A_29 = vector.shape_cast %broadcast_in_dim3A_0 : vector<16xf32> to vector<1x16xf32>
    tpu.vector_store %arg11[%swap3A_25, %swap3A_26], %swap3A_29 {strides = array<i32>} : memref<8x64xf32, #tpu.memory_space<vmem>>, vector<1x16xf32>,
    %swap3A_30 = arith.constant 1 : i32
    %swap3A_31 = arith.index_cast %swap3A_30 : i32 to index
    %swap3A_32 = arith.constant 16 : index
    %swap3A_33 = tpu.vector_load %arg11[%swap3A_31, %swap3A_32] {strides = array<i32>} : memref<8x64xf32, #tpu.memory_space<vmem>>, vector<1x16xf32>,
    %swap3A_34 = vector.shape_cast %swap3A_33 : vector<1x16xf32> to vector<16xf32>
    %swap3A_35 = vector.shape_cast %broadcast_in_dim3A_0 : vector<16xf32> to vector<1x16xf32>
    tpu.vector_store %arg11[%swap3A_31, %swap3A_32], %swap3A_35 {strides = array<i32>} : memref<8x64xf32, #tpu.memory_space<vmem>>, vector<1x16xf32>,
    %swap3A_36 = arith.constant 1 : i32
    %swap3A_37 = arith.index_cast %swap3A_36 : i32 to index
    %swap3A_38 = arith.constant 32 : index
    %swap3A_39 = tpu.vector_load %arg11[%swap3A_37, %swap3A_38] {strides = array<i32>} : memref<8x64xf32, #tpu.memory_space<vmem>>, vector<1x16xf32>,
    %swap3A_40 = vector.shape_cast %swap3A_39 : vector<1x16xf32> to vector<16xf32>
    %swap3A_41 = vector.shape_cast %broadcast_in_dim3A_0 : vector<16xf32> to vector<1x16xf32>
    tpu.vector_store %arg11[%swap3A_37, %swap3A_38], %swap3A_41 {strides = array<i32>} : memref<8x64xf32, #tpu.memory_space<vmem>>, vector<1x16xf32>,
    %swap3A_42 = arith.constant 1 : i32
    %swap3A_43 = arith.index_cast %swap3A_42 : i32 to index
    %swap3A_44 = arith.constant 48 : index
    %swap3A_45 = tpu.vector_load %arg11[%swap3A_43, %swap3A_44] {strides = array<i32>} : memref<8x64xf32, #tpu.memory_space<vmem>>, vector<1x16xf32>,
    %swap3A_46 = vector.shape_cast %swap3A_45 : vector<1x16xf32> to vector<16xf32>
    %swap3A_47 = vector.shape_cast %broadcast_in_dim3A_0 : vector<16xf32> to vector<1x16xf32>
    tpu.vector_store %arg11[%swap3A_43, %swap3A_44], %swap3A_47 {strides = array<i32>} : memref<8x64xf32, #tpu.memory_space<vmem>>, vector<1x16xf32>,
    %swap3A_48 = arith.constant 2 : i32
    %swap3A_49 = arith.index_cast %swap3A_48 : i32 to index
    %swap3A_50 = arith.constant 0 : index
    %swap3A_51 = tpu.vector_load %arg11[%swap3A_49, %swap3A_50] {strides = array<i32>} : memref<8x64xf32, #tpu.memory_space<vmem>>, vector<1x16xf32>,
    %swap3A_52 = vector.shape_cast %swap3A_51 : vector<1x16xf32> to vector<16xf32>
    %swap3A_53 = vector.shape_cast %broadcast_in_dim3A_0 : vector<16xf32> to vector<1x16xf32>
    tpu.vector_store %arg11[%swap3A_49, %swap3A_50], %swap3A_53 {strides = array<i32>} : memref<8x64xf32, #tpu.memory_space<vmem>>, vector<1x16xf32>,
    %swap3A_54 = arith.constant 2 : i32
    %swap3A_55 = arith.index_cast %swap3A_54 : i32 to index
    %swap3A_56 = arith.constant 16 : index
    %swap3A_57 = tpu.vector_load %arg11[%swap3A_55, %swap3A_56] {strides = array<i32>} : memref<8x64xf32, #tpu.memory_space<vmem>>, vector<1x16xf32>,
    %swap3A_58 = vector.shape_cast %swap3A_57 : vector<1x16xf32> to vector<16xf32>
    %swap3A_59 = vector.shape_cast %broadcast_in_dim3A_0 : vector<16xf32> to vector<1x16xf32>
    tpu.vector_store %arg11[%swap3A_55, %swap3A_56], %swap3A_59 {strides = array<i32>} : memref<8x64xf32, #tpu.memory_space<vmem>>, vector<1x16xf32>,
    %swap3A_60 = arith.constant 2 : i32
    %swap3A_61 = arith.index_cast %swap3A_60 : i32 to index
    %swap3A_62 = arith.constant 32 : index
    %swap3A_63 = tpu.vector_load %arg11[%swap3A_61, %swap3A_62] {strides = array<i32>} : memref<8x64xf32, #tpu.memory_space<vmem>>, vector<1x16xf32>,
    %swap3A_64 = vector.shape_cast %swap3A_63 : vector<1x16xf32> to vector<16xf32>
    %swap3A_65 = vector.shape_cast %broadcast_in_dim3A_0 : vector<16xf32> to vector<1x16xf32>
    tpu.vector_store %arg11[%swap3A_61, %swap3A_62], %swap3A_65 {strides = array<i32>} : memref<8x64xf32, #tpu.memory_space<vmem>>, vector<1x16xf32>,
    %swap3A_66 = arith.constant 2 : i32
    %swap3A_67 = arith.index_cast %swap3A_66 : i32 to index
    %swap3A_68 = arith.constant 48 : index
    %swap3A_69 = tpu.vector_load %arg11[%swap3A_67, %swap3A_68] {strides = array<i32>} : memref<8x64xf32, #tpu.memory_space<vmem>>, vector<1x16xf32>,
    %swap3A_70 = vector.shape_cast %swap3A_69 : vector<1x16xf32> to vector<16xf32>
    %swap3A_71 = vector.shape_cast %broadcast_in_dim3A_0 : vector<16xf32> to vector<1x16xf32>
    tpu.vector_store %arg11[%swap3A_67, %swap3A_68], %swap3A_71 {strides = array<i32>} : memref<8x64xf32, #tpu.memory_space<vmem>>, vector<1x16xf32>,
    %swap3A_72 = arith.constant 3 : i32
    %swap3A_73 = arith.index_cast %swap3A_72 : i32 to index
    %swap3A_74 = arith.constant 0 : index
    %swap3A_75 = tpu.vector_load %arg11[%swap3A_73, %swap3A_74] {strides = array<i32>} : memref<8x64xf32, #tpu.memory_space<vmem>>, vector<1x16xf32>,
    %swap3A_76 = vector.shape_cast %swap3A_75 : vector<1x16xf32> to vector<16xf32>
    %swap3A_77 = vector.shape_cast %broadcast_in_dim3A_0 : vector<16xf32> to vector<1x16xf32>
    tpu.vector_store %arg11[%swap3A_73, %swap3A_74], %swap3A_77 {strides = array<i32>} : memref<8x64xf32, #tpu.memory_space<vmem>>, vector<1x16xf32>,
    %swap3A_78 = arith.constant 3 : i32
    %swap3A_79 = arith.index_cast %swap3A_78 : i32 to index
    %swap3A_80 = arith.constant 16 : index
    %swap3A_81 = tpu.vector_load %arg11[%swap3A_79, %swap3A_80] {strides = array<i32>} : memref<8x64xf32, #tpu.memory_space<vmem>>, vector<1x16xf32>,
    %swap3A_82 = vector.shape_cast %swap3A_81 : vector<1x16xf32> to vector<16xf32>
    %swap3A_83 = vector.shape_cast %broadcast_in_dim3A_0 : vector<16xf32> to vector<1x16xf32>
    tpu.vector_store %arg11[%swap3A_79, %swap3A_80], %swap3A_83 {strides = array<i32>} : memref<8x64xf32, #tpu.memory_space<vmem>>, vector<1x16xf32>,
    %swap3A_84 = arith.constant 3 : i32
    %swap3A_85 = arith.index_cast %swap3A_84 : i32 to index
    %swap3A_86 = arith.constant 32 : index
    %swap3A_87 = tpu.vector_load %arg11[%swap3A_85, %swap3A_86] {strides = array<i32>} : memref<8x64xf32, #tpu.memory_space<vmem>>, vector<1x16xf32>,
    %swap3A_88 = vector.shape_cast %swap3A_87 : vector<1x16xf32> to vector<16xf32>
    %swap3A_89 = vector.shape_cast %broadcast_in_dim3A_0 : vector<16xf32> to vector<1x16xf32>
    tpu.vector_store %arg11[%swap3A_85, %swap3A_86], %swap3A_89 {strides = array<i32>} : memref<8x64xf32, #tpu.memory_space<vmem>>, vector<1x16xf32>,
    %swap3A_90 = arith.constant 3 : i32
    %swap3A_91 = arith.index_cast %swap3A_90 : i32 to index
    %swap3A_92 = arith.constant 48 : index
    %swap3A_93 = tpu.vector_load %arg11[%swap3A_91, %swap3A_92] {strides = array<i32>} : memref<8x64xf32, #tpu.memory_space<vmem>>, vector<1x16xf32>,
    %swap3A_94 = vector.shape_cast %swap3A_93 : vector<1x16xf32> to vector<16xf32>
    %swap3A_95 = vector.shape_cast %broadcast_in_dim3A_0 : vector<16xf32> to vector<1x16xf32>
    tpu.vector_store %arg11[%swap3A_91, %swap3A_92], %swap3A_95 {strides = array<i32>} : memref<8x64xf32, #tpu.memory_space<vmem>>, vector<1x16xf32>,
    %swap3A_96 = arith.constant 4 : i32
    %swap3A_97 = arith.index_cast %swap3A_96 : i32 to index
    %swap3A_98 = arith.constant 0 : index
    %swap3A_99 = tpu.vector_load %arg11[%swap3A_97, %swap3A_98] {strides = array<i32>} : memref<8x64xf32, #tpu.memory_space<vmem>>, vector<1x16xf32>,
    %swap3A_100 = vector.shape_cast %swap3A_99 : vector<1x16xf32> to vector<16xf32>
    %swap3A_101 = vector.shape_cast %broadcast_in_dim3A_0 : vector<16xf32> to vector<1x16xf32>
    tpu.vector_store %arg11[%swap3A_97, %swap3A_98], %swap3A_101 {strides = array<i32>} : memref<8x64xf32, #tpu.memory_space<vmem>>, vector<1x16xf32>,
    %swap3A_102 = arith.constant 4 : i32
    %swap3A_103 = arith.index_cast %swap3A_102 : i32 to index
    %swap3A_104 = arith.constant 16 : index
    %swap3A_105 = tpu.vector_load %arg11[%swap3A_103, %swap3A_104] {strides = array<i32>} : memref<8x64xf32, #tpu.memory_space<vmem>>, vector<1x16xf32>,
    %swap3A_106 = vector.shape_cast %swap3A_105 : vector<1x16xf32> to vector<16xf32>
    %swap3A_107 = vector.shape_cast %broadcast_in_dim3A_0 : vector<16xf32> to vector<1x16xf32>
    tpu.vector_store %arg11[%swap3A_103, %swap3A_104], %swap3A_107 {strides = array<i32>} : memref<8x64xf32, #tpu.memory_space<vmem>>, vector<1x16xf32>,
    %swap3A_108 = arith.constant 4 : i32
    %swap3A_109 = arith.index_cast %swap3A_108 : i32 to index
    %swap3A_110 = arith.constant 32 : index
    %swap3A_111 = tpu.vector_load %arg11[%swap3A_109, %swap3A_110] {strides = array<i32>} : memref<8x64xf32, #tpu.memory_space<vmem>>, vector<1x16xf32>,
    %swap3A_112 = vector.shape_cast %swap3A_111 : vector<1x16xf32> to vector<16xf32>
    %swap3A_113 = vector.shape_cast %broadcast_in_dim3A_0 : vector<16xf32> to vector<1x16xf32>
    tpu.vector_store %arg11[%swap3A_109, %swap3A_110], %swap3A_113 {strides = array<i32>} : memref<8x64xf32, #tpu.memory_space<vmem>>, vector<1x16xf32>,
    %swap3A_114 = arith.constant 4 : i32
    %swap3A_115 = arith.index_cast %swap3A_114 : i32 to index
    %swap3A_116 = arith.constant 48 : index
    %swap3A_117 = tpu.vector_load %arg11[%swap3A_115, %swap3A_116] {strides = array<i32>} : memref<8x64xf32, #tpu.memory_space<vmem>>, vector<1x16xf32>,
    %swap3A_118 = vector.shape_cast %swap3A_117 : vector<1x16xf32> to vector<16xf32>
    %swap3A_119 = vector.shape_cast %broadcast_in_dim3A_0 : vector<16xf32> to vector<1x16xf32>
    tpu.vector_store %arg11[%swap3A_115, %swap3A_116], %swap3A_119 {strides = array<i32>} : memref<8x64xf32, #tpu.memory_space<vmem>>, vector<1x16xf32>,
    %swap3A_120 = arith.constant 5 : i32
    %swap3A_121 = arith.index_cast %swap3A_120 : i32 to index
    %swap3A_122 = arith.constant 0 : index
    %swap3A_123 = tpu.vector_load %arg11[%swap3A_121, %swap3A_122] {strides = array<i32>} : memref<8x64xf32, #tpu.memory_space<vmem>>, vector<1x16xf32>,
    %swap3A_124 = vector.shape_cast %swap3A_123 : vector<1x16xf32> to vector<16xf32>
    %swap3A_125 = vector.shape_cast %broadcast_in_dim3A_0 : vector<16xf32> to vector<1x16xf32>
    tpu.vector_store %arg11[%swap3A_121, %swap3A_122], %swap3A_125 {strides = array<i32>} : memref<8x64xf32, #tpu.memory_space<vmem>>, vector<1x16xf32>,
    %swap3A_126 = arith.constant 5 : i32
    %swap3A_127 = arith.index_cast %swap3A_126 : i32 to index
    %swap3A_128 = arith.constant 16 : index
    %swap3A_129 = tpu.vector_load %arg11[%swap3A_127, %swap3A_128] {strides = array<i32>} : memref<8x64xf32, #tpu.memory_space<vmem>>, vector<1x16xf32>,
    %swap3A_130 = vector.shape_cast %swap3A_129 : vector<1x16xf32> to vector<16xf32>
    %swap3A_131 = vector.shape_cast %broadcast_in_dim3A_0 : vector<16xf32> to vector<1x16xf32>
    tpu.vector_store %arg11[%swap3A_127, %swap3A_128], %swap3A_131 {strides = array<i32>} : memref<8x64xf32, #tpu.memory_space<vmem>>, vector<1x16xf32>,
    %swap3A_132 = arith.constant 5 : i32
    %swap3A_133 = arith.index_cast %swap3A_132 : i32 to index
    %swap3A_134 = arith.constant 32 : index
    %swap3A_135 = tpu.vector_load %arg11[%swap3A_133, %swap3A_134] {strides = array<i32>} : memref<8x64xf32, #tpu.memory_space<vmem>>, vector<1x16xf32>,
    %swap3A_136 = vector.shape_cast %swap3A_135 : vector<1x16xf32> to vector<16xf32>
    %swap3A_137 = vector.shape_cast %broadcast_in_dim3A_0 : vector<16xf32> to vector<1x16xf32>
    tpu.vector_store %arg11[%swap3A_133, %swap3A_134], %swap3A_137 {strides = array<i32>} : memref<8x64xf32, #tpu.memory_space<vmem>>, vector<1x16xf32>,
    %swap3A_138 = arith.constant 5 : i32
    %swap3A_139 = arith.index_cast %swap3A_138 : i32 to index
    %swap3A_140 = arith.constant 48 : index
    %swap3A_141 = tpu.vector_load %arg11[%swap3A_139, %swap3A_140] {strides = array<i32>} : memref<8x64xf32, #tpu.memory_space<vmem>>, vector<1x16xf32>,
    %swap3A_142 = vector.shape_cast %swap3A_141 : vector<1x16xf32> to vector<16xf32>
    %swap3A_143 = vector.shape_cast %broadcast_in_dim3A_0 : vector<16xf32> to vector<1x16xf32>
    tpu.vector_store %arg11[%swap3A_139, %swap3A_140], %swap3A_143 {strides = array<i32>} : memref<8x64xf32, #tpu.memory_space<vmem>>, vector<1x16xf32>,
    %swap3A_144 = arith.constant 6 : i32
    %swap3A_145 = arith.index_cast %swap3A_144 : i32 to index
    %swap3A_146 = arith.constant 0 : index
    %swap3A_147 = tpu.vector_load %arg11[%swap3A_145, %swap3A_146] {strides = array<i32>} : memref<8x64xf32, #tpu.memory_space<vmem>>, vector<1x16xf32>,
    %swap3A_148 = vector.shape_cast %swap3A_147 : vector<1x16xf32> to vector<16xf32>
    %swap3A_149 = vector.shape_cast %broadcast_in_dim3A_0 : vector<16xf32> to vector<1x16xf32>
    tpu.vector_store %arg11[%swap3A_145, %swap3A_146], %swap3A_149 {strides = array<i32>} : memref<8x64xf32, #tpu.memory_space<vmem>>, vector<1x16xf32>,
    %swap3A_150 = arith.constant 6 : i32
    %swap3A_151 = arith.index_cast %swap3A_150 : i32 to index
    %swap3A_152 = arith.constant 16 : index
    %swap3A_153 = tpu.vector_load %arg11[%swap3A_151, %swap3A_152] {strides = array<i32>} : memref<8x64xf32, #tpu.memory_space<vmem>>, vector<1x16xf32>,
    %swap3A_154 = vector.shape_cast %swap3A_153 : vector<1x16xf32> to vector<16xf32>
    %swap3A_155 = vector.shape_cast %broadcast_in_dim3A_0 : vector<16xf32> to vector<1x16xf32>
    tpu.vector_store %arg11[%swap3A_151, %swap3A_152], %swap3A_155 {strides = array<i32>} : memref<8x64xf32, #tpu.memory_space<vmem>>, vector<1x16xf32>,
    %swap3A_156 = arith.constant 6 : i32
    %swap3A_157 = arith.index_cast %swap3A_156 : i32 to index
    %swap3A_158 = arith.constant 32 : index
    %swap3A_159 = tpu.vector_load %arg11[%swap3A_157, %swap3A_158] {strides = array<i32>} : memref<8x64xf32, #tpu.memory_space<vmem>>, vector<1x16xf32>,
    %swap3A_160 = vector.shape_cast %swap3A_159 : vector<1x16xf32> to vector<16xf32>
    %swap3A_161 = vector.shape_cast %broadcast_in_dim3A_0 : vector<16xf32> to vector<1x16xf32>
    tpu.vector_store %arg11[%swap3A_157, %swap3A_158], %swap3A_161 {strides = array<i32>} : memref<8x64xf32, #tpu.memory_space<vmem>>, vector<1x16xf32>,
    %swap3A_162 = arith.constant 6 : i32
    %swap3A_163 = arith.index_cast %swap3A_162 : i32 to index
    %swap3A_164 = arith.constant 48 : index
    %swap3A_165 = tpu.vector_load %arg11[%swap3A_163, %swap3A_164] {strides = array<i32>} : memref<8x64xf32, #tpu.memory_space<vmem>>, vector<1x16xf32>,
    %swap3A_166 = vector.shape_cast %swap3A_165 : vector<1x16xf32> to vector<16xf32>
    %swap3A_167 = vector.shape_cast %broadcast_in_dim3A_0 : vector<16xf32> to vector<1x16xf32>
    tpu.vector_store %arg11[%swap3A_163, %swap3A_164], %swap3A_167 {strides = array<i32>} : memref<8x64xf32, #tpu.memory_space<vmem>>, vector<1x16xf32>,
    %swap3A_168 = arith.constant 7 : i32
    %swap3A_169 = arith.index_cast %swap3A_168 : i32 to index
    %swap3A_170 = arith.constant 0 : index
    %swap3A_171 = tpu.vector_load %arg11[%swap3A_169, %swap3A_170] {strides = array<i32>} : memref<8x64xf32, #tpu.memory_space<vmem>>, vector<1x16xf32>,
    %swap3A_172 = vector.shape_cast %swap3A_171 : vector<1x16xf32> to vector<16xf32>
    %swap3A_173 = vector.shape_cast %broadcast_in_dim3A_0 : vector<16xf32> to vector<1x16xf32>
    tpu.vector_store %arg11[%swap3A_169, %swap3A_170], %swap3A_173 {strides = array<i32>} : memref<8x64xf32, #tpu.memory_space<vmem>>, vector<1x16xf32>,
    %swap3A_174 = arith.constant 7 : i32
    %swap3A_175 = arith.index_cast %swap3A_174 : i32 to index
    %swap3A_176 = arith.constant 16 : index
    %swap3A_177 = tpu.vector_load %arg11[%swap3A_175, %swap3A_176] {strides = array<i32>} : memref<8x64xf32, #tpu.memory_space<vmem>>, vector<1x16xf32>,
    %swap3A_178 = vector.shape_cast %swap3A_177 : vector<1x16xf32> to vector<16xf32>
    %swap3A_179 = vector.shape_cast %broadcast_in_dim3A_0 : vector<16xf32> to vector<1x16xf32>
    tpu.vector_store %arg11[%swap3A_175, %swap3A_176], %swap3A_179 {strides = array<i32>} : memref<8x64xf32, #tpu.memory_space<vmem>>, vector<1x16xf32>,
    %swap3A_180 = arith.constant 7 : i32
    %swap3A_181 = arith.index_cast %swap3A_180 : i32 to index
    %swap3A_182 = arith.constant 32 : index
    %swap3A_183 = tpu.vector_load %arg11[%swap3A_181, %swap3A_182] {strides = array<i32>} : memref<8x64xf32, #tpu.memory_space<vmem>>, vector<1x16xf32>,
    %swap3A_184 = vector.shape_cast %swap3A_183 : vector<1x16xf32> to vector<16xf32>
    %swap3A_185 = vector.shape_cast %broadcast_in_dim3A_0 : vector<16xf32> to vector<1x16xf32>
    tpu.vector_store %arg11[%swap3A_181, %swap3A_182], %swap3A_185 {strides = array<i32>} : memref<8x64xf32, #tpu.memory_space<vmem>>, vector<1x16xf32>,
    %swap3A_186 = arith.constant 7 : i32
    %swap3A_187 = arith.index_cast %swap3A_186 : i32 to index
    %swap3A_188 = arith.constant 48 : index
    %swap3A_189 = tpu.vector_load %arg11[%swap3A_187, %swap3A_188] {strides = array<i32>} : memref<8x64xf32, #tpu.memory_space<vmem>>, vector<1x16xf32>,
    %swap3A_190 = vector.shape_cast %swap3A_189 : vector<1x16xf32> to vector<16xf32>
    %swap3A_191 = vector.shape_cast %broadcast_in_dim3A_0 : vector<16xf32> to vector<1x16xf32>
    tpu.vector_store %arg11[%swap3A_187, %swap3A_188], %swap3A_191 {strides = array<i32>} : memref<8x64xf32, #tpu.memory_space<vmem>>, vector<1x16xf32>,
    %mul3A = arith.constant 8 : i32
    %mul3A_192 = arith.muli %arg1, %mul3A : i32
    "tpu.region"() ({
      %run_scoped3A = tpu.sem_alloc : memref<!tpu.dma_semaphore, #tpu.memory_space<semaphore_mem>>
      %dma_start3A_238 = arith.constant 0 : i32
      %dma_start3A_239 = tpu.memref_slice %arg12[%mul3A_192, %dma_start3A_238] : memref<128x64xf32, #tpu.memory_space<vmem_shared>> -> memref<8x64xf32, #tpu.memory_space<vmem_shared>>
      %dma_start3A_240 = arith.constant 0 : i32
      %dma_start3A_241 = tpu.memref_slice %arg12[%mul3A_192, %dma_start3A_240] : memref<128x64xf32, #tpu.memory_space<vmem_shared>> -> memref<8x64xf32, #tpu.memory_space<vmem_shared>>
      tpu.enqueue_dma source(%arg11 : memref<8x64xf32, #tpu.memory_space<vmem>>) target(%dma_start3A_241 : memref<8x64xf32, #tpu.memory_space<vmem_shared>>) target_semaphore(%run_scoped3A : memref<!tpu.dma_semaphore, #tpu.memory_space<semaphore_mem>>)
      %dma_wait3A_242 = arith.constant 0 : i32
      %dma_wait3A_243 = tpu.memref_slice %arg12[%mul3A_192, %dma_wait3A_242] : memref<128x64xf32, #tpu.memory_space<vmem_shared>> -> memref<8x64xf32, #tpu.memory_space<vmem_shared>>
      %dma_wait3A_244 = arith.constant 0 : i32
      %dma_wait3A_245 = tpu.memref_slice %arg12[%mul3A_192, %dma_wait3A_244] : memref<128x64xf32, #tpu.memory_space<vmem_shared>> -> memref<8x64xf32, #tpu.memory_space<vmem_shared>>
      tpu.wait_dma2 semaphore(%run_scoped3A : memref<!tpu.dma_semaphore, #tpu.memory_space<semaphore_mem>>) src(%arg11 : memref<8x64xf32, #tpu.memory_space<vmem>>) dst(%dma_wait3A_245 : memref<8x64xf32, #tpu.memory_space<vmem_shared>>)
      tpu.yield
    }) : () -> ()
    %mul3A_193 = arith.constant 16 : i32
    %mul3A_194 = arith.muli %arg0, %mul3A_193 : i32
    %add3A = arith.addi %mul3A_194, %arg1 : i32
    %mul3A_195 = arith.constant 2048 : i32
    %mul3A_196 = arith.muli %add3A, %mul3A_195 : i32
    %mul3A_197 = arith.constant 16 : i32
    %mul3A_198 = arith.muli %add3A, %mul3A_197 : i32
    %multiple_of3A = tpu.assume_multiple %mul3A_198, 8 : i32
    "tpu.region"() ({
      %run_scoped3A = tpu.sem_alloc : memref<!tpu.dma_semaphore, #tpu.memory_space<semaphore_mem>>
      %dma_start3A_238 = arith.constant 0 : i32
      %dma_start3A_239 = tpu.memref_slice %arg3[%multiple_of3A, %dma_start3A_238] : memref<512x128xi32, #tpu.memory_space<hbm>> -> memref<16x128xi32, #tpu.memory_space<hbm>>
      %dma_start3A_240 = arith.constant 0 : i32
      %dma_start3A_241 = tpu.memref_slice %arg3[%multiple_of3A, %dma_start3A_240] : memref<512x128xi32, #tpu.memory_space<hbm>> -> memref<16x128xi32, #tpu.memory_space<hbm>>
      tpu.enqueue_dma source(%dma_start3A_241 : memref<16x128xi32, #tpu.memory_space<hbm>>) target(%arg8 : memref<16x128xi32, #tpu.memory_space<vmem>>) target_semaphore(%run_scoped3A : memref<!tpu.dma_semaphore, #tpu.memory_space<semaphore_mem>>)
      %dma_wait3A_242 = arith.constant 0 : i32
      %dma_wait3A_243 = tpu.memref_slice %arg3[%multiple_of3A, %dma_wait3A_242] : memref<512x128xi32, #tpu.memory_space<hbm>> -> memref<16x128xi32, #tpu.memory_space<hbm>>
      %dma_wait3A_244 = arith.constant 0 : i32
      %dma_wait3A_245 = tpu.memref_slice %arg3[%multiple_of3A, %dma_wait3A_244] : memref<512x128xi32, #tpu.memory_space<hbm>> -> memref<16x128xi32, #tpu.memory_space<hbm>>
      tpu.wait_dma2 semaphore(%run_scoped3A : memref<!tpu.dma_semaphore, #tpu.memory_space<semaphore_mem>>) src(%dma_wait3A_245 : memref<16x128xi32, #tpu.memory_space<hbm>>) dst(%arg8 : memref<16x128xi32, #tpu.memory_space<vmem>>)
      tpu.yield
    }) : () -> ()
    "tpu.region"() ({
      %run_scoped3A = tpu.sem_alloc : memref<!tpu.dma_semaphore, #tpu.memory_space<semaphore_mem>>
      %dma_start3A_238 = arith.constant 0 : i32
      %dma_start3A_239 = tpu.memref_slice %arg4[%multiple_of3A, %dma_start3A_238] : memref<512x128xi32, #tpu.memory_space<hbm>> -> memref<16x128xi32, #tpu.memory_space<hbm>>
      %dma_start3A_240 = arith.constant 0 : i32
      %dma_start3A_241 = tpu.memref_slice %arg4[%multiple_of3A, %dma_start3A_240] : memref<512x128xi32, #tpu.memory_space<hbm>> -> memref<16x128xi32, #tpu.memory_space<hbm>>
      tpu.enqueue_dma source(%dma_start3A_241 : memref<16x128xi32, #tpu.memory_space<hbm>>) target(%arg9 : memref<16x128xi32, #tpu.memory_space<vmem>>) target_semaphore(%run_scoped3A : memref<!tpu.dma_semaphore, #tpu.memory_space<semaphore_mem>>)
      %dma_wait3A_242 = arith.constant 0 : i32
      %dma_wait3A_243 = tpu.memref_slice %arg4[%multiple_of3A, %dma_wait3A_242] : memref<512x128xi32, #tpu.memory_space<hbm>> -> memref<16x128xi32, #tpu.memory_space<hbm>>
      %dma_wait3A_244 = arith.constant 0 : i32
      %dma_wait3A_245 = tpu.memref_slice %arg4[%multiple_of3A, %dma_wait3A_244] : memref<512x128xi32, #tpu.memory_space<hbm>> -> memref<16x128xi32, #tpu.memory_space<hbm>>
      tpu.wait_dma2 semaphore(%run_scoped3A : memref<!tpu.dma_semaphore, #tpu.memory_space<semaphore_mem>>) src(%dma_wait3A_245 : memref<16x128xi32, #tpu.memory_space<hbm>>) dst(%arg9 : memref<16x128xi32, #tpu.memory_space<vmem>>)
      tpu.yield
    }) : () -> ()
    %scan3A = arith.constant 0 : i32
    %scan3A_199 = arith.constant 0 : i32
    %scan3A_200 = arith.constant 16 : i32
    %scan3A_201 = arith.addi %scan3A_199, %scan3A_200 : i32
    %scan3A_202 = arith.constant 1 : i32
    scf.for %scan3A_238 = %scan3A_199 to %scan3A_201 step %scan3A_202  : i32 {
      %get3A = arith.index_cast %scan3A_238 : i32 to index
      %get3A_239 = arith.constant 0 : index
      %get3A_240 = tpu.vector_load %arg9[%get3A, %get3A_239] {strides = array<i32>} : memref<16x128xi32, #tpu.memory_space<vmem>>, vector<1x16xi32>,
      %get3A_241 = vector.shape_cast %get3A_240 : vector<1x16xi32> to vector<16xi32>
      %mul3A_242 = arith.constant 16 : i32
      %mul3A_243 = vector.broadcast %mul3A_242 : i32 to vector<16xi32>
      %mul3A_244 = arith.muli %get3A_241, %mul3A_243 : vector<16xi32>
      %get3A_245 = arith.index_cast %scan3A_238 : i32 to index
      %get3A_246 = arith.constant 0 : index
      %get3A_247 = tpu.vector_load %arg8[%get3A_245, %get3A_246] {strides = array<i32>} : memref<16x128xi32, #tpu.memory_space<vmem>>, vector<1x16xi32>,
      %get3A_248 = vector.shape_cast %get3A_247 : vector<1x16xi32> to vector<16xi32>
      %add3A_249 = arith.addi %mul3A_244, %get3A_248 : vector<16xi32>
      %swap3A_250 = arith.index_cast %scan3A_238 : i32 to index
      %swap3A_251 = arith.constant 0 : index
      %swap3A_252 = tpu.vector_load %arg10[%swap3A_250, %swap3A_251] {strides = array<i32>} : memref<16x128xi32, #tpu.memory_space<vmem>>, vector<1x16xi32>,
      %swap3A_253 = vector.shape_cast %swap3A_252 : vector<1x16xi32> to vector<16xi32>
      %swap3A_254 = vector.shape_cast %add3A_249 : vector<16xi32> to vector<1x16xi32>
      tpu.vector_store %arg10[%swap3A_250, %swap3A_251], %swap3A_254 {strides = array<i32>} : memref<16x128xi32, #tpu.memory_space<vmem>>, vector<1x16xi32>,
      %get3A_255 = arith.index_cast %scan3A_238 : i32 to index
      %get3A_256 = arith.constant 16 : index
      %get3A_257 = tpu.vector_load %arg9[%get3A_255, %get3A_256] {strides = array<i32>} : memref<16x128xi32, #tpu.memory_space<vmem>>, vector<1x16xi32>,
      %get3A_258 = vector.shape_cast %get3A_257 : vector<1x16xi32> to vector<16xi32>
      %mul3A_259 = arith.constant 16 : i32
      %mul3A_260 = vector.broadcast %mul3A_259 : i32 to vector<16xi32>
      %mul3A_261 = arith.muli %get3A_258, %mul3A_260 : vector<16xi32>
      %get3A_262 = arith.index_cast %scan3A_238 : i32 to index
      %get3A_263 = arith.constant 16 : index
      %get3A_264 = tpu.vector_load %arg8[%get3A_262, %get3A_263] {strides = array<i32>} : memref<16x128xi32, #tpu.memory_space<vmem>>, vector<1x16xi32>,
      %get3A_265 = vector.shape_cast %get3A_264 : vector<1x16xi32> to vector<16xi32>
      %add3A_266 = arith.addi %mul3A_261, %get3A_265 : vector<16xi32>
      %swap3A_267 = arith.index_cast %scan3A_238 : i32 to index
      %swap3A_268 = arith.constant 16 : index
      %swap3A_269 = tpu.vector_load %arg10[%swap3A_267, %swap3A_268] {strides = array<i32>} : memref<16x128xi32, #tpu.memory_space<vmem>>, vector<1x16xi32>,
      %swap3A_270 = vector.shape_cast %swap3A_269 : vector<1x16xi32> to vector<16xi32>
      %swap3A_271 = vector.shape_cast %add3A_266 : vector<16xi32> to vector<1x16xi32>
      tpu.vector_store %arg10[%swap3A_267, %swap3A_268], %swap3A_271 {strides = array<i32>} : memref<16x128xi32, #tpu.memory_space<vmem>>, vector<1x16xi32>,
      %get3A_272 = arith.index_cast %scan3A_238 : i32 to index
      %get3A_273 = arith.constant 32 : index
      %get3A_274 = tpu.vector_load %arg9[%get3A_272, %get3A_273] {strides = array<i32>} : memref<16x128xi32, #tpu.memory_space<vmem>>, vector<1x16xi32>,
      %get3A_275 = vector.shape_cast %get3A_274 : vector<1x16xi32> to vector<16xi32>
      %mul3A_276 = arith.constant 16 : i32
      %mul3A_277 = vector.broadcast %mul3A_276 : i32 to vector<16xi32>
      %mul3A_278 = arith.muli %get3A_275, %mul3A_277 : vector<16xi32>
      %get3A_279 = arith.index_cast %scan3A_238 : i32 to index
      %get3A_280 = arith.constant 32 : index
      %get3A_281 = tpu.vector_load %arg8[%get3A_279, %get3A_280] {strides = array<i32>} : memref<16x128xi32, #tpu.memory_space<vmem>>, vector<1x16xi32>,
      %get3A_282 = vector.shape_cast %get3A_281 : vector<1x16xi32> to vector<16xi32>
      %add3A_283 = arith.addi %mul3A_278, %get3A_282 : vector<16xi32>
      %swap3A_284 = arith.index_cast %scan3A_238 : i32 to index
      %swap3A_285 = arith.constant 32 : index
      %swap3A_286 = tpu.vector_load %arg10[%swap3A_284, %swap3A_285] {strides = array<i32>} : memref<16x128xi32, #tpu.memory_space<vmem>>, vector<1x16xi32>,
      %swap3A_287 = vector.shape_cast %swap3A_286 : vector<1x16xi32> to vector<16xi32>
      %swap3A_288 = vector.shape_cast %add3A_283 : vector<16xi32> to vector<1x16xi32>
      tpu.vector_store %arg10[%swap3A_284, %swap3A_285], %swap3A_288 {strides = array<i32>} : memref<16x128xi32, #tpu.memory_space<vmem>>, vector<1x16xi32>,
      %get3A_289 = arith.index_cast %scan3A_238 : i32 to index
      %get3A_290 = arith.constant 48 : index
      %get3A_291 = tpu.vector_load %arg9[%get3A_289, %get3A_290] {strides = array<i32>} : memref<16x128xi32, #tpu.memory_space<vmem>>, vector<1x16xi32>,
      %get3A_292 = vector.shape_cast %get3A_291 : vector<1x16xi32> to vector<16xi32>
      %mul3A_293 = arith.constant 16 : i32
      %mul3A_294 = vector.broadcast %mul3A_293 : i32 to vector<16xi32>
      %mul3A_295 = arith.muli %get3A_292, %mul3A_294 : vector<16xi32>
      %get3A_296 = arith.index_cast %scan3A_238 : i32 to index
      %get3A_297 = arith.constant 48 : index
      %get3A_298 = tpu.vector_load %arg8[%get3A_296, %get3A_297] {strides = array<i32>} : memref<16x128xi32, #tpu.memory_space<vmem>>, vector<1x16xi32>,
      %get3A_299 = vector.shape_cast %get3A_298 : vector<1x16xi32> to vector<16xi32>
      %add3A_300 = arith.addi %mul3A_295, %get3A_299 : vector<16xi32>
      %swap3A_301 = arith.index_cast %scan3A_238 : i32 to index
      %swap3A_302 = arith.constant 48 : index
      %swap3A_303 = tpu.vector_load %arg10[%swap3A_301, %swap3A_302] {strides = array<i32>} : memref<16x128xi32, #tpu.memory_space<vmem>>, vector<1x16xi32>,
      %swap3A_304 = vector.shape_cast %swap3A_303 : vector<1x16xi32> to vector<16xi32>
      %swap3A_305 = vector.shape_cast %add3A_300 : vector<16xi32> to vector<1x16xi32>
      tpu.vector_store %arg10[%swap3A_301, %swap3A_302], %swap3A_305 {strides = array<i32>} : memref<16x128xi32, #tpu.memory_space<vmem>>, vector<1x16xi32>,
      %get3A_306 = arith.index_cast %scan3A_238 : i32 to index
      %get3A_307 = arith.constant 64 : index
      %get3A_308 = tpu.vector_load %arg9[%get3A_306, %get3A_307] {strides = array<i32>} : memref<16x128xi32, #tpu.memory_space<vmem>>, vector<1x16xi32>,
      %get3A_309 = vector.shape_cast %get3A_308 : vector<1x16xi32> to vector<16xi32>
      %mul3A_310 = arith.constant 16 : i32
      %mul3A_311 = vector.broadcast %mul3A_310 : i32 to vector<16xi32>
      %mul3A_312 = arith.muli %get3A_309, %mul3A_311 : vector<16xi32>
      %get3A_313 = arith.index_cast %scan3A_238 : i32 to index
      %get3A_314 = arith.constant 64 : index
      %get3A_315 = tpu.vector_load %arg8[%get3A_313, %get3A_314] {strides = array<i32>} : memref<16x128xi32, #tpu.memory_space<vmem>>, vector<1x16xi32>,
      %get3A_316 = vector.shape_cast %get3A_315 : vector<1x16xi32> to vector<16xi32>
      %add3A_317 = arith.addi %mul3A_312, %get3A_316 : vector<16xi32>
      %swap3A_318 = arith.index_cast %scan3A_238 : i32 to index
      %swap3A_319 = arith.constant 64 : index
      %swap3A_320 = tpu.vector_load %arg10[%swap3A_318, %swap3A_319] {strides = array<i32>} : memref<16x128xi32, #tpu.memory_space<vmem>>, vector<1x16xi32>,
      %swap3A_321 = vector.shape_cast %swap3A_320 : vector<1x16xi32> to vector<16xi32>
      %swap3A_322 = vector.shape_cast %add3A_317 : vector<16xi32> to vector<1x16xi32>
      tpu.vector_store %arg10[%swap3A_318, %swap3A_319], %swap3A_322 {strides = array<i32>} : memref<16x128xi32, #tpu.memory_space<vmem>>, vector<1x16xi32>,
      %get3A_323 = arith.index_cast %scan3A_238 : i32 to index
      %get3A_324 = arith.constant 80 : index
      %get3A_325 = tpu.vector_load %arg9[%get3A_323, %get3A_324] {strides = array<i32>} : memref<16x128xi32, #tpu.memory_space<vmem>>, vector<1x16xi32>,
      %get3A_326 = vector.shape_cast %get3A_325 : vector<1x16xi32> to vector<16xi32>
      %mul3A_327 = arith.constant 16 : i32
      %mul3A_328 = vector.broadcast %mul3A_327 : i32 to vector<16xi32>
      %mul3A_329 = arith.muli %get3A_326, %mul3A_328 : vector<16xi32>
      %get3A_330 = arith.index_cast %scan3A_238 : i32 to index
      %get3A_331 = arith.constant 80 : index
      %get3A_332 = tpu.vector_load %arg8[%get3A_330, %get3A_331] {strides = array<i32>} : memref<16x128xi32, #tpu.memory_space<vmem>>, vector<1x16xi32>,
      %get3A_333 = vector.shape_cast %get3A_332 : vector<1x16xi32> to vector<16xi32>
      %add3A_334 = arith.addi %mul3A_329, %get3A_333 : vector<16xi32>
      %swap3A_335 = arith.index_cast %scan3A_238 : i32 to index
      %swap3A_336 = arith.constant 80 : index
      %swap3A_337 = tpu.vector_load %arg10[%swap3A_335, %swap3A_336] {strides = array<i32>} : memref<16x128xi32, #tpu.memory_space<vmem>>, vector<1x16xi32>,
      %swap3A_338 = vector.shape_cast %swap3A_337 : vector<1x16xi32> to vector<16xi32>
      %swap3A_339 = vector.shape_cast %add3A_334 : vector<16xi32> to vector<1x16xi32>
      tpu.vector_store %arg10[%swap3A_335, %swap3A_336], %swap3A_339 {strides = array<i32>} : memref<16x128xi32, #tpu.memory_space<vmem>>, vector<1x16xi32>,
      %get3A_340 = arith.index_cast %scan3A_238 : i32 to index
      %get3A_341 = arith.constant 96 : index
      %get3A_342 = tpu.vector_load %arg9[%get3A_340, %get3A_341] {strides = array<i32>} : memref<16x128xi32, #tpu.memory_space<vmem>>, vector<1x16xi32>,
      %get3A_343 = vector.shape_cast %get3A_342 : vector<1x16xi32> to vector<16xi32>
      %mul3A_344 = arith.constant 16 : i32
      %mul3A_345 = vector.broadcast %mul3A_344 : i32 to vector<16xi32>
      %mul3A_346 = arith.muli %get3A_343, %mul3A_345 : vector<16xi32>
      %get3A_347 = arith.index_cast %scan3A_238 : i32 to index
      %get3A_348 = arith.constant 96 : index
      %get3A_349 = tpu.vector_load %arg8[%get3A_347, %get3A_348] {strides = array<i32>} : memref<16x128xi32, #tpu.memory_space<vmem>>, vector<1x16xi32>,
      %get3A_350 = vector.shape_cast %get3A_349 : vector<1x16xi32> to vector<16xi32>
      %add3A_351 = arith.addi %mul3A_346, %get3A_350 : vector<16xi32>
      %swap3A_352 = arith.index_cast %scan3A_238 : i32 to index
      %swap3A_353 = arith.constant 96 : index
      %swap3A_354 = tpu.vector_load %arg10[%swap3A_352, %swap3A_353] {strides = array<i32>} : memref<16x128xi32, #tpu.memory_space<vmem>>, vector<1x16xi32>,
      %swap3A_355 = vector.shape_cast %swap3A_354 : vector<1x16xi32> to vector<16xi32>
      %swap3A_356 = vector.shape_cast %add3A_351 : vector<16xi32> to vector<1x16xi32>
      tpu.vector_store %arg10[%swap3A_352, %swap3A_353], %swap3A_356 {strides = array<i32>} : memref<16x128xi32, #tpu.memory_space<vmem>>, vector<1x16xi32>,
      %get3A_357 = arith.index_cast %scan3A_238 : i32 to index
      %get3A_358 = arith.constant 112 : index
      %get3A_359 = tpu.vector_load %arg9[%get3A_357, %get3A_358] {strides = array<i32>} : memref<16x128xi32, #tpu.memory_space<vmem>>, vector<1x16xi32>,
      %get3A_360 = vector.shape_cast %get3A_359 : vector<1x16xi32> to vector<16xi32>
      %mul3A_361 = arith.constant 16 : i32
      %mul3A_362 = vector.broadcast %mul3A_361 : i32 to vector<16xi32>
      %mul3A_363 = arith.muli %get3A_360, %mul3A_362 : vector<16xi32>
      %get3A_364 = arith.index_cast %scan3A_238 : i32 to index
      %get3A_365 = arith.constant 112 : index
      %get3A_366 = tpu.vector_load %arg8[%get3A_364, %get3A_365] {strides = array<i32>} : memref<16x128xi32, #tpu.memory_space<vmem>>, vector<1x16xi32>,
      %get3A_367 = vector.shape_cast %get3A_366 : vector<1x16xi32> to vector<16xi32>
      %add3A_368 = arith.addi %mul3A_363, %get3A_367 : vector<16xi32>
      %swap3A_369 = arith.index_cast %scan3A_238 : i32 to index
      %swap3A_370 = arith.constant 112 : index
      %swap3A_371 = tpu.vector_load %arg10[%swap3A_369, %swap3A_370] {strides = array<i32>} : memref<16x128xi32, #tpu.memory_space<vmem>>, vector<1x16xi32>,
      %swap3A_372 = vector.shape_cast %swap3A_371 : vector<1x16xi32> to vector<16xi32>
      %swap3A_373 = vector.shape_cast %add3A_368 : vector<16xi32> to vector<1x16xi32>
      tpu.vector_store %arg10[%swap3A_369, %swap3A_370], %swap3A_373 {strides = array<i32>} : memref<16x128xi32, #tpu.memory_space<vmem>>, vector<1x16xi32>,
    }
    %scan3A_203 = arith.constant 16 : i32
    %barrier3A = arith.constant 0 : index
    tpu.barrier barrier_id(%barrier3A)
    %add3A_204 = arith.constant 0 : i32
    %add3A_205 = arith.addi %mul3A_196, %add3A_204 : i32
    %multiple_of3A_206 = tpu.assume_multiple %add3A_205, 256 : i32
    %dma_start3A = arith.constant 0 : i32
    %dma_start3A_207 = tpu.memref_slice %arg2[%multiple_of3A_206, %dma_start3A] : memref<65536x64xf32, #tpu.memory_space<hbm>> -> memref<256x64xf32, #tpu.memory_space<hbm>>
    %dma_start3A_208 = arith.constant 0 : i32
    %dma_start3A_209 = tpu.memref_slice %arg2[%multiple_of3A_206, %dma_start3A_208] : memref<65536x64xf32, #tpu.memory_space<hbm>> -> memref<256x64xf32, #tpu.memory_space<hbm>>
    tpu.enqueue_dma source(%dma_start3A_209 : memref<256x64xf32, #tpu.memory_space<hbm>>) target(%arg6 : memref<256x64xf32, #tpu.memory_space<vmem>>) target_semaphore(%arg13 : memref<!tpu.dma_semaphore, #tpu.memory_space<semaphore_mem>>)
    %scan3A_210 = arith.constant 0 : i32
    %scan3A_211 = arith.constant 0 : i32
    %scan3A_212 = arith.constant 4 : i32
    %scan3A_213 = arith.addi %scan3A_211, %scan3A_212 : i32
    %scan3A_214 = arith.constant 1 : i32
    scf.for %scan3A_238 = %scan3A_211 to %scan3A_213 step %scan3A_214  : i32 {
      %mul3A_239 = arith.constant 2 : i32
      %mul3A_240 = arith.muli %scan3A_238, %mul3A_239 : i32
      %add3A_241 = arith.constant 0 : i32
      %add3A_242 = arith.addi %mul3A_240, %add3A_241 : i32
      %mul3A_243 = arith.constant 256 : i32
      %mul3A_244 = arith.muli %add3A_242, %mul3A_243 : i32
      %add3A_245 = arith.addi %mul3A_196, %mul3A_244 : i32
      %multiple_of3A_246 = tpu.assume_multiple %add3A_245, 256 : i32
      %dma_wait3A_247 = arith.constant 0 : i32
      %dma_wait3A_248 = tpu.memref_slice %arg2[%multiple_of3A_246, %dma_wait3A_247] : memref<65536x64xf32, #tpu.memory_space<hbm>> -> memref<256x64xf32, #tpu.memory_space<hbm>>
      %dma_wait3A_249 = arith.constant 0 : i32
      %dma_wait3A_250 = tpu.memref_slice %arg2[%multiple_of3A_246, %dma_wait3A_249] : memref<65536x64xf32, #tpu.memory_space<hbm>> -> memref<256x64xf32, #tpu.memory_space<hbm>>
      tpu.wait_dma2 semaphore(%arg13 : memref<!tpu.dma_semaphore, #tpu.memory_space<semaphore_mem>>) src(%dma_wait3A_250 : memref<256x64xf32, #tpu.memory_space<hbm>>) dst(%arg6 : memref<256x64xf32, #tpu.memory_space<vmem>>)
      %ge3A = arith.constant 1 : i32
      %ge3A_251 = arith.cmpi sge, %add3A_242, %ge3A : i32
      %convert_element_type3A_252 = arith.extui %ge3A_251 : i1 to i32
      %cond3A_253 = arith.constant 0 : i32
      %cond3A_254 = arith.cmpi ne, %convert_element_type3A_252, %cond3A_253 : i32
      scf.if %cond3A_254 {
        %sub3A = arith.constant 1 : i32
        %sub3A_337 = arith.subi %add3A_242, %sub3A : i32
        %mul3A_338 = arith.constant 2 : i32
        %mul3A_339 = arith.muli %sub3A_337, %mul3A_338 : i32
        %add3A_340 = arith.constant 0 : i32
        %add3A_341 = arith.addi %mul3A_339, %add3A_340 : i32
        %dma_wait3A_342 = arith.constant 0 : i32
        %dma_wait3A_343 = arith.constant 0 : i32
        %dma_wait3A_344 = tpu.memref_slice %arg7[%dma_wait3A_342, %dma_wait3A_343] : memref<256x64xf32, #tpu.memory_space<vmem>> -> memref<128x64xf32, #tpu.memory_space<vmem>>
        %dma_wait3A_345 = arith.constant 0 : i32
        %dma_wait3A_346 = tpu.memref_slice %arg10[%add3A_341, %dma_wait3A_345] : memref<16x128xi32, #tpu.memory_space<vmem>> -> memref<1x128xi32, #tpu.memory_space<vmem>>
        %dma_wait3A_347 = tpu.memref_squeeze %dma_wait3A_346 : memref<1x128xi32, #tpu.memory_space<vmem>> -> memref<128xi32, #tpu.memory_space<vmem>>
        %dma_wait3A_348 = arith.constant 0 : i32
        %dma_wait3A_349 = arith.constant 0 : i32
        %dma_wait3A_350 = tpu.memref_slice %arg12[%dma_wait3A_348, %dma_wait3A_349] : memref<128x64xf32, #tpu.memory_space<vmem_shared>> -> memref<128x64xf32, #tpu.memory_space<vmem_shared>>
        tpu.wait_indirect_dma semaphore(%arg16 : memref<!tpu.dma_semaphore, #tpu.memory_space<semaphore_mem>>) src(%dma_wait3A_344 : memref<128x64xf32, #tpu.memory_space<vmem>>) dst(%dma_wait3A_350 : memref<128x64xf32, #tpu.memory_space<vmem_shared>>)
        %mul3A_351 = arith.constant 2 : i32
        %mul3A_352 = arith.muli %sub3A_337, %mul3A_351 : i32
        %add3A_353 = arith.constant 1 : i32
        %add3A_354 = arith.addi %mul3A_352, %add3A_353 : i32
        %dma_wait3A_355 = arith.constant 128 : i32
        %dma_wait3A_356 = arith.constant 0 : i32
        %dma_wait3A_357 = tpu.memref_slice %arg7[%dma_wait3A_355, %dma_wait3A_356] : memref<256x64xf32, #tpu.memory_space<vmem>> -> memref<128x64xf32, #tpu.memory_space<vmem>>
        %dma_wait3A_358 = arith.constant 0 : i32
        %dma_wait3A_359 = tpu.memref_slice %arg10[%add3A_354, %dma_wait3A_358] : memref<16x128xi32, #tpu.memory_space<vmem>> -> memref<1x128xi32, #tpu.memory_space<vmem>>
        %dma_wait3A_360 = tpu.memref_squeeze %dma_wait3A_359 : memref<1x128xi32, #tpu.memory_space<vmem>> -> memref<128xi32, #tpu.memory_space<vmem>>
        %dma_wait3A_361 = arith.constant 0 : i32
        %dma_wait3A_362 = arith.constant 0 : i32
        %dma_wait3A_363 = tpu.memref_slice %arg12[%dma_wait3A_361, %dma_wait3A_362] : memref<128x64xf32, #tpu.memory_space<vmem_shared>> -> memref<128x64xf32, #tpu.memory_space<vmem_shared>>
        tpu.wait_indirect_dma semaphore(%arg16 : memref<!tpu.dma_semaphore, #tpu.memory_space<semaphore_mem>>) src(%dma_wait3A_357 : memref<128x64xf32, #tpu.memory_space<vmem>>) dst(%dma_wait3A_363 : memref<128x64xf32, #tpu.memory_space<vmem_shared>>)
      } else {
      }
      %add3A_255 = arith.constant 1 : i32
      %add3A_256 = arith.addi %add3A_242, %add3A_255 : i32
      %lt3A = arith.constant 8 : i32
      %lt3A_257 = arith.cmpi slt, %add3A_256, %lt3A : i32
      %convert_element_type3A_258 = arith.extui %lt3A_257 : i1 to i32
      %cond3A_259 = arith.constant 0 : i32
      %cond3A_260 = arith.cmpi ne, %convert_element_type3A_258, %cond3A_259 : i32
      scf.if %cond3A_260 {
        %add3A_337 = arith.constant 1 : i32
        %add3A_338 = arith.addi %add3A_242, %add3A_337 : i32
        %mul3A_339 = arith.constant 256 : i32
        %mul3A_340 = arith.muli %add3A_338, %mul3A_339 : i32
        %add3A_341 = arith.addi %mul3A_196, %mul3A_340 : i32
        %multiple_of3A_342 = tpu.assume_multiple %add3A_341, 256 : i32
        %dma_start3A_343 = arith.constant 0 : i32
        %dma_start3A_344 = tpu.memref_slice %arg2[%multiple_of3A_342, %dma_start3A_343] : memref<65536x64xf32, #tpu.memory_space<hbm>> -> memref<256x64xf32, #tpu.memory_space<hbm>>
        %dma_start3A_345 = arith.constant 0 : i32
        %dma_start3A_346 = tpu.memref_slice %arg2[%multiple_of3A_342, %dma_start3A_345] : memref<65536x64xf32, #tpu.memory_space<hbm>> -> memref<256x64xf32, #tpu.memory_space<hbm>>
        tpu.enqueue_dma source(%dma_start3A_346 : memref<256x64xf32, #tpu.memory_space<hbm>>) target(%arg7 : memref<256x64xf32, #tpu.memory_space<vmem>>) target_semaphore(%arg14 : memref<!tpu.dma_semaphore, #tpu.memory_space<semaphore_mem>>)
      } else {
      }
      %mul3A_261 = arith.constant 2 : i32
      %mul3A_262 = arith.muli %add3A_242, %mul3A_261 : i32
      %add3A_263 = arith.constant 0 : i32
      %add3A_264 = arith.addi %mul3A_262, %add3A_263 : i32
      %dma_start3A_265 = arith.constant 0 : i32
      %dma_start3A_266 = arith.constant 0 : i32
      %dma_start3A_267 = tpu.memref_slice %arg6[%dma_start3A_265, %dma_start3A_266] : memref<256x64xf32, #tpu.memory_space<vmem>> -> memref<128x64xf32, #tpu.memory_space<vmem>>
      %dma_start3A_268 = arith.constant 0 : i32
      %dma_start3A_269 = tpu.memref_slice %arg10[%add3A_264, %dma_start3A_268] : memref<16x128xi32, #tpu.memory_space<vmem>> -> memref<1x128xi32, #tpu.memory_space<vmem>>
      %dma_start3A_270 = tpu.memref_squeeze %dma_start3A_269 : memref<1x128xi32, #tpu.memory_space<vmem>> -> memref<128xi32, #tpu.memory_space<vmem>>
      %dma_start3A_271 = arith.constant 0 : i32
      %dma_start3A_272 = arith.constant 0 : i32
      %dma_start3A_273 = tpu.memref_slice %arg12[%dma_start3A_271, %dma_start3A_272] : memref<128x64xf32, #tpu.memory_space<vmem_shared>> -> memref<128x64xf32, #tpu.memory_space<vmem_shared>>
      tpu.enqueue_indirect_dma source(%dma_start3A_267 : memref<128x64xf32, #tpu.memory_space<vmem>>) target(%dma_start3A_273 : memref<128x64xf32, #tpu.memory_space<vmem_shared>>) offsets(%dma_start3A_270 : memref<128xi32, #tpu.memory_space<vmem>>) semaphore(%arg15 : memref<!tpu.dma_semaphore, #tpu.memory_space<semaphore_mem>>) {add = true}
      %mul3A_274 = arith.constant 2 : i32
      %mul3A_275 = arith.muli %add3A_242, %mul3A_274 : i32
      %add3A_276 = arith.constant 1 : i32
      %add3A_277 = arith.addi %mul3A_275, %add3A_276 : i32
      %dma_start3A_278 = arith.constant 128 : i32
      %dma_start3A_279 = arith.constant 0 : i32
      %dma_start3A_280 = tpu.memref_slice %arg6[%dma_start3A_278, %dma_start3A_279] : memref<256x64xf32, #tpu.memory_space<vmem>> -> memref<128x64xf32, #tpu.memory_space<vmem>>
      %dma_start3A_281 = arith.constant 0 : i32
      %dma_start3A_282 = tpu.memref_slice %arg10[%add3A_277, %dma_start3A_281] : memref<16x128xi32, #tpu.memory_space<vmem>> -> memref<1x128xi32, #tpu.memory_space<vmem>>
      %dma_start3A_283 = tpu.memref_squeeze %dma_start3A_282 : memref<1x128xi32, #tpu.memory_space<vmem>> -> memref<128xi32, #tpu.memory_space<vmem>>
      %dma_start3A_284 = arith.constant 0 : i32
      %dma_start3A_285 = arith.constant 0 : i32
      %dma_start3A_286 = tpu.memref_slice %arg12[%dma_start3A_284, %dma_start3A_285] : memref<128x64xf32, #tpu.memory_space<vmem_shared>> -> memref<128x64xf32, #tpu.memory_space<vmem_shared>>
      tpu.enqueue_indirect_dma source(%dma_start3A_280 : memref<128x64xf32, #tpu.memory_space<vmem>>) target(%dma_start3A_286 : memref<128x64xf32, #tpu.memory_space<vmem_shared>>) offsets(%dma_start3A_283 : memref<128xi32, #tpu.memory_space<vmem>>) semaphore(%arg15 : memref<!tpu.dma_semaphore, #tpu.memory_space<semaphore_mem>>) {add = true}
      %mul3A_287 = arith.constant 2 : i32
      %mul3A_288 = arith.muli %scan3A_238, %mul3A_287 : i32
      %add3A_289 = arith.constant 1 : i32
      %add3A_290 = arith.addi %mul3A_288, %add3A_289 : i32
      %mul3A_291 = arith.constant 256 : i32
      %mul3A_292 = arith.muli %add3A_290, %mul3A_291 : i32
      %add3A_293 = arith.addi %mul3A_196, %mul3A_292 : i32
      %multiple_of3A_294 = tpu.assume_multiple %add3A_293, 256 : i32
      %dma_wait3A_295 = arith.constant 0 : i32
      %dma_wait3A_296 = tpu.memref_slice %arg2[%multiple_of3A_294, %dma_wait3A_295] : memref<65536x64xf32, #tpu.memory_space<hbm>> -> memref<256x64xf32, #tpu.memory_space<hbm>>
      %dma_wait3A_297 = arith.constant 0 : i32
      %dma_wait3A_298 = tpu.memref_slice %arg2[%multiple_of3A_294, %dma_wait3A_297] : memref<65536x64xf32, #tpu.memory_space<hbm>> -> memref<256x64xf32, #tpu.memory_space<hbm>>
      tpu.wait_dma2 semaphore(%arg14 : memref<!tpu.dma_semaphore, #tpu.memory_space<semaphore_mem>>) src(%dma_wait3A_298 : memref<256x64xf32, #tpu.memory_space<hbm>>) dst(%arg7 : memref<256x64xf32, #tpu.memory_space<vmem>>)
      %ge3A_299 = arith.constant 1 : i32
      %ge3A_300 = arith.cmpi sge, %add3A_290, %ge3A_299 : i32
      %convert_element_type3A_301 = arith.extui %ge3A_300 : i1 to i32
      %cond3A_302 = arith.constant 0 : i32
      %cond3A_303 = arith.cmpi ne, %convert_element_type3A_301, %cond3A_302 : i32
      scf.if %cond3A_303 {
        %sub3A = arith.constant 1 : i32
        %sub3A_337 = arith.subi %add3A_290, %sub3A : i32
        %mul3A_338 = arith.constant 2 : i32
        %mul3A_339 = arith.muli %sub3A_337, %mul3A_338 : i32
        %add3A_340 = arith.constant 0 : i32
        %add3A_341 = arith.addi %mul3A_339, %add3A_340 : i32
        %dma_wait3A_342 = arith.constant 0 : i32
        %dma_wait3A_343 = arith.constant 0 : i32
        %dma_wait3A_344 = tpu.memref_slice %arg6[%dma_wait3A_342, %dma_wait3A_343] : memref<256x64xf32, #tpu.memory_space<vmem>> -> memref<128x64xf32, #tpu.memory_space<vmem>>
        %dma_wait3A_345 = arith.constant 0 : i32
        %dma_wait3A_346 = tpu.memref_slice %arg10[%add3A_341, %dma_wait3A_345] : memref<16x128xi32, #tpu.memory_space<vmem>> -> memref<1x128xi32, #tpu.memory_space<vmem>>
        %dma_wait3A_347 = tpu.memref_squeeze %dma_wait3A_346 : memref<1x128xi32, #tpu.memory_space<vmem>> -> memref<128xi32, #tpu.memory_space<vmem>>
        %dma_wait3A_348 = arith.constant 0 : i32
        %dma_wait3A_349 = arith.constant 0 : i32
        %dma_wait3A_350 = tpu.memref_slice %arg12[%dma_wait3A_348, %dma_wait3A_349] : memref<128x64xf32, #tpu.memory_space<vmem_shared>> -> memref<128x64xf32, #tpu.memory_space<vmem_shared>>
        tpu.wait_indirect_dma semaphore(%arg15 : memref<!tpu.dma_semaphore, #tpu.memory_space<semaphore_mem>>) src(%dma_wait3A_344 : memref<128x64xf32, #tpu.memory_space<vmem>>) dst(%dma_wait3A_350 : memref<128x64xf32, #tpu.memory_space<vmem_shared>>)
        %mul3A_351 = arith.constant 2 : i32
        %mul3A_352 = arith.muli %sub3A_337, %mul3A_351 : i32
        %add3A_353 = arith.constant 1 : i32
        %add3A_354 = arith.addi %mul3A_352, %add3A_353 : i32
        %dma_wait3A_355 = arith.constant 128 : i32
        %dma_wait3A_356 = arith.constant 0 : i32
        %dma_wait3A_357 = tpu.memref_slice %arg6[%dma_wait3A_355, %dma_wait3A_356] : memref<256x64xf32, #tpu.memory_space<vmem>> -> memref<128x64xf32, #tpu.memory_space<vmem>>
        %dma_wait3A_358 = arith.constant 0 : i32
        %dma_wait3A_359 = tpu.memref_slice %arg10[%add3A_354, %dma_wait3A_358] : memref<16x128xi32, #tpu.memory_space<vmem>> -> memref<1x128xi32, #tpu.memory_space<vmem>>
        %dma_wait3A_360 = tpu.memref_squeeze %dma_wait3A_359 : memref<1x128xi32, #tpu.memory_space<vmem>> -> memref<128xi32, #tpu.memory_space<vmem>>
        %dma_wait3A_361 = arith.constant 0 : i32
        %dma_wait3A_362 = arith.constant 0 : i32
        %dma_wait3A_363 = tpu.memref_slice %arg12[%dma_wait3A_361, %dma_wait3A_362] : memref<128x64xf32, #tpu.memory_space<vmem_shared>> -> memref<128x64xf32, #tpu.memory_space<vmem_shared>>
        tpu.wait_indirect_dma semaphore(%arg15 : memref<!tpu.dma_semaphore, #tpu.memory_space<semaphore_mem>>) src(%dma_wait3A_357 : memref<128x64xf32, #tpu.memory_space<vmem>>) dst(%dma_wait3A_363 : memref<128x64xf32, #tpu.memory_space<vmem_shared>>)
      } else {
      }
      %add3A_304 = arith.constant 1 : i32
      %add3A_305 = arith.addi %add3A_290, %add3A_304 : i32
      %lt3A_306 = arith.constant 8 : i32
      %lt3A_307 = arith.cmpi slt, %add3A_305, %lt3A_306 : i32
      %convert_element_type3A_308 = arith.extui %lt3A_307 : i1 to i32
      %cond3A_309 = arith.constant 0 : i32
      %cond3A_310 = arith.cmpi ne, %convert_element_type3A_308, %cond3A_309 : i32
      scf.if %cond3A_310 {
        %add3A_337 = arith.constant 1 : i32
        %add3A_338 = arith.addi %add3A_290, %add3A_337 : i32
        %mul3A_339 = arith.constant 256 : i32
        %mul3A_340 = arith.muli %add3A_338, %mul3A_339 : i32
        %add3A_341 = arith.addi %mul3A_196, %mul3A_340 : i32
        %multiple_of3A_342 = tpu.assume_multiple %add3A_341, 256 : i32
        %dma_start3A_343 = arith.constant 0 : i32
        %dma_start3A_344 = tpu.memref_slice %arg2[%multiple_of3A_342, %dma_start3A_343] : memref<65536x64xf32, #tpu.memory_space<hbm>> -> memref<256x64xf32, #tpu.memory_space<hbm>>
        %dma_start3A_345 = arith.constant 0 : i32
        %dma_start3A_346 = tpu.memref_slice %arg2[%multiple_of3A_342, %dma_start3A_345] : memref<65536x64xf32, #tpu.memory_space<hbm>> -> memref<256x64xf32, #tpu.memory_space<hbm>>
        tpu.enqueue_dma source(%dma_start3A_346 : memref<256x64xf32, #tpu.memory_space<hbm>>) target(%arg6 : memref<256x64xf32, #tpu.memory_space<vmem>>) target_semaphore(%arg13 : memref<!tpu.dma_semaphore, #tpu.memory_space<semaphore_mem>>)
      } else {
      }
      %mul3A_311 = arith.constant 2 : i32
      %mul3A_312 = arith.muli %add3A_290, %mul3A_311 : i32
      %add3A_313 = arith.constant 0 : i32
      %add3A_314 = arith.addi %mul3A_312, %add3A_313 : i32
      %dma_start3A_315 = arith.constant 0 : i32
      %dma_start3A_316 = arith.constant 0 : i32
      %dma_start3A_317 = tpu.memref_slice %arg7[%dma_start3A_315, %dma_start3A_316] : memref<256x64xf32, #tpu.memory_space<vmem>> -> memref<128x64xf32, #tpu.memory_space<vmem>>
      %dma_start3A_318 = arith.constant 0 : i32
      %dma_start3A_319 = tpu.memref_slice %arg10[%add3A_314, %dma_start3A_318] : memref<16x128xi32, #tpu.memory_space<vmem>> -> memref<1x128xi32, #tpu.memory_space<vmem>>
      %dma_start3A_320 = tpu.memref_squeeze %dma_start3A_319 : memref<1x128xi32, #tpu.memory_space<vmem>> -> memref<128xi32, #tpu.memory_space<vmem>>
      %dma_start3A_321 = arith.constant 0 : i32
      %dma_start3A_322 = arith.constant 0 : i32
      %dma_start3A_323 = tpu.memref_slice %arg12[%dma_start3A_321, %dma_start3A_322] : memref<128x64xf32, #tpu.memory_space<vmem_shared>> -> memref<128x64xf32, #tpu.memory_space<vmem_shared>>
      tpu.enqueue_indirect_dma source(%dma_start3A_317 : memref<128x64xf32, #tpu.memory_space<vmem>>) target(%dma_start3A_323 : memref<128x64xf32, #tpu.memory_space<vmem_shared>>) offsets(%dma_start3A_320 : memref<128xi32, #tpu.memory_space<vmem>>) semaphore(%arg16 : memref<!tpu.dma_semaphore, #tpu.memory_space<semaphore_mem>>) {add = true}
      %mul3A_324 = arith.constant 2 : i32
      %mul3A_325 = arith.muli %add3A_290, %mul3A_324 : i32
      %add3A_326 = arith.constant 1 : i32
      %add3A_327 = arith.addi %mul3A_325, %add3A_326 : i32
      %dma_start3A_328 = arith.constant 128 : i32
      %dma_start3A_329 = arith.constant 0 : i32
      %dma_start3A_330 = tpu.memref_slice %arg7[%dma_start3A_328, %dma_start3A_329] : memref<256x64xf32, #tpu.memory_space<vmem>> -> memref<128x64xf32, #tpu.memory_space<vmem>>
      %dma_start3A_331 = arith.constant 0 : i32
      %dma_start3A_332 = tpu.memref_slice %arg10[%add3A_327, %dma_start3A_331] : memref<16x128xi32, #tpu.memory_space<vmem>> -> memref<1x128xi32, #tpu.memory_space<vmem>>
      %dma_start3A_333 = tpu.memref_squeeze %dma_start3A_332 : memref<1x128xi32, #tpu.memory_space<vmem>> -> memref<128xi32, #tpu.memory_space<vmem>>
      %dma_start3A_334 = arith.constant 0 : i32
      %dma_start3A_335 = arith.constant 0 : i32
      %dma_start3A_336 = tpu.memref_slice %arg12[%dma_start3A_334, %dma_start3A_335] : memref<128x64xf32, #tpu.memory_space<vmem_shared>> -> memref<128x64xf32, #tpu.memory_space<vmem_shared>>
      tpu.enqueue_indirect_dma source(%dma_start3A_330 : memref<128x64xf32, #tpu.memory_space<vmem>>) target(%dma_start3A_336 : memref<128x64xf32, #tpu.memory_space<vmem_shared>>) offsets(%dma_start3A_333 : memref<128xi32, #tpu.memory_space<vmem>>) semaphore(%arg16 : memref<!tpu.dma_semaphore, #tpu.memory_space<semaphore_mem>>) {add = true}
    }
    %scan3A_215 = arith.constant 4 : i32
    %dma_wait3A = arith.constant 14 : i32
    %dma_wait3A_216 = arith.constant 0 : i32
    %dma_wait3A_217 = arith.constant 0 : i32
    %dma_wait3A_218 = tpu.memref_slice %arg7[%dma_wait3A_216, %dma_wait3A_217] : memref<256x64xf32, #tpu.memory_space<vmem>> -> memref<128x64xf32, #tpu.memory_space<vmem>>
    %dma_wait3A_219 = arith.constant 0 : i32
    %dma_wait3A_220 = tpu.memref_slice %arg10[%dma_wait3A, %dma_wait3A_219] : memref<16x128xi32, #tpu.memory_space<vmem>> -> memref<1x128xi32, #tpu.memory_space<vmem>>
    %dma_wait3A_221 = tpu.memref_squeeze %dma_wait3A_220 : memref<1x128xi32, #tpu.memory_space<vmem>> -> memref<128xi32, #tpu.memory_space<vmem>>
    %dma_wait3A_222 = arith.constant 0 : i32
    %dma_wait3A_223 = arith.constant 0 : i32
    %dma_wait3A_224 = tpu.memref_slice %arg12[%dma_wait3A_222, %dma_wait3A_223] : memref<128x64xf32, #tpu.memory_space<vmem_shared>> -> memref<128x64xf32, #tpu.memory_space<vmem_shared>>
    tpu.wait_indirect_dma semaphore(%arg16 : memref<!tpu.dma_semaphore, #tpu.memory_space<semaphore_mem>>) src(%dma_wait3A_218 : memref<128x64xf32, #tpu.memory_space<vmem>>) dst(%dma_wait3A_224 : memref<128x64xf32, #tpu.memory_space<vmem_shared>>)
    %dma_wait3A_225 = arith.constant 15 : i32
    %dma_wait3A_226 = arith.constant 128 : i32
    %dma_wait3A_227 = arith.constant 0 : i32
    %dma_wait3A_228 = tpu.memref_slice %arg7[%dma_wait3A_226, %dma_wait3A_227] : memref<256x64xf32, #tpu.memory_space<vmem>> -> memref<128x64xf32, #tpu.memory_space<vmem>>
    %dma_wait3A_229 = arith.constant 0 : i32
    %dma_wait3A_230 = tpu.memref_slice %arg10[%dma_wait3A_225, %dma_wait3A_229] : memref<16x128xi32, #tpu.memory_space<vmem>> -> memref<1x128xi32, #tpu.memory_space<vmem>>
    %dma_wait3A_231 = tpu.memref_squeeze %dma_wait3A_230 : memref<1x128xi32, #tpu.memory_space<vmem>> -> memref<128xi32, #tpu.memory_space<vmem>>
    %dma_wait3A_232 = arith.constant 0 : i32
    %dma_wait3A_233 = arith.constant 0 : i32
    %dma_wait3A_234 = tpu.memref_slice %arg12[%dma_wait3A_232, %dma_wait3A_233] : memref<128x64xf32, #tpu.memory_space<vmem_shared>> -> memref<128x64xf32, #tpu.memory_space<vmem_shared>>
    tpu.wait_indirect_dma semaphore(%arg16 : memref<!tpu.dma_semaphore, #tpu.memory_space<semaphore_mem>>) src(%dma_wait3A_228 : memref<128x64xf32, #tpu.memory_space<vmem>>) dst(%dma_wait3A_234 : memref<128x64xf32, #tpu.memory_space<vmem_shared>>)
    %barrier3A_235 = arith.constant 0 : index
    tpu.barrier barrier_id(%barrier3A_235)
    %eq3A = arith.constant 0 : i32
    %eq3A_236 = arith.cmpi eq, %arg1, %eq3A : i32
    %convert_element_type3A = arith.extui %eq3A_236 : i1 to i32
    %cond3A = arith.constant 0 : i32
    %cond3A_237 = arith.cmpi ne, %convert_element_type3A, %cond3A : i32
    scf.if %cond3A_237 {
      "tpu.region"() ({
        %run_scoped3A = tpu.sem_alloc : memref<!tpu.dma_semaphore, #tpu.memory_space<semaphore_mem>>
        %dma_start3A_238 = arith.constant 0 : i32
        %dma_start3A_239 = arith.constant 0 : i32
        %dma_start3A_240 = tpu.memref_slice %arg5[%arg0, %dma_start3A_238, %dma_start3A_239] : memref<2x128x64xf32, #tpu.memory_space<hbm>> -> memref<1x128x64xf32, #tpu.memory_space<hbm>>
        %dma_start3A_241 = tpu.memref_squeeze %dma_start3A_240 : memref<1x128x64xf32, #tpu.memory_space<hbm>> -> memref<128x64xf32, #tpu.memory_space<hbm>>
        tpu.enqueue_dma source(%arg12 : memref<128x64xf32, #tpu.memory_space<vmem_shared>>) target(%dma_start3A_241 : memref<128x64xf32, #tpu.memory_space<hbm>>) target_semaphore(%run_scoped3A : memref<!tpu.dma_semaphore, #tpu.memory_space<semaphore_mem>>)
        %dma_wait3A_242 = arith.constant 0 : i32
        %dma_wait3A_243 = arith.constant 0 : i32
        %dma_wait3A_244 = tpu.memref_slice %arg5[%arg0, %dma_wait3A_242, %dma_wait3A_243] : memref<2x128x64xf32, #tpu.memory_space<hbm>> -> memref<1x128x64xf32, #tpu.memory_space<hbm>>
        %dma_wait3A_245 = tpu.memref_squeeze %dma_wait3A_244 : memref<1x128x64xf32, #tpu.memory_space<hbm>> -> memref<128x64xf32, #tpu.memory_space<hbm>>
        tpu.wait_dma2 semaphore(%run_scoped3A : memref<!tpu.dma_semaphore, #tpu.memory_space<semaphore_mem>>) src(%arg12 : memref<128x64xf32, #tpu.memory_space<vmem_shared>>) dst(%dma_wait3A_245 : memref<128x64xf32, #tpu.memory_space<hbm>>)
        tpu.yield
      }) : () -> ()
    } else {
    }
    return
  }
}

module attributes {stable_mosaic.version = 14 : i64} {
  func.func @_fs_tc_body(%arg0: i32, %arg1: memref<64x8192xf32, #tpu.memory_space<vmem>>, %arg2: memref<8192xi32, #tpu.memory_space<vmem>>, %arg3: memref<8192xi32, #tpu.memory_space<vmem>>, %arg4: memref<128x64xf32, #tpu.memory_space<vmem>>, %arg5: memref<1x8x1xf32, #tpu.memory_space<vmem>>, %arg6: memref<1x8x16xf32, #tpu.memory_space<vmem>>) attributes {dimension_semantics = [#tpu.dimension_semantics<arbitrary>], iteration_bounds = array<i64: 16>, scalar_prefetch = 0 : i64, scratch_operands = 0 : i64, tpu.core_type = #tpu.core_type<tc>, window_params = [{transform_indices = @transform_0, window_bounds = array<i64: 64, 8192>}, {transform_indices = @transform_1, window_bounds = array<i64: 8192>}, {transform_indices = @transform_2, window_bounds = array<i64: 8192>}, {pipeline_mode = #tpu.pipeline_mode<synchronous>, transform_indices = @transform_3, window_bounds = array<i64: 128, 64>}, {transform_indices = @transform_4, window_bounds = array<i64: 1, 8, 1>}, {transform_indices = @transform_5, window_bounds = array<i64: 1, 8, 16>}]} {
    %get3A = arith.constant 0 : index
    %get3A_0 = arith.constant 0 : index
    %get3A_1 = vector.load %arg1[%get3A, %get3A_0] : memref<64x8192xf32, #tpu.memory_space<vmem>>, vector<64x8192xf32>
    %get3A_2 = arith.constant 0 : index
    %get3A_3 = vector.load %arg2[%get3A_2] : memref<8192xi32, #tpu.memory_space<vmem>>, vector<8192xi32>
    %get3A_4 = arith.constant 0 : index
    %get3A_5 = vector.load %arg3[%get3A_4] : memref<8192xi32, #tpu.memory_space<vmem>>, vector<8192xi32>
    %mul3A = arith.mulf %get3A_1, %get3A_1 : vector<64x8192xf32>
    %broadcast_in_dim3A = arith.constant 1.000000e+00 : f32
    %broadcast_in_dim3A_6 = vector.broadcast %broadcast_in_dim3A : f32 to vector<1x64xf32>
    %dot_general3A = arith.constant dense<0.000000e+00> : vector<1x8192xf32>
    %dot_general3A_7 = tpu.matmul %broadcast_in_dim3A_6, %mul3A, %dot_general3A {dimension_numbers = #tpu.dot_dimension_numbers<[1], [0], [0], [1], [0, 0, 1, 1], [], []>, transpose_lhs_hint = false} : vector<1x64xf32>, vector<64x8192xf32>, vector<1x8192xf32> -> vector<1x8192xf32>
    %reshape3A = vector.shape_cast %get3A_3 : vector<8192xi32> to vector<1x8192xi32>
    %reshape3A_8 = vector.shape_cast %get3A_5 : vector<8192xi32> to vector<1x8192xi32>
    %iota3A = tpu.iota {dimensions = array<i32: 0>} : vector<8x1xi32>
    %eq3A = vector.broadcast %reshape3A : vector<1x8192xi32> to vector<8x8192xi32>
    %eq3A_9 = vector.broadcast %iota3A : vector<8x1xi32> to vector<8x8192xi32>
    %eq3A_10 = arith.cmpi eq, %eq3A, %eq3A_9 : vector<8x8192xi32>
    %convert_element_type3A = arith.extui %eq3A_10 : vector<8x8192xi1> to vector<8x8192xi32>
    %convert_element_type3A_11 = arith.sitofp %convert_element_type3A : vector<8x8192xi32> to vector<8x8192xf32>
    %iota3A_12 = tpu.iota {dimensions = array<i32: 0>} : vector<16x1xi32>
    %eq3A_13 = vector.broadcast %reshape3A_8 : vector<1x8192xi32> to vector<16x8192xi32>
    %eq3A_14 = vector.broadcast %iota3A_12 : vector<16x1xi32> to vector<16x8192xi32>
    %eq3A_15 = arith.cmpi eq, %eq3A_13, %eq3A_14 : vector<16x8192xi32>
    %convert_element_type3A_16 = arith.extui %eq3A_15 : vector<16x8192xi1> to vector<16x8192xi32>
    %convert_element_type3A_17 = arith.sitofp %convert_element_type3A_16 : vector<16x8192xi32> to vector<16x8192xf32>
    %dot_general3A_18 = arith.constant dense<0.000000e+00> : vector<8x1xf32>
    %dot_general3A_19 = tpu.matmul %convert_element_type3A_11, %dot_general3A_7, %dot_general3A_18 {dimension_numbers = #tpu.dot_dimension_numbers<[1], [1], [0], [0], [0, 0, 1, 0], [], []>, transpose_lhs_hint = false} : vector<8x8192xf32>, vector<1x8192xf32>, vector<8x1xf32> -> vector<8x1xf32>
    %dot_general3A_20 = arith.constant dense<0.000000e+00> : vector<8x16xf32>
    %dot_general3A_21 = tpu.matmul %convert_element_type3A_11, %convert_element_type3A_17, %dot_general3A_20 {dimension_numbers = #tpu.dot_dimension_numbers<[1], [1], [0], [0], [0, 0, 1, 0], [], []>, transpose_lhs_hint = false} : vector<8x8192xf32>, vector<16x8192xf32>, vector<8x16xf32> -> vector<8x16xf32>
    %reshape3A_22 = vector.shape_cast %dot_general3A_19 : vector<8x1xf32> to vector<1x8x1xf32>
    %swap3A = arith.constant 0 : index
    %swap3A_23 = arith.constant 0 : index
    %swap3A_24 = arith.constant 0 : index
    %swap3A_25 = vector.load %arg5[%swap3A, %swap3A_23, %swap3A_24] : memref<1x8x1xf32, #tpu.memory_space<vmem>>, vector<1x8x1xf32>
    tpu.vector_store %arg5[%swap3A, %swap3A_23, %swap3A_24], %reshape3A_22 {strides = array<i32>} : memref<1x8x1xf32, #tpu.memory_space<vmem>>, vector<1x8x1xf32>,
    %reshape3A_26 = vector.shape_cast %dot_general3A_21 : vector<8x16xf32> to vector<1x8x16xf32>
    %swap3A_27 = arith.constant 0 : index
    %swap3A_28 = arith.constant 0 : index
    %swap3A_29 = arith.constant 0 : index
    %swap3A_30 = vector.load %arg6[%swap3A_27, %swap3A_28, %swap3A_29] : memref<1x8x16xf32, #tpu.memory_space<vmem>>, vector<1x8x16xf32>
    tpu.vector_store %arg6[%swap3A_27, %swap3A_28, %swap3A_29], %reshape3A_26 {strides = array<i32>} : memref<1x8x16xf32, #tpu.memory_space<vmem>>, vector<1x8x16xf32>,
    %reshape3A_31 = vector.shape_cast %get3A_3 : vector<8192xi32> to vector<1x8192xi32>
    %mul3A_32 = arith.constant 16 : i32
    %mul3A_33 = vector.broadcast %mul3A_32 : i32 to vector<1x8192xi32>
    %mul3A_34 = arith.muli %reshape3A_31, %mul3A_33 : vector<1x8192xi32>
    %reshape3A_35 = vector.shape_cast %get3A_5 : vector<8192xi32> to vector<1x8192xi32>
    %add3A = arith.addi %mul3A_34, %reshape3A_35 : vector<1x8192xi32>
    %iota3A_36 = tpu.iota {dimensions = array<i32: 0>} : vector<128x1xi32>
    %eq3A_37 = vector.broadcast %add3A : vector<1x8192xi32> to vector<128x8192xi32>
    %eq3A_38 = vector.broadcast %iota3A_36 : vector<128x1xi32> to vector<128x8192xi32>
    %eq3A_39 = arith.cmpi eq, %eq3A_37, %eq3A_38 : vector<128x8192xi32>
    %convert_element_type3A_40 = arith.extui %eq3A_39 : vector<128x8192xi1> to vector<128x8192xi32>
    %convert_element_type3A_41 = arith.sitofp %convert_element_type3A_40 : vector<128x8192xi32> to vector<128x8192xf32>
    %dot_general3A_42 = arith.constant dense<0.000000e+00> : vector<128x64xf32>
    %dot_general3A_43 = tpu.matmul %convert_element_type3A_41, %get3A_1, %dot_general3A_42 {dimension_numbers = #tpu.dot_dimension_numbers<[1], [1], [0], [0], [0, 0, 1, 0], [], []>, transpose_lhs_hint = false} : vector<128x8192xf32>, vector<64x8192xf32>, vector<128x64xf32> -> vector<128x64xf32>
    %eq3A_44 = arith.constant 0 : i32
    %eq3A_45 = arith.cmpi eq, %arg0, %eq3A_44 : i32
    %convert_element_type3A_46 = arith.extui %eq3A_45 : i1 to i32
    %cond3A = arith.constant 0 : i32
    %cond3A_47 = arith.cmpi ne, %convert_element_type3A_46, %cond3A : i32
    scf.if %cond3A_47 {
      %broadcast_in_dim3A_55 = arith.constant 0.000000e+00 : f32
      %broadcast_in_dim3A_56 = vector.broadcast %broadcast_in_dim3A_55 : f32 to vector<128x64xf32>
      %swap3A_57 = arith.constant 0 : index
      %swap3A_58 = arith.constant 0 : index
      %swap3A_59 = vector.load %arg4[%swap3A_57, %swap3A_58] : memref<128x64xf32, #tpu.memory_space<vmem>>, vector<128x64xf32>
      tpu.vector_store %arg4[%swap3A_57, %swap3A_58], %broadcast_in_dim3A_56 {strides = array<i32>} : memref<128x64xf32, #tpu.memory_space<vmem>>, vector<128x64xf32>,
    } else {
    }
    %get3A_48 = arith.constant 0 : index
    %get3A_49 = arith.constant 0 : index
    %get3A_50 = vector.load %arg4[%get3A_48, %get3A_49] : memref<128x64xf32, #tpu.memory_space<vmem>>, vector<128x64xf32>
    %add3A_51 = arith.addf %get3A_50, %dot_general3A_43 : vector<128x64xf32>
    %swap3A_52 = arith.constant 0 : index
    %swap3A_53 = arith.constant 0 : index
    %swap3A_54 = vector.load %arg4[%swap3A_52, %swap3A_53] : memref<128x64xf32, #tpu.memory_space<vmem>>, vector<128x64xf32>
    tpu.vector_store %arg4[%swap3A_52, %swap3A_53], %add3A_51 {strides = array<i32>} : memref<128x64xf32, #tpu.memory_space<vmem>>, vector<128x64xf32>,
    return
  }
  func.func @transform_0(%arg0: i32) -> (i32, i32) {
    %c0_i32 = arith.constant 0 : i32
    %c0_i32_0 = arith.constant 0 : i32
    return %c0_i32, %arg0 : i32, i32
  }
  func.func @transform_1(%arg0: i32) -> i32 {
    %c0_i32 = arith.constant 0 : i32
    return %arg0 : i32
  }
  func.func @transform_2(%arg0: i32) -> i32 {
    %c0_i32 = arith.constant 0 : i32
    return %arg0 : i32
  }
  func.func @transform_3(%arg0: i32) -> (i32, i32) {
    %c0_i32 = arith.constant 0 : i32
    %c0_i32_0 = arith.constant 0 : i32
    %c0_i32_1 = arith.constant 0 : i32
    return %c0_i32, %c0_i32_0 : i32, i32
  }
  func.func @transform_4(%arg0: i32) -> (i32, i32, i32) {
    %c0_i32 = arith.constant 0 : i32
    %c0_i32_0 = arith.constant 0 : i32
    %c0_i32_1 = arith.constant 0 : i32
    return %arg0, %c0_i32, %c0_i32_0 : i32, i32, i32
  }
  func.func @transform_5(%arg0: i32) -> (i32, i32, i32) {
    %c0_i32 = arith.constant 0 : i32
    %c0_i32_0 = arith.constant 0 : i32
    %c0_i32_1 = arith.constant 0 : i32
    return %arg0, %c0_i32, %c0_i32_0 : i32, i32, i32
  }
}

module attributes {stable_mosaic.version = 14 : i64} {
  func.func @_t2_body(%arg0: i32, %arg1: memref<64x4096xf32, #tpu.memory_space<vmem>>, %arg2: memref<4096xi32, #tpu.memory_space<vmem>>, %arg3: memref<4096xi32, #tpu.memory_space<vmem>>, %arg4: memref<4096x64xf32, #tpu.memory_space<vmem>>, %arg5: memref<1x8x1xf32, #tpu.memory_space<vmem>>, %arg6: memref<1x8x16xf32, #tpu.memory_space<vmem>>) attributes {dimension_semantics = [#tpu.dimension_semantics<arbitrary>], iteration_bounds = array<i64: 16>, scalar_prefetch = 0 : i64, scratch_operands = 0 : i64, tpu.core_type = #tpu.core_type<tc>, window_params = [{transform_indices = @transform_0, window_bounds = array<i64: 64, 4096>}, {transform_indices = @transform_1, window_bounds = array<i64: 4096>}, {transform_indices = @transform_2, window_bounds = array<i64: 4096>}, {transform_indices = @transform_3, window_bounds = array<i64: 4096, 64>}, {transform_indices = @transform_4, window_bounds = array<i64: 1, 8, 1>}, {transform_indices = @transform_5, window_bounds = array<i64: 1, 8, 16>}]} {
    %get3A = arith.constant 0 : index
    %get3A_0 = arith.constant 0 : index
    %get3A_1 = vector.load %arg1[%get3A, %get3A_0] : memref<64x4096xf32, #tpu.memory_space<vmem>>, vector<64x4096xf32>
    %transpose3A = tpu.transpose %get3A_1, [1, 0] : vector<64x4096xf32> -> vector<4096x64xf32>
    %swap3A = arith.constant 0 : index
    %swap3A_2 = arith.constant 0 : index
    %swap3A_3 = vector.load %arg4[%swap3A, %swap3A_2] : memref<4096x64xf32, #tpu.memory_space<vmem>>, vector<4096x64xf32>
    tpu.vector_store %arg4[%swap3A, %swap3A_2], %transpose3A {strides = array<i32>} : memref<4096x64xf32, #tpu.memory_space<vmem>>, vector<4096x64xf32>,
    %get3A_4 = arith.constant 0 : index
    %get3A_5 = vector.load %arg2[%get3A_4] : memref<4096xi32, #tpu.memory_space<vmem>>, vector<4096xi32>
    %get3A_6 = arith.constant 0 : index
    %get3A_7 = vector.load %arg3[%get3A_6] : memref<4096xi32, #tpu.memory_space<vmem>>, vector<4096xi32>
    %mul3A = arith.mulf %get3A_1, %get3A_1 : vector<64x4096xf32>
    %broadcast_in_dim3A = arith.constant 1.000000e+00 : f32
    %broadcast_in_dim3A_8 = vector.broadcast %broadcast_in_dim3A : f32 to vector<1x64xf32>
    %dot_general3A = arith.constant dense<0.000000e+00> : vector<1x4096xf32>
    %dot_general3A_9 = tpu.matmul %broadcast_in_dim3A_8, %mul3A, %dot_general3A {dimension_numbers = #tpu.dot_dimension_numbers<[1], [0], [0], [1], [0, 0, 1, 1], [], []>, transpose_lhs_hint = false} : vector<1x64xf32>, vector<64x4096xf32>, vector<1x4096xf32> -> vector<1x4096xf32>
    %reshape3A = vector.shape_cast %get3A_5 : vector<4096xi32> to vector<1x4096xi32>
    %reshape3A_10 = vector.shape_cast %get3A_7 : vector<4096xi32> to vector<1x4096xi32>
    %iota3A = tpu.iota {dimensions = array<i32: 0>} : vector<8x1xi32>
    %eq3A = vector.broadcast %reshape3A : vector<1x4096xi32> to vector<8x4096xi32>
    %eq3A_11 = vector.broadcast %iota3A : vector<8x1xi32> to vector<8x4096xi32>
    %eq3A_12 = arith.cmpi eq, %eq3A, %eq3A_11 : vector<8x4096xi32>
    %convert_element_type3A = arith.extui %eq3A_12 : vector<8x4096xi1> to vector<8x4096xi32>
    %convert_element_type3A_13 = arith.sitofp %convert_element_type3A : vector<8x4096xi32> to vector<8x4096xf32>
    %iota3A_14 = tpu.iota {dimensions = array<i32: 0>} : vector<16x1xi32>
    %eq3A_15 = vector.broadcast %reshape3A_10 : vector<1x4096xi32> to vector<16x4096xi32>
    %eq3A_16 = vector.broadcast %iota3A_14 : vector<16x1xi32> to vector<16x4096xi32>
    %eq3A_17 = arith.cmpi eq, %eq3A_15, %eq3A_16 : vector<16x4096xi32>
    %convert_element_type3A_18 = arith.extui %eq3A_17 : vector<16x4096xi1> to vector<16x4096xi32>
    %convert_element_type3A_19 = arith.sitofp %convert_element_type3A_18 : vector<16x4096xi32> to vector<16x4096xf32>
    %dot_general3A_20 = arith.constant dense<0.000000e+00> : vector<8x1xf32>
    %dot_general3A_21 = tpu.matmul %convert_element_type3A_13, %dot_general3A_9, %dot_general3A_20 {dimension_numbers = #tpu.dot_dimension_numbers<[1], [1], [0], [0], [0, 0, 1, 0], [], []>, transpose_lhs_hint = false} : vector<8x4096xf32>, vector<1x4096xf32>, vector<8x1xf32> -> vector<8x1xf32>
    %dot_general3A_22 = arith.constant dense<0.000000e+00> : vector<8x16xf32>
    %dot_general3A_23 = tpu.matmul %convert_element_type3A_13, %convert_element_type3A_19, %dot_general3A_22 {dimension_numbers = #tpu.dot_dimension_numbers<[1], [1], [0], [0], [0, 0, 1, 0], [], []>, transpose_lhs_hint = false} : vector<8x4096xf32>, vector<16x4096xf32>, vector<8x16xf32> -> vector<8x16xf32>
    %reshape3A_24 = vector.shape_cast %dot_general3A_21 : vector<8x1xf32> to vector<1x8x1xf32>
    %swap3A_25 = arith.constant 0 : index
    %swap3A_26 = arith.constant 0 : index
    %swap3A_27 = arith.constant 0 : index
    %swap3A_28 = vector.load %arg5[%swap3A_25, %swap3A_26, %swap3A_27] : memref<1x8x1xf32, #tpu.memory_space<vmem>>, vector<1x8x1xf32>
    tpu.vector_store %arg5[%swap3A_25, %swap3A_26, %swap3A_27], %reshape3A_24 {strides = array<i32>} : memref<1x8x1xf32, #tpu.memory_space<vmem>>, vector<1x8x1xf32>,
    %reshape3A_29 = vector.shape_cast %dot_general3A_23 : vector<8x16xf32> to vector<1x8x16xf32>
    %swap3A_30 = arith.constant 0 : index
    %swap3A_31 = arith.constant 0 : index
    %swap3A_32 = arith.constant 0 : index
    %swap3A_33 = vector.load %arg6[%swap3A_30, %swap3A_31, %swap3A_32] : memref<1x8x16xf32, #tpu.memory_space<vmem>>, vector<1x8x16xf32>
    tpu.vector_store %arg6[%swap3A_30, %swap3A_31, %swap3A_32], %reshape3A_29 {strides = array<i32>} : memref<1x8x16xf32, #tpu.memory_space<vmem>>, vector<1x8x16xf32>,
    return
  }
  func.func @transform_0(%arg0: i32) -> (i32, i32) {
    %add3A = arith.constant 32 : i32
    %add3A_0 = arith.addi %arg0, %add3A : i32
    %c0_i32 = arith.constant 0 : i32
    %c0_i32_1 = arith.constant 0 : i32
    return %c0_i32, %add3A_0 : i32, i32
  }
  func.func @transform_1(%arg0: i32) -> i32 {
    %add3A = arith.constant 32 : i32
    %add3A_0 = arith.addi %arg0, %add3A : i32
    %c0_i32 = arith.constant 0 : i32
    return %add3A_0 : i32
  }
  func.func @transform_2(%arg0: i32) -> i32 {
    %add3A = arith.constant 32 : i32
    %add3A_0 = arith.addi %arg0, %add3A : i32
    %c0_i32 = arith.constant 0 : i32
    return %add3A_0 : i32
  }
  func.func @transform_3(%arg0: i32) -> (i32, i32) {
    %c0_i32 = arith.constant 0 : i32
    %c0_i32_0 = arith.constant 0 : i32
    return %arg0, %c0_i32 : i32, i32
  }
  func.func @transform_4(%arg0: i32) -> (i32, i32, i32) {
    %c0_i32 = arith.constant 0 : i32
    %c0_i32_0 = arith.constant 0 : i32
    %c0_i32_1 = arith.constant 0 : i32
    return %arg0, %c0_i32, %c0_i32_0 : i32, i32, i32
  }
  func.func @transform_5(%arg0: i32) -> (i32, i32, i32) {
    %c0_i32 = arith.constant 0 : i32
    %c0_i32_0 = arith.constant 0 : i32
    %c0_i32_1 = arith.constant 0 : i32
    return %arg0, %c0_i32, %c0_i32_0 : i32, i32, i32
  }
}

module attributes {stable_mosaic.version = 14 : i64} {
  func.func @_t2_body(%arg0: i32, %arg1: memref<64x4096xf32, #tpu.memory_space<vmem>>, %arg2: memref<4096xi32, #tpu.memory_space<vmem>>, %arg3: memref<4096xi32, #tpu.memory_space<vmem>>, %arg4: memref<4096x64xf32, #tpu.memory_space<vmem>>, %arg5: memref<1x8x1xf32, #tpu.memory_space<vmem>>, %arg6: memref<1x8x16xf32, #tpu.memory_space<vmem>>) attributes {dimension_semantics = [#tpu.dimension_semantics<arbitrary>], iteration_bounds = array<i64: 16>, scalar_prefetch = 0 : i64, scratch_operands = 0 : i64, tpu.core_type = #tpu.core_type<tc>, window_params = [{transform_indices = @transform_0, window_bounds = array<i64: 64, 4096>}, {transform_indices = @transform_1, window_bounds = array<i64: 4096>}, {transform_indices = @transform_2, window_bounds = array<i64: 4096>}, {transform_indices = @transform_3, window_bounds = array<i64: 4096, 64>}, {transform_indices = @transform_4, window_bounds = array<i64: 1, 8, 1>}, {transform_indices = @transform_5, window_bounds = array<i64: 1, 8, 16>}]} {
    %get3A = arith.constant 0 : index
    %get3A_0 = arith.constant 0 : index
    %get3A_1 = vector.load %arg1[%get3A, %get3A_0] : memref<64x4096xf32, #tpu.memory_space<vmem>>, vector<64x4096xf32>
    %transpose3A = tpu.transpose %get3A_1, [1, 0] : vector<64x4096xf32> -> vector<4096x64xf32>
    %swap3A = arith.constant 0 : index
    %swap3A_2 = arith.constant 0 : index
    %swap3A_3 = vector.load %arg4[%swap3A, %swap3A_2] : memref<4096x64xf32, #tpu.memory_space<vmem>>, vector<4096x64xf32>
    tpu.vector_store %arg4[%swap3A, %swap3A_2], %transpose3A {strides = array<i32>} : memref<4096x64xf32, #tpu.memory_space<vmem>>, vector<4096x64xf32>,
    %get3A_4 = arith.constant 0 : index
    %get3A_5 = vector.load %arg2[%get3A_4] : memref<4096xi32, #tpu.memory_space<vmem>>, vector<4096xi32>
    %get3A_6 = arith.constant 0 : index
    %get3A_7 = vector.load %arg3[%get3A_6] : memref<4096xi32, #tpu.memory_space<vmem>>, vector<4096xi32>
    %mul3A = arith.mulf %get3A_1, %get3A_1 : vector<64x4096xf32>
    %broadcast_in_dim3A = arith.constant 1.000000e+00 : f32
    %broadcast_in_dim3A_8 = vector.broadcast %broadcast_in_dim3A : f32 to vector<1x64xf32>
    %dot_general3A = arith.constant dense<0.000000e+00> : vector<1x4096xf32>
    %dot_general3A_9 = tpu.matmul %broadcast_in_dim3A_8, %mul3A, %dot_general3A {dimension_numbers = #tpu.dot_dimension_numbers<[1], [0], [0], [1], [0, 0, 1, 1], [], []>, transpose_lhs_hint = false} : vector<1x64xf32>, vector<64x4096xf32>, vector<1x4096xf32> -> vector<1x4096xf32>
    %reshape3A = vector.shape_cast %get3A_5 : vector<4096xi32> to vector<1x4096xi32>
    %reshape3A_10 = vector.shape_cast %get3A_7 : vector<4096xi32> to vector<1x4096xi32>
    %iota3A = tpu.iota {dimensions = array<i32: 0>} : vector<8x1xi32>
    %eq3A = vector.broadcast %reshape3A : vector<1x4096xi32> to vector<8x4096xi32>
    %eq3A_11 = vector.broadcast %iota3A : vector<8x1xi32> to vector<8x4096xi32>
    %eq3A_12 = arith.cmpi eq, %eq3A, %eq3A_11 : vector<8x4096xi32>
    %convert_element_type3A = arith.extui %eq3A_12 : vector<8x4096xi1> to vector<8x4096xi32>
    %convert_element_type3A_13 = arith.sitofp %convert_element_type3A : vector<8x4096xi32> to vector<8x4096xf32>
    %iota3A_14 = tpu.iota {dimensions = array<i32: 0>} : vector<16x1xi32>
    %eq3A_15 = vector.broadcast %reshape3A_10 : vector<1x4096xi32> to vector<16x4096xi32>
    %eq3A_16 = vector.broadcast %iota3A_14 : vector<16x1xi32> to vector<16x4096xi32>
    %eq3A_17 = arith.cmpi eq, %eq3A_15, %eq3A_16 : vector<16x4096xi32>
    %convert_element_type3A_18 = arith.extui %eq3A_17 : vector<16x4096xi1> to vector<16x4096xi32>
    %convert_element_type3A_19 = arith.sitofp %convert_element_type3A_18 : vector<16x4096xi32> to vector<16x4096xf32>
    %dot_general3A_20 = arith.constant dense<0.000000e+00> : vector<8x1xf32>
    %dot_general3A_21 = tpu.matmul %convert_element_type3A_13, %dot_general3A_9, %dot_general3A_20 {dimension_numbers = #tpu.dot_dimension_numbers<[1], [1], [0], [0], [0, 0, 1, 0], [], []>, transpose_lhs_hint = false} : vector<8x4096xf32>, vector<1x4096xf32>, vector<8x1xf32> -> vector<8x1xf32>
    %dot_general3A_22 = arith.constant dense<0.000000e+00> : vector<8x16xf32>
    %dot_general3A_23 = tpu.matmul %convert_element_type3A_13, %convert_element_type3A_19, %dot_general3A_22 {dimension_numbers = #tpu.dot_dimension_numbers<[1], [1], [0], [0], [0, 0, 1, 0], [], []>, transpose_lhs_hint = false} : vector<8x4096xf32>, vector<16x4096xf32>, vector<8x16xf32> -> vector<8x16xf32>
    %reshape3A_24 = vector.shape_cast %dot_general3A_21 : vector<8x1xf32> to vector<1x8x1xf32>
    %swap3A_25 = arith.constant 0 : index
    %swap3A_26 = arith.constant 0 : index
    %swap3A_27 = arith.constant 0 : index
    %swap3A_28 = vector.load %arg5[%swap3A_25, %swap3A_26, %swap3A_27] : memref<1x8x1xf32, #tpu.memory_space<vmem>>, vector<1x8x1xf32>
    tpu.vector_store %arg5[%swap3A_25, %swap3A_26, %swap3A_27], %reshape3A_24 {strides = array<i32>} : memref<1x8x1xf32, #tpu.memory_space<vmem>>, vector<1x8x1xf32>,
    %reshape3A_29 = vector.shape_cast %dot_general3A_23 : vector<8x16xf32> to vector<1x8x16xf32>
    %swap3A_30 = arith.constant 0 : index
    %swap3A_31 = arith.constant 0 : index
    %swap3A_32 = arith.constant 0 : index
    %swap3A_33 = vector.load %arg6[%swap3A_30, %swap3A_31, %swap3A_32] : memref<1x8x16xf32, #tpu.memory_space<vmem>>, vector<1x8x16xf32>
    tpu.vector_store %arg6[%swap3A_30, %swap3A_31, %swap3A_32], %reshape3A_29 {strides = array<i32>} : memref<1x8x16xf32, #tpu.memory_space<vmem>>, vector<1x8x16xf32>,
    return
  }
  func.func @transform_0(%arg0: i32) -> (i32, i32) {
    %add3A = arith.constant 48 : i32
    %add3A_0 = arith.addi %arg0, %add3A : i32
    %c0_i32 = arith.constant 0 : i32
    %c0_i32_1 = arith.constant 0 : i32
    return %c0_i32, %add3A_0 : i32, i32
  }
  func.func @transform_1(%arg0: i32) -> i32 {
    %add3A = arith.constant 48 : i32
    %add3A_0 = arith.addi %arg0, %add3A : i32
    %c0_i32 = arith.constant 0 : i32
    return %add3A_0 : i32
  }
  func.func @transform_2(%arg0: i32) -> i32 {
    %add3A = arith.constant 48 : i32
    %add3A_0 = arith.addi %arg0, %add3A : i32
    %c0_i32 = arith.constant 0 : i32
    return %add3A_0 : i32
  }
  func.func @transform_3(%arg0: i32) -> (i32, i32) {
    %c0_i32 = arith.constant 0 : i32
    %c0_i32_0 = arith.constant 0 : i32
    return %arg0, %c0_i32 : i32, i32
  }
  func.func @transform_4(%arg0: i32) -> (i32, i32, i32) {
    %c0_i32 = arith.constant 0 : i32
    %c0_i32_0 = arith.constant 0 : i32
    %c0_i32_1 = arith.constant 0 : i32
    return %arg0, %c0_i32, %c0_i32_0 : i32, i32, i32
  }
  func.func @transform_5(%arg0: i32) -> (i32, i32, i32) {
    %c0_i32 = arith.constant 0 : i32
    %c0_i32_0 = arith.constant 0 : i32
    %c0_i32_1 = arith.constant 0 : i32
    return %arg0, %c0_i32, %c0_i32_0 : i32, i32, i32
  }
}

module attributes {stable_mosaic.version = 14 : i64} {
  func.func @_final_body(%arg0: memref<4x128x64xf32, #tpu.memory_space<vmem>>, %arg1: memref<128x64xf32, #tpu.memory_space<vmem>>, %arg2: memref<48x8x16xf32, #tpu.memory_space<vmem>>, %arg3: memref<48x8x1xf32, #tpu.memory_space<vmem>>, %arg4: memref<16x64xf32, #tpu.memory_space<vmem>>, %arg5: memref<1x1xf32, #tpu.memory_space<vmem>>) attributes {dimension_semantics = [], scalar_prefetch = 0 : i64, scratch_operands = 0 : i64, tpu.core_type = #tpu.core_type<tc>} {
    %get3A = arith.constant 0 : index
    %get3A_0 = arith.constant 0 : index
    %get3A_1 = arith.constant 0 : index
    %get3A_2 = vector.load %arg0[%get3A, %get3A_0, %get3A_1] : memref<4x128x64xf32, #tpu.memory_space<vmem>>, vector<4x128x64xf32>
    %reduce_sum3A = arith.constant dense<0.000000e+00> : vector<128x64xf32>
    %reduce_sum3A_3 = vector.multi_reduction <add>, %get3A_2, %reduce_sum3A [0] : vector<4x128x64xf32> to vector<128x64xf32>
    %get3A_4 = arith.constant 0 : index
    %get3A_5 = arith.constant 0 : index
    %get3A_6 = vector.load %arg1[%get3A_4, %get3A_5] : memref<128x64xf32, #tpu.memory_space<vmem>>, vector<128x64xf32>
    %add3A = arith.addf %reduce_sum3A_3, %get3A_6 : vector<128x64xf32>
    %get3A_7 = arith.constant 0 : index
    %get3A_8 = arith.constant 0 : index
    %get3A_9 = arith.constant 0 : index
    %get3A_10 = vector.load %arg2[%get3A_7, %get3A_8, %get3A_9] : memref<48x8x16xf32, #tpu.memory_space<vmem>>, vector<48x8x16xf32>
    %reduce_sum3A_11 = arith.constant dense<0.000000e+00> : vector<8x16xf32>
    %reduce_sum3A_12 = vector.multi_reduction <add>, %get3A_10, %reduce_sum3A_11 [0] : vector<48x8x16xf32> to vector<8x16xf32>
    %get3A_13 = arith.constant 0 : index
    %get3A_14 = arith.constant 0 : index
    %get3A_15 = arith.constant 0 : index
    %get3A_16 = vector.load %arg3[%get3A_13, %get3A_14, %get3A_15] : memref<48x8x1xf32, #tpu.memory_space<vmem>>, vector<48x8x1xf32>
    %reduce_sum3A_17 = arith.constant dense<0.000000e+00> : vector<8x1xf32>
    %reduce_sum3A_18 = vector.multi_reduction <add>, %get3A_16, %reduce_sum3A_17 [0] : vector<48x8x1xf32> to vector<8x1xf32>
    %get3A_19 = arith.constant 0 : index
    %get3A_20 = arith.constant 0 : index
    %get3A_21 = vector.load %arg4[%get3A_19, %get3A_20] : memref<16x64xf32, #tpu.memory_space<vmem>>, vector<16x64xf32>
    %concatenate3A = tpu.concatenate %get3A_21, %get3A_21, %get3A_21, %get3A_21, %get3A_21, %get3A_21, %get3A_21, %get3A_21 in 0 : vector<16x64xf32>, vector<16x64xf32>, vector<16x64xf32>, vector<16x64xf32>, vector<16x64xf32>, vector<16x64xf32>, vector<16x64xf32>, vector<16x64xf32> -> vector<128x64xf32>
    %iota3A = tpu.iota {dimensions = array<i32: 0>} : vector<128x8xi32>
    %jit3A = arith.constant 16 : i32
    %div3A = vector.broadcast %jit3A : i32 to vector<128x8xi32>
    %div3A_22 = arith.divsi %iota3A, %div3A : vector<128x8xi32>
    %sign3A = arith.constant 0 : i32
    %sign3A_23 = vector.broadcast %sign3A : i32 to vector<128x8xi32>
    %sign3A_24 = arith.cmpi sgt, %iota3A, %sign3A_23 : vector<128x8xi32>
    %sign3A_25 = arith.extui %sign3A_24 : vector<128x8xi1> to vector<128x8xi32>
    %sign3A_26 = arith.constant 0 : i32
    %sign3A_27 = vector.broadcast %sign3A_26 : i32 to vector<128x8xi32>
    %sign3A_28 = arith.cmpi slt, %iota3A, %sign3A_27 : vector<128x8xi32>
    %sign3A_29 = arith.extui %sign3A_28 : vector<128x8xi1> to vector<128x8xi32>
    %sign3A_30 = arith.subi %sign3A_25, %sign3A_29 : vector<128x8xi32>
    %sign3A_31 = arith.constant 0 : i32
    %sign3A_32 = arith.cmpi sgt, %jit3A, %sign3A_31 : i32
    %sign3A_33 = arith.extui %sign3A_32 : i1 to i32
    %sign3A_34 = arith.constant 0 : i32
    %sign3A_35 = arith.cmpi slt, %jit3A, %sign3A_34 : i32
    %sign3A_36 = arith.extui %sign3A_35 : i1 to i32
    %sign3A_37 = arith.subi %sign3A_33, %sign3A_36 : i32
    %ne3A = vector.broadcast %sign3A_37 : i32 to vector<128x8xi32>
    %ne3A_38 = arith.cmpi ne, %sign3A_30, %ne3A : vector<128x8xi32>
    %rem3A = vector.broadcast %jit3A : i32 to vector<128x8xi32>
    %rem3A_39 = arith.remsi %iota3A, %rem3A : vector<128x8xi32>
    %ne3A_40 = arith.constant 0 : i32
    %ne3A_41 = vector.broadcast %ne3A_40 : i32 to vector<128x8xi32>
    %ne3A_42 = arith.cmpi ne, %rem3A_39, %ne3A_41 : vector<128x8xi32>
    %and3A = arith.andi %ne3A_38, %ne3A_42 : vector<128x8xi1>
    %sub3A = arith.constant 1 : i32
    %sub3A_43 = vector.broadcast %sub3A : i32 to vector<128x8xi32>
    %sub3A_44 = arith.subi %div3A_22, %sub3A_43 : vector<128x8xi32>
    %select_n3A = arith.select %and3A, %sub3A_44, %div3A_22 : vector<128x8xi1>, vector<128x8xi32>
    %iota3A_45 = tpu.iota {dimensions = array<i32: 1>} : vector<128x8xi32>
    %eq3A = arith.cmpi eq, %select_n3A, %iota3A_45 : vector<128x8xi32>
    %convert_element_type3A = arith.extui %eq3A : vector<128x8xi1> to vector<128x8xi32>
    %convert_element_type3A_46 = arith.sitofp %convert_element_type3A : vector<128x8xi32> to vector<128x8xf32>
    %iota3A_47 = tpu.iota {dimensions = array<i32: 0>} : vector<128x16xi32>
    %jit3A_48 = arith.constant 16 : i32
    %eq3A_49 = arith.constant 0 : i32
    %eq3A_50 = arith.cmpi eq, %jit3A_48, %eq3A_49 : i32
    %jit3A_51 = arith.constant 1 : i32
    %select_n3A_52 = arith.select %eq3A_50, %jit3A_51, %jit3A_48 : i32
    %rem3A_53 = vector.broadcast %select_n3A_52 : i32 to vector<128x16xi32>
    %rem3A_54 = arith.remsi %iota3A_47, %rem3A_53 : vector<128x16xi32>
    %ne3A_55 = arith.constant 0 : i32
    %ne3A_56 = vector.broadcast %ne3A_55 : i32 to vector<128x16xi32>
    %ne3A_57 = arith.cmpi ne, %rem3A_54, %ne3A_56 : vector<128x16xi32>
    %lt3A = arith.constant 0 : i32
    %lt3A_58 = vector.broadcast %lt3A : i32 to vector<128x16xi32>
    %lt3A_59 = arith.cmpi slt, %rem3A_54, %lt3A_58 : vector<128x16xi32>
    %lt3A_60 = arith.constant 0 : i32
    %lt3A_61 = arith.cmpi slt, %select_n3A_52, %lt3A_60 : i32
    %ne3A_62 = vector.broadcast %lt3A_61 : i1 to vector<128x16xi1>
    %ne3A_63 = vector.broadcast %ne3A_62 : vector<128x16xi1> to vector<128x16xi1>
    %ne3A_64 = arith.xori %lt3A_59, %ne3A_63 : vector<128x16xi1>
    %and3A_65 = arith.andi %ne3A_64, %ne3A_57 : vector<128x16xi1>
    %add3A_66 = vector.broadcast %select_n3A_52 : i32 to vector<128x16xi32>
    %add3A_67 = arith.addi %rem3A_54, %add3A_66 : vector<128x16xi32>
    %select_n3A_68 = arith.select %and3A_65, %add3A_67, %rem3A_54 : vector<128x16xi1>, vector<128x16xi32>
    %iota3A_69 = tpu.iota {dimensions = array<i32: 1>} : vector<128x16xi32>
    %eq3A_70 = arith.cmpi eq, %select_n3A_68, %iota3A_69 : vector<128x16xi32>
    %convert_element_type3A_71 = arith.extui %eq3A_70 : vector<128x16xi1> to vector<128x16xi32>
    %convert_element_type3A_72 = arith.sitofp %convert_element_type3A_71 : vector<128x16xi32> to vector<128x16xf32>
    %dot_general3A = arith.constant dense<0.000000e+00> : vector<128x16xf32>
    %dot_general3A_73 = tpu.matmul %convert_element_type3A_46, %reduce_sum3A_12, %dot_general3A {dimension_numbers = #tpu.dot_dimension_numbers<[1], [0], [0], [1], [0, 0, 1, 1], [], []>, transpose_lhs_hint = false} : vector<128x8xf32>, vector<8x16xf32>, vector<128x16xf32> -> vector<128x16xf32>
    %mul3A = arith.mulf %dot_general3A_73, %convert_element_type3A_72 : vector<128x16xf32>
    %reduce_sum3A_74 = arith.constant dense<0.000000e+00> : vector<128xf32>
    %reduce_sum3A_75 = vector.multi_reduction <add>, %mul3A, %reduce_sum3A_74 [1] : vector<128x16xf32> to vector<128xf32>
    %broadcast_in_dim3A = vector.shape_cast %reduce_sum3A_75 : vector<128xf32> to vector<128x1xf32>
    %mul3A_76 = arith.mulf %add3A, %concatenate3A : vector<128x64xf32>
    %reduce_sum3A_77 = arith.constant dense<0.000000e+00> : vector<128xf32>
    %reduce_sum3A_78 = vector.multi_reduction <add>, %mul3A_76, %reduce_sum3A_77 [1] : vector<128x64xf32> to vector<128xf32>
    %broadcast_in_dim3A_79 = vector.shape_cast %reduce_sum3A_78 : vector<128xf32> to vector<128x1xf32>
    %mul3A_80 = arith.mulf %concatenate3A, %concatenate3A : vector<128x64xf32>
    %reduce_sum3A_81 = arith.constant dense<0.000000e+00> : vector<128xf32>
    %reduce_sum3A_82 = vector.multi_reduction <add>, %mul3A_80, %reduce_sum3A_81 [1] : vector<128x64xf32> to vector<128xf32>
    %broadcast_in_dim3A_83 = vector.shape_cast %reduce_sum3A_82 : vector<128xf32> to vector<128x1xf32>
    %dot_general3A_84 = arith.constant dense<0.000000e+00> : vector<8x1xf32>
    %dot_general3A_85 = tpu.matmul %convert_element_type3A_46, %broadcast_in_dim3A_79, %dot_general3A_84 {dimension_numbers = #tpu.dot_dimension_numbers<[0], [0], [1], [1], [0, 1, 1, 1], [], []>, transpose_lhs_hint = false} : vector<128x8xf32>, vector<128x1xf32>, vector<8x1xf32> -> vector<8x1xf32>
    %mul3A_86 = arith.mulf %broadcast_in_dim3A, %broadcast_in_dim3A_83 : vector<128x1xf32>
    %dot_general3A_87 = arith.constant dense<0.000000e+00> : vector<8x1xf32>
    %dot_general3A_88 = tpu.matmul %convert_element_type3A_46, %mul3A_86, %dot_general3A_87 {dimension_numbers = #tpu.dot_dimension_numbers<[0], [0], [1], [1], [0, 1, 1, 1], [], []>, transpose_lhs_hint = false} : vector<128x8xf32>, vector<128x1xf32>, vector<8x1xf32> -> vector<8x1xf32>
    %dot_general3A_89 = arith.constant dense<0.000000e+00> : vector<8x1xf32>
    %dot_general3A_90 = tpu.matmul %convert_element_type3A_46, %broadcast_in_dim3A, %dot_general3A_89 {dimension_numbers = #tpu.dot_dimension_numbers<[0], [0], [1], [1], [0, 1, 1, 1], [], []>, transpose_lhs_hint = false} : vector<128x8xf32>, vector<128x1xf32>, vector<8x1xf32> -> vector<8x1xf32>
    %mul3A_91 = arith.constant 2.000000e+00 : f32
    %mul3A_92 = vector.broadcast %mul3A_91 : f32 to vector<8x1xf32>
    %mul3A_93 = arith.mulf %mul3A_92, %dot_general3A_85 : vector<8x1xf32>
    %sub3A_94 = arith.subf %reduce_sum3A_18, %mul3A_93 : vector<8x1xf32>
    %add3A_95 = arith.addf %sub3A_94, %dot_general3A_88 : vector<8x1xf32>
    %gt3A = arith.constant 0.000000e+00 : f32
    %gt3A_96 = vector.broadcast %gt3A : f32 to vector<8x1xf32>
    %gt3A_97 = arith.cmpf ogt, %dot_general3A_90, %gt3A_96 : vector<8x1xf32>
    %max3A = arith.constant 1.000000e+00 : f32
    %max3A_98 = vector.broadcast %max3A : f32 to vector<8x1xf32>
    %max3A_99 = arith.maximumf %dot_general3A_90, %max3A_98 : vector<8x1xf32>
    %div3A_100 = arith.divf %add3A_95, %max3A_99 : vector<8x1xf32>
    %jit3A_101 = arith.constant 0.000000e+00 : f32
    %broadcast_in_dim3A_102 = vector.broadcast %jit3A_101 : f32 to vector<8x1xf32>
    %select_n3A_103 = arith.select %gt3A_97, %div3A_100, %broadcast_in_dim3A_102 : vector<8x1xi1>, vector<8x1xf32>
    %reduce_sum3A_104 = vector.shape_cast %select_n3A_103 : vector<8x1xf32> to vector<1x8x1xf32>
    %reduce_sum3A_105 = arith.constant dense<0.000000e+00> : vector<1xf32>
    %reduce_sum3A_106 = vector.multi_reduction <add>, %reduce_sum3A_104, %reduce_sum3A_105 [1, 2] : vector<1x8x1xf32> to vector<1xf32>
    %reduce_sum3A_107 = vector.shape_cast %reduce_sum3A_106 : vector<1xf32> to vector<1x1x1xf32>
    %reduce_sum3A_108 = vector.extract %reduce_sum3A_107[0, 0, 0] : f32 from vector<1x1x1xf32>
    %convert_element_type3A_109 = arith.extui %gt3A_97 : vector<8x1xi1> to vector<8x1xi32>
    %convert_element_type3A_110 = arith.sitofp %convert_element_type3A_109 : vector<8x1xi32> to vector<8x1xf32>
    %reduce_sum3A_111 = vector.shape_cast %convert_element_type3A_110 : vector<8x1xf32> to vector<1x8x1xf32>
    %reduce_sum3A_112 = arith.constant dense<0.000000e+00> : vector<1xf32>
    %reduce_sum3A_113 = vector.multi_reduction <add>, %reduce_sum3A_111, %reduce_sum3A_112 [1, 2] : vector<1x8x1xf32> to vector<1xf32>
    %reduce_sum3A_114 = vector.shape_cast %reduce_sum3A_113 : vector<1xf32> to vector<1x1x1xf32>
    %reduce_sum3A_115 = vector.extract %reduce_sum3A_114[0, 0, 0] : f32 from vector<1x1x1xf32>
    %iota3A_116 = tpu.iota {dimensions = array<i32: 0>} : vector<16x16xi32>
    %iota3A_117 = tpu.iota {dimensions = array<i32: 1>} : vector<16x16xi32>
    %eq3A_118 = arith.cmpi eq, %iota3A_116, %iota3A_117 : vector<16x16xi32>
    %convert_element_type3A_119 = arith.extui %eq3A_118 : vector<16x16xi1> to vector<16x16xi32>
    %convert_element_type3A_120 = arith.sitofp %convert_element_type3A_119 : vector<16x16xi32> to vector<16x16xf32>
    %sub3A_121 = arith.constant 1.000000e+00 : f32
    %sub3A_122 = vector.broadcast %sub3A_121 : f32 to vector<16x16xf32>
    %sub3A_123 = arith.subf %sub3A_122, %convert_element_type3A_120 : vector<16x16xf32>
    %slice3A = vector.extract_strided_slice %broadcast_in_dim3A {offsets = [0, 0], sizes = [16, 1], strides = [1, 1]} : vector<128x1xf32> to vector<16x1xf32>
    %slice3A_124 = vector.extract_strided_slice %add3A {offsets = [0, 0], sizes = [16, 64], strides = [1, 1]} : vector<128x64xf32> to vector<16x64xf32>
    %max3A_125 = arith.constant 1.000000e+00 : f32
    %max3A_126 = vector.broadcast %max3A_125 : f32 to vector<16x1xf32>
    %max3A_127 = arith.maximumf %slice3A, %max3A_126 : vector<16x1xf32>
    %div3A_128 = vector.broadcast %max3A_127 : vector<16x1xf32> to vector<16x64xf32>
    %div3A_129 = arith.divf %slice3A_124, %div3A_128 : vector<16x64xf32>
    %dot_general3A_130 = arith.constant dense<0.000000e+00> : vector<16x16xf32>
    %dot_general3A_131 = tpu.matmul %div3A_129, %div3A_129, %dot_general3A_130 {dimension_numbers = #tpu.dot_dimension_numbers<[1], [1], [0], [0], [0, 0, 1, 0], [], []>, transpose_lhs_hint = false} : vector<16x64xf32>, vector<16x64xf32>, vector<16x16xf32> -> vector<16x16xf32>
    %mul3A_132 = arith.mulf %dot_general3A_131, %convert_element_type3A_120 : vector<16x16xf32>
    %reduce_sum3A_133 = arith.constant dense<0.000000e+00> : vector<16xf32>
    %reduce_sum3A_134 = vector.multi_reduction <add>, %mul3A_132, %reduce_sum3A_133 [1] : vector<16x16xf32> to vector<16xf32>
    %broadcast_in_dim3A_135 = vector.shape_cast %reduce_sum3A_134 : vector<16xf32> to vector<16x1xf32>
    %mul3A_136 = arith.mulf %dot_general3A_131, %convert_element_type3A_120 : vector<16x16xf32>
    %reduce_sum3A_137 = arith.constant dense<0.000000e+00> : vector<16xf32>
    %reduce_sum3A_138 = vector.multi_reduction <add>, %mul3A_136, %reduce_sum3A_137 [0] : vector<16x16xf32> to vector<16xf32>
    %broadcast_in_dim3A_139 = vector.shape_cast %reduce_sum3A_138 : vector<16xf32> to vector<1x16xf32>
    %add3A_140 = vector.broadcast %broadcast_in_dim3A_135 : vector<16x1xf32> to vector<16x16xf32>
    %add3A_141 = vector.broadcast %broadcast_in_dim3A_139 : vector<1x16xf32> to vector<16x16xf32>
    %add3A_142 = arith.addf %add3A_140, %add3A_141 : vector<16x16xf32>
    %mul3A_143 = arith.constant 2.000000e+00 : f32
    %mul3A_144 = vector.broadcast %mul3A_143 : f32 to vector<16x16xf32>
    %mul3A_145 = arith.mulf %mul3A_144, %dot_general3A_131 : vector<16x16xf32>
    %sub3A_146 = arith.subf %add3A_142, %mul3A_145 : vector<16x16xf32>
    %gt3A_147 = arith.constant 0.000000e+00 : f32
    %gt3A_148 = vector.broadcast %gt3A_147 : f32 to vector<16x16xf32>
    %gt3A_149 = arith.cmpf ogt, %sub3A_146, %gt3A_148 : vector<16x16xf32>
    %jit3A_150 = arith.constant 1.000000e+00 : f32
    %broadcast_in_dim3A_151 = vector.broadcast %jit3A_150 : f32 to vector<16x16xf32>
    %select_n3A_152 = arith.select %gt3A_149, %sub3A_146, %broadcast_in_dim3A_151 : vector<16x16xi1>, vector<16x16xf32>
    %sqrt3A = math.sqrt %select_n3A_152 : vector<16x16xf32>
    %jit3A_153 = arith.constant 0.000000e+00 : f32
    %broadcast_in_dim3A_154 = vector.broadcast %jit3A_153 : f32 to vector<16x16xf32>
    %select_n3A_155 = arith.select %gt3A_149, %sqrt3A, %broadcast_in_dim3A_154 : vector<16x16xi1>, vector<16x16xf32>
    %gt3A_156 = arith.constant 0.000000e+00 : f32
    %gt3A_157 = vector.broadcast %gt3A_156 : f32 to vector<16x1xf32>
    %gt3A_158 = arith.cmpf ogt, %slice3A, %gt3A_157 : vector<16x1xf32>
    %convert_element_type3A_159 = arith.extui %gt3A_158 : vector<16x1xi1> to vector<16x1xi32>
    %convert_element_type3A_160 = arith.sitofp %convert_element_type3A_159 : vector<16x1xi32> to vector<16x1xf32>
    %dot_general3A_161 = arith.constant dense<0.000000e+00> : vector<16x16xf32>
    %dot_general3A_162 = tpu.matmul %convert_element_type3A_160, %convert_element_type3A_160, %dot_general3A_161 {dimension_numbers = #tpu.dot_dimension_numbers<[1], [1], [0], [0], [0, 0, 1, 0], [], []>, transpose_lhs_hint = false} : vector<16x1xf32>, vector<16x1xf32>, vector<16x16xf32> -> vector<16x16xf32>
    %mul3A_163 = arith.mulf %dot_general3A_162, %sub3A_123 : vector<16x16xf32>
    %sub3A_164 = arith.constant 5.000000e-01 : f32
    %sub3A_165 = vector.broadcast %sub3A_164 : f32 to vector<16x16xf32>
    %sub3A_166 = arith.subf %sub3A_165, %select_n3A_155 : vector<16x16xf32>
    %max3A_167 = arith.constant 0.000000e+00 : f32
    %max3A_168 = vector.broadcast %max3A_167 : f32 to vector<16x16xf32>
    %max3A_169 = arith.maximumf %sub3A_166, %max3A_168 : vector<16x16xf32>
    %reduce_sum3A_170 = vector.shape_cast %mul3A_163 : vector<16x16xf32> to vector<1x16x16xf32>
    %reduce_sum3A_171 = arith.constant dense<0.000000e+00> : vector<1xf32>
    %reduce_sum3A_172 = vector.multi_reduction <add>, %reduce_sum3A_170, %reduce_sum3A_171 [1, 2] : vector<1x16x16xf32> to vector<1xf32>
    %reduce_sum3A_173 = vector.shape_cast %reduce_sum3A_172 : vector<1xf32> to vector<1x1x1xf32>
    %reduce_sum3A_174 = vector.extract %reduce_sum3A_173[0, 0, 0] : f32 from vector<1x1x1xf32>
    %reduce_sum3A_175 = vector.shape_cast %convert_element_type3A_160 : vector<16x1xf32> to vector<1x16x1xf32>
    %reduce_sum3A_176 = arith.constant dense<0.000000e+00> : vector<1xf32>
    %reduce_sum3A_177 = vector.multi_reduction <add>, %reduce_sum3A_175, %reduce_sum3A_176 [1, 2] : vector<1x16x1xf32> to vector<1xf32>
    %reduce_sum3A_178 = vector.shape_cast %reduce_sum3A_177 : vector<1xf32> to vector<1x1x1xf32>
    %reduce_sum3A_179 = vector.extract %reduce_sum3A_178[0, 0, 0] : f32 from vector<1x1x1xf32>
    %gt3A_180 = arith.constant 1.000000e+00 : f32
    %gt3A_181 = arith.cmpf ogt, %reduce_sum3A_179, %gt3A_180 : f32
    %mul3A_182 = arith.mulf %max3A_169, %mul3A_163 : vector<16x16xf32>
    %reduce_sum3A_183 = vector.shape_cast %mul3A_182 : vector<16x16xf32> to vector<1x16x16xf32>
    %reduce_sum3A_184 = arith.constant dense<0.000000e+00> : vector<1xf32>
    %reduce_sum3A_185 = vector.multi_reduction <add>, %reduce_sum3A_183, %reduce_sum3A_184 [1, 2] : vector<1x16x16xf32> to vector<1xf32>
    %reduce_sum3A_186 = vector.shape_cast %reduce_sum3A_185 : vector<1xf32> to vector<1x1x1xf32>
    %reduce_sum3A_187 = vector.extract %reduce_sum3A_186[0, 0, 0] : f32 from vector<1x1x1xf32>
    %max3A_188 = arith.constant 1.000000e+00 : f32
    %max3A_189 = arith.maximumf %reduce_sum3A_174, %max3A_188 : f32
    %div3A_190 = arith.divf %reduce_sum3A_187, %max3A_189 : f32
    %jit3A_191 = arith.constant 0.000000e+00 : f32
    %select_n3A_192 = arith.select %gt3A_181, %div3A_190, %jit3A_191 : f32
    %add3A_193 = arith.constant 0.000000e+00 : f32
    %add3A_194 = arith.addf %add3A_193, %select_n3A_192 : f32
    %slice3A_195 = vector.extract_strided_slice %broadcast_in_dim3A {offsets = [16, 0], sizes = [16, 1], strides = [1, 1]} : vector<128x1xf32> to vector<16x1xf32>
    %slice3A_196 = vector.extract_strided_slice %add3A {offsets = [16, 0], sizes = [16, 64], strides = [1, 1]} : vector<128x64xf32> to vector<16x64xf32>
    %max3A_197 = arith.constant 1.000000e+00 : f32
    %max3A_198 = vector.broadcast %max3A_197 : f32 to vector<16x1xf32>
    %max3A_199 = arith.maximumf %slice3A_195, %max3A_198 : vector<16x1xf32>
    %div3A_200 = vector.broadcast %max3A_199 : vector<16x1xf32> to vector<16x64xf32>
    %div3A_201 = arith.divf %slice3A_196, %div3A_200 : vector<16x64xf32>
    %dot_general3A_202 = arith.constant dense<0.000000e+00> : vector<16x16xf32>
    %dot_general3A_203 = tpu.matmul %div3A_201, %div3A_201, %dot_general3A_202 {dimension_numbers = #tpu.dot_dimension_numbers<[1], [1], [0], [0], [0, 0, 1, 0], [], []>, transpose_lhs_hint = false} : vector<16x64xf32>, vector<16x64xf32>, vector<16x16xf32> -> vector<16x16xf32>
    %mul3A_204 = arith.mulf %dot_general3A_203, %convert_element_type3A_120 : vector<16x16xf32>
    %reduce_sum3A_205 = arith.constant dense<0.000000e+00> : vector<16xf32>
    %reduce_sum3A_206 = vector.multi_reduction <add>, %mul3A_204, %reduce_sum3A_205 [1] : vector<16x16xf32> to vector<16xf32>
    %broadcast_in_dim3A_207 = vector.shape_cast %reduce_sum3A_206 : vector<16xf32> to vector<16x1xf32>
    %mul3A_208 = arith.mulf %dot_general3A_203, %convert_element_type3A_120 : vector<16x16xf32>
    %reduce_sum3A_209 = arith.constant dense<0.000000e+00> : vector<16xf32>
    %reduce_sum3A_210 = vector.multi_reduction <add>, %mul3A_208, %reduce_sum3A_209 [0] : vector<16x16xf32> to vector<16xf32>
    %broadcast_in_dim3A_211 = vector.shape_cast %reduce_sum3A_210 : vector<16xf32> to vector<1x16xf32>
    %add3A_212 = vector.broadcast %broadcast_in_dim3A_207 : vector<16x1xf32> to vector<16x16xf32>
    %add3A_213 = vector.broadcast %broadcast_in_dim3A_211 : vector<1x16xf32> to vector<16x16xf32>
    %add3A_214 = arith.addf %add3A_212, %add3A_213 : vector<16x16xf32>
    %mul3A_215 = arith.constant 2.000000e+00 : f32
    %mul3A_216 = vector.broadcast %mul3A_215 : f32 to vector<16x16xf32>
    %mul3A_217 = arith.mulf %mul3A_216, %dot_general3A_203 : vector<16x16xf32>
    %sub3A_218 = arith.subf %add3A_214, %mul3A_217 : vector<16x16xf32>
    %gt3A_219 = arith.constant 0.000000e+00 : f32
    %gt3A_220 = vector.broadcast %gt3A_219 : f32 to vector<16x16xf32>
    %gt3A_221 = arith.cmpf ogt, %sub3A_218, %gt3A_220 : vector<16x16xf32>
    %jit3A_222 = arith.constant 1.000000e+00 : f32
    %broadcast_in_dim3A_223 = vector.broadcast %jit3A_222 : f32 to vector<16x16xf32>
    %select_n3A_224 = arith.select %gt3A_221, %sub3A_218, %broadcast_in_dim3A_223 : vector<16x16xi1>, vector<16x16xf32>
    %sqrt3A_225 = math.sqrt %select_n3A_224 : vector<16x16xf32>
    %jit3A_226 = arith.constant 0.000000e+00 : f32
    %broadcast_in_dim3A_227 = vector.broadcast %jit3A_226 : f32 to vector<16x16xf32>
    %select_n3A_228 = arith.select %gt3A_221, %sqrt3A_225, %broadcast_in_dim3A_227 : vector<16x16xi1>, vector<16x16xf32>
    %gt3A_229 = arith.constant 0.000000e+00 : f32
    %gt3A_230 = vector.broadcast %gt3A_229 : f32 to vector<16x1xf32>
    %gt3A_231 = arith.cmpf ogt, %slice3A_195, %gt3A_230 : vector<16x1xf32>
    %convert_element_type3A_232 = arith.extui %gt3A_231 : vector<16x1xi1> to vector<16x1xi32>
    %convert_element_type3A_233 = arith.sitofp %convert_element_type3A_232 : vector<16x1xi32> to vector<16x1xf32>
    %dot_general3A_234 = arith.constant dense<0.000000e+00> : vector<16x16xf32>
    %dot_general3A_235 = tpu.matmul %convert_element_type3A_233, %convert_element_type3A_233, %dot_general3A_234 {dimension_numbers = #tpu.dot_dimension_numbers<[1], [1], [0], [0], [0, 0, 1, 0], [], []>, transpose_lhs_hint = false} : vector<16x1xf32>, vector<16x1xf32>, vector<16x16xf32> -> vector<16x16xf32>
    %mul3A_236 = arith.mulf %dot_general3A_235, %sub3A_123 : vector<16x16xf32>
    %sub3A_237 = arith.constant 5.000000e-01 : f32
    %sub3A_238 = vector.broadcast %sub3A_237 : f32 to vector<16x16xf32>
    %sub3A_239 = arith.subf %sub3A_238, %select_n3A_228 : vector<16x16xf32>
    %max3A_240 = arith.constant 0.000000e+00 : f32
    %max3A_241 = vector.broadcast %max3A_240 : f32 to vector<16x16xf32>
    %max3A_242 = arith.maximumf %sub3A_239, %max3A_241 : vector<16x16xf32>
    %reduce_sum3A_243 = vector.shape_cast %mul3A_236 : vector<16x16xf32> to vector<1x16x16xf32>
    %reduce_sum3A_244 = arith.constant dense<0.000000e+00> : vector<1xf32>
    %reduce_sum3A_245 = vector.multi_reduction <add>, %reduce_sum3A_243, %reduce_sum3A_244 [1, 2] : vector<1x16x16xf32> to vector<1xf32>
    %reduce_sum3A_246 = vector.shape_cast %reduce_sum3A_245 : vector<1xf32> to vector<1x1x1xf32>
    %reduce_sum3A_247 = vector.extract %reduce_sum3A_246[0, 0, 0] : f32 from vector<1x1x1xf32>
    %reduce_sum3A_248 = vector.shape_cast %convert_element_type3A_233 : vector<16x1xf32> to vector<1x16x1xf32>
    %reduce_sum3A_249 = arith.constant dense<0.000000e+00> : vector<1xf32>
    %reduce_sum3A_250 = vector.multi_reduction <add>, %reduce_sum3A_248, %reduce_sum3A_249 [1, 2] : vector<1x16x1xf32> to vector<1xf32>
    %reduce_sum3A_251 = vector.shape_cast %reduce_sum3A_250 : vector<1xf32> to vector<1x1x1xf32>
    %reduce_sum3A_252 = vector.extract %reduce_sum3A_251[0, 0, 0] : f32 from vector<1x1x1xf32>
    %gt3A_253 = arith.constant 1.000000e+00 : f32
    %gt3A_254 = arith.cmpf ogt, %reduce_sum3A_252, %gt3A_253 : f32
    %mul3A_255 = arith.mulf %max3A_242, %mul3A_236 : vector<16x16xf32>
    %reduce_sum3A_256 = vector.shape_cast %mul3A_255 : vector<16x16xf32> to vector<1x16x16xf32>
    %reduce_sum3A_257 = arith.constant dense<0.000000e+00> : vector<1xf32>
    %reduce_sum3A_258 = vector.multi_reduction <add>, %reduce_sum3A_256, %reduce_sum3A_257 [1, 2] : vector<1x16x16xf32> to vector<1xf32>
    %reduce_sum3A_259 = vector.shape_cast %reduce_sum3A_258 : vector<1xf32> to vector<1x1x1xf32>
    %reduce_sum3A_260 = vector.extract %reduce_sum3A_259[0, 0, 0] : f32 from vector<1x1x1xf32>
    %max3A_261 = arith.constant 1.000000e+00 : f32
    %max3A_262 = arith.maximumf %reduce_sum3A_247, %max3A_261 : f32
    %div3A_263 = arith.divf %reduce_sum3A_260, %max3A_262 : f32
    %jit3A_264 = arith.constant 0.000000e+00 : f32
    %select_n3A_265 = arith.select %gt3A_254, %div3A_263, %jit3A_264 : f32
    %add3A_266 = arith.addf %add3A_194, %select_n3A_265 : f32
    %slice3A_267 = vector.extract_strided_slice %broadcast_in_dim3A {offsets = [32, 0], sizes = [16, 1], strides = [1, 1]} : vector<128x1xf32> to vector<16x1xf32>
    %slice3A_268 = vector.extract_strided_slice %add3A {offsets = [32, 0], sizes = [16, 64], strides = [1, 1]} : vector<128x64xf32> to vector<16x64xf32>
    %max3A_269 = arith.constant 1.000000e+00 : f32
    %max3A_270 = vector.broadcast %max3A_269 : f32 to vector<16x1xf32>
    %max3A_271 = arith.maximumf %slice3A_267, %max3A_270 : vector<16x1xf32>
    %div3A_272 = vector.broadcast %max3A_271 : vector<16x1xf32> to vector<16x64xf32>
    %div3A_273 = arith.divf %slice3A_268, %div3A_272 : vector<16x64xf32>
    %dot_general3A_274 = arith.constant dense<0.000000e+00> : vector<16x16xf32>
    %dot_general3A_275 = tpu.matmul %div3A_273, %div3A_273, %dot_general3A_274 {dimension_numbers = #tpu.dot_dimension_numbers<[1], [1], [0], [0], [0, 0, 1, 0], [], []>, transpose_lhs_hint = false} : vector<16x64xf32>, vector<16x64xf32>, vector<16x16xf32> -> vector<16x16xf32>
    %mul3A_276 = arith.mulf %dot_general3A_275, %convert_element_type3A_120 : vector<16x16xf32>
    %reduce_sum3A_277 = arith.constant dense<0.000000e+00> : vector<16xf32>
    %reduce_sum3A_278 = vector.multi_reduction <add>, %mul3A_276, %reduce_sum3A_277 [1] : vector<16x16xf32> to vector<16xf32>
    %broadcast_in_dim3A_279 = vector.shape_cast %reduce_sum3A_278 : vector<16xf32> to vector<16x1xf32>
    %mul3A_280 = arith.mulf %dot_general3A_275, %convert_element_type3A_120 : vector<16x16xf32>
    %reduce_sum3A_281 = arith.constant dense<0.000000e+00> : vector<16xf32>
    %reduce_sum3A_282 = vector.multi_reduction <add>, %mul3A_280, %reduce_sum3A_281 [0] : vector<16x16xf32> to vector<16xf32>
    %broadcast_in_dim3A_283 = vector.shape_cast %reduce_sum3A_282 : vector<16xf32> to vector<1x16xf32>
    %add3A_284 = vector.broadcast %broadcast_in_dim3A_279 : vector<16x1xf32> to vector<16x16xf32>
    %add3A_285 = vector.broadcast %broadcast_in_dim3A_283 : vector<1x16xf32> to vector<16x16xf32>
    %add3A_286 = arith.addf %add3A_284, %add3A_285 : vector<16x16xf32>
    %mul3A_287 = arith.constant 2.000000e+00 : f32
    %mul3A_288 = vector.broadcast %mul3A_287 : f32 to vector<16x16xf32>
    %mul3A_289 = arith.mulf %mul3A_288, %dot_general3A_275 : vector<16x16xf32>
    %sub3A_290 = arith.subf %add3A_286, %mul3A_289 : vector<16x16xf32>
    %gt3A_291 = arith.constant 0.000000e+00 : f32
    %gt3A_292 = vector.broadcast %gt3A_291 : f32 to vector<16x16xf32>
    %gt3A_293 = arith.cmpf ogt, %sub3A_290, %gt3A_292 : vector<16x16xf32>
    %jit3A_294 = arith.constant 1.000000e+00 : f32
    %broadcast_in_dim3A_295 = vector.broadcast %jit3A_294 : f32 to vector<16x16xf32>
    %select_n3A_296 = arith.select %gt3A_293, %sub3A_290, %broadcast_in_dim3A_295 : vector<16x16xi1>, vector<16x16xf32>
    %sqrt3A_297 = math.sqrt %select_n3A_296 : vector<16x16xf32>
    %jit3A_298 = arith.constant 0.000000e+00 : f32
    %broadcast_in_dim3A_299 = vector.broadcast %jit3A_298 : f32 to vector<16x16xf32>
    %select_n3A_300 = arith.select %gt3A_293, %sqrt3A_297, %broadcast_in_dim3A_299 : vector<16x16xi1>, vector<16x16xf32>
    %gt3A_301 = arith.constant 0.000000e+00 : f32
    %gt3A_302 = vector.broadcast %gt3A_301 : f32 to vector<16x1xf32>
    %gt3A_303 = arith.cmpf ogt, %slice3A_267, %gt3A_302 : vector<16x1xf32>
    %convert_element_type3A_304 = arith.extui %gt3A_303 : vector<16x1xi1> to vector<16x1xi32>
    %convert_element_type3A_305 = arith.sitofp %convert_element_type3A_304 : vector<16x1xi32> to vector<16x1xf32>
    %dot_general3A_306 = arith.constant dense<0.000000e+00> : vector<16x16xf32>
    %dot_general3A_307 = tpu.matmul %convert_element_type3A_305, %convert_element_type3A_305, %dot_general3A_306 {dimension_numbers = #tpu.dot_dimension_numbers<[1], [1], [0], [0], [0, 0, 1, 0], [], []>, transpose_lhs_hint = false} : vector<16x1xf32>, vector<16x1xf32>, vector<16x16xf32> -> vector<16x16xf32>
    %mul3A_308 = arith.mulf %dot_general3A_307, %sub3A_123 : vector<16x16xf32>
    %sub3A_309 = arith.constant 5.000000e-01 : f32
    %sub3A_310 = vector.broadcast %sub3A_309 : f32 to vector<16x16xf32>
    %sub3A_311 = arith.subf %sub3A_310, %select_n3A_300 : vector<16x16xf32>
    %max3A_312 = arith.constant 0.000000e+00 : f32
    %max3A_313 = vector.broadcast %max3A_312 : f32 to vector<16x16xf32>
    %max3A_314 = arith.maximumf %sub3A_311, %max3A_313 : vector<16x16xf32>
    %reduce_sum3A_315 = vector.shape_cast %mul3A_308 : vector<16x16xf32> to vector<1x16x16xf32>
    %reduce_sum3A_316 = arith.constant dense<0.000000e+00> : vector<1xf32>
    %reduce_sum3A_317 = vector.multi_reduction <add>, %reduce_sum3A_315, %reduce_sum3A_316 [1, 2] : vector<1x16x16xf32> to vector<1xf32>
    %reduce_sum3A_318 = vector.shape_cast %reduce_sum3A_317 : vector<1xf32> to vector<1x1x1xf32>
    %reduce_sum3A_319 = vector.extract %reduce_sum3A_318[0, 0, 0] : f32 from vector<1x1x1xf32>
    %reduce_sum3A_320 = vector.shape_cast %convert_element_type3A_305 : vector<16x1xf32> to vector<1x16x1xf32>
    %reduce_sum3A_321 = arith.constant dense<0.000000e+00> : vector<1xf32>
    %reduce_sum3A_322 = vector.multi_reduction <add>, %reduce_sum3A_320, %reduce_sum3A_321 [1, 2] : vector<1x16x1xf32> to vector<1xf32>
    %reduce_sum3A_323 = vector.shape_cast %reduce_sum3A_322 : vector<1xf32> to vector<1x1x1xf32>
    %reduce_sum3A_324 = vector.extract %reduce_sum3A_323[0, 0, 0] : f32 from vector<1x1x1xf32>
    %gt3A_325 = arith.constant 1.000000e+00 : f32
    %gt3A_326 = arith.cmpf ogt, %reduce_sum3A_324, %gt3A_325 : f32
    %mul3A_327 = arith.mulf %max3A_314, %mul3A_308 : vector<16x16xf32>
    %reduce_sum3A_328 = vector.shape_cast %mul3A_327 : vector<16x16xf32> to vector<1x16x16xf32>
    %reduce_sum3A_329 = arith.constant dense<0.000000e+00> : vector<1xf32>
    %reduce_sum3A_330 = vector.multi_reduction <add>, %reduce_sum3A_328, %reduce_sum3A_329 [1, 2] : vector<1x16x16xf32> to vector<1xf32>
    %reduce_sum3A_331 = vector.shape_cast %reduce_sum3A_330 : vector<1xf32> to vector<1x1x1xf32>
    %reduce_sum3A_332 = vector.extract %reduce_sum3A_331[0, 0, 0] : f32 from vector<1x1x1xf32>
    %max3A_333 = arith.constant 1.000000e+00 : f32
    %max3A_334 = arith.maximumf %reduce_sum3A_319, %max3A_333 : f32
    %div3A_335 = arith.divf %reduce_sum3A_332, %max3A_334 : f32
    %jit3A_336 = arith.constant 0.000000e+00 : f32
    %select_n3A_337 = arith.select %gt3A_326, %div3A_335, %jit3A_336 : f32
    %add3A_338 = arith.addf %add3A_266, %select_n3A_337 : f32
    %slice3A_339 = vector.extract_strided_slice %broadcast_in_dim3A {offsets = [48, 0], sizes = [16, 1], strides = [1, 1]} : vector<128x1xf32> to vector<16x1xf32>
    %slice3A_340 = vector.extract_strided_slice %add3A {offsets = [48, 0], sizes = [16, 64], strides = [1, 1]} : vector<128x64xf32> to vector<16x64xf32>
    %max3A_341 = arith.constant 1.000000e+00 : f32
    %max3A_342 = vector.broadcast %max3A_341 : f32 to vector<16x1xf32>
    %max3A_343 = arith.maximumf %slice3A_339, %max3A_342 : vector<16x1xf32>
    %div3A_344 = vector.broadcast %max3A_343 : vector<16x1xf32> to vector<16x64xf32>
    %div3A_345 = arith.divf %slice3A_340, %div3A_344 : vector<16x64xf32>
    %dot_general3A_346 = arith.constant dense<0.000000e+00> : vector<16x16xf32>
    %dot_general3A_347 = tpu.matmul %div3A_345, %div3A_345, %dot_general3A_346 {dimension_numbers = #tpu.dot_dimension_numbers<[1], [1], [0], [0], [0, 0, 1, 0], [], []>, transpose_lhs_hint = false} : vector<16x64xf32>, vector<16x64xf32>, vector<16x16xf32> -> vector<16x16xf32>
    %mul3A_348 = arith.mulf %dot_general3A_347, %convert_element_type3A_120 : vector<16x16xf32>
    %reduce_sum3A_349 = arith.constant dense<0.000000e+00> : vector<16xf32>
    %reduce_sum3A_350 = vector.multi_reduction <add>, %mul3A_348, %reduce_sum3A_349 [1] : vector<16x16xf32> to vector<16xf32>
    %broadcast_in_dim3A_351 = vector.shape_cast %reduce_sum3A_350 : vector<16xf32> to vector<16x1xf32>
    %mul3A_352 = arith.mulf %dot_general3A_347, %convert_element_type3A_120 : vector<16x16xf32>
    %reduce_sum3A_353 = arith.constant dense<0.000000e+00> : vector<16xf32>
    %reduce_sum3A_354 = vector.multi_reduction <add>, %mul3A_352, %reduce_sum3A_353 [0] : vector<16x16xf32> to vector<16xf32>
    %broadcast_in_dim3A_355 = vector.shape_cast %reduce_sum3A_354 : vector<16xf32> to vector<1x16xf32>
    %add3A_356 = vector.broadcast %broadcast_in_dim3A_351 : vector<16x1xf32> to vector<16x16xf32>
    %add3A_357 = vector.broadcast %broadcast_in_dim3A_355 : vector<1x16xf32> to vector<16x16xf32>
    %add3A_358 = arith.addf %add3A_356, %add3A_357 : vector<16x16xf32>
    %mul3A_359 = arith.constant 2.000000e+00 : f32
    %mul3A_360 = vector.broadcast %mul3A_359 : f32 to vector<16x16xf32>
    %mul3A_361 = arith.mulf %mul3A_360, %dot_general3A_347 : vector<16x16xf32>
    %sub3A_362 = arith.subf %add3A_358, %mul3A_361 : vector<16x16xf32>
    %gt3A_363 = arith.constant 0.000000e+00 : f32
    %gt3A_364 = vector.broadcast %gt3A_363 : f32 to vector<16x16xf32>
    %gt3A_365 = arith.cmpf ogt, %sub3A_362, %gt3A_364 : vector<16x16xf32>
    %jit3A_366 = arith.constant 1.000000e+00 : f32
    %broadcast_in_dim3A_367 = vector.broadcast %jit3A_366 : f32 to vector<16x16xf32>
    %select_n3A_368 = arith.select %gt3A_365, %sub3A_362, %broadcast_in_dim3A_367 : vector<16x16xi1>, vector<16x16xf32>
    %sqrt3A_369 = math.sqrt %select_n3A_368 : vector<16x16xf32>
    %jit3A_370 = arith.constant 0.000000e+00 : f32
    %broadcast_in_dim3A_371 = vector.broadcast %jit3A_370 : f32 to vector<16x16xf32>
    %select_n3A_372 = arith.select %gt3A_365, %sqrt3A_369, %broadcast_in_dim3A_371 : vector<16x16xi1>, vector<16x16xf32>
    %gt3A_373 = arith.constant 0.000000e+00 : f32
    %gt3A_374 = vector.broadcast %gt3A_373 : f32 to vector<16x1xf32>
    %gt3A_375 = arith.cmpf ogt, %slice3A_339, %gt3A_374 : vector<16x1xf32>
    %convert_element_type3A_376 = arith.extui %gt3A_375 : vector<16x1xi1> to vector<16x1xi32>
    %convert_element_type3A_377 = arith.sitofp %convert_element_type3A_376 : vector<16x1xi32> to vector<16x1xf32>
    %dot_general3A_378 = arith.constant dense<0.000000e+00> : vector<16x16xf32>
    %dot_general3A_379 = tpu.matmul %convert_element_type3A_377, %convert_element_type3A_377, %dot_general3A_378 {dimension_numbers = #tpu.dot_dimension_numbers<[1], [1], [0], [0], [0, 0, 1, 0], [], []>, transpose_lhs_hint = false} : vector<16x1xf32>, vector<16x1xf32>, vector<16x16xf32> -> vector<16x16xf32>
    %mul3A_380 = arith.mulf %dot_general3A_379, %sub3A_123 : vector<16x16xf32>
    %sub3A_381 = arith.constant 5.000000e-01 : f32
    %sub3A_382 = vector.broadcast %sub3A_381 : f32 to vector<16x16xf32>
    %sub3A_383 = arith.subf %sub3A_382, %select_n3A_372 : vector<16x16xf32>
    %max3A_384 = arith.constant 0.000000e+00 : f32
    %max3A_385 = vector.broadcast %max3A_384 : f32 to vector<16x16xf32>
    %max3A_386 = arith.maximumf %sub3A_383, %max3A_385 : vector<16x16xf32>
    %reduce_sum3A_387 = vector.shape_cast %mul3A_380 : vector<16x16xf32> to vector<1x16x16xf32>
    %reduce_sum3A_388 = arith.constant dense<0.000000e+00> : vector<1xf32>
    %reduce_sum3A_389 = vector.multi_reduction <add>, %reduce_sum3A_387, %reduce_sum3A_388 [1, 2] : vector<1x16x16xf32> to vector<1xf32>
    %reduce_sum3A_390 = vector.shape_cast %reduce_sum3A_389 : vector<1xf32> to vector<1x1x1xf32>
    %reduce_sum3A_391 = vector.extract %reduce_sum3A_390[0, 0, 0] : f32 from vector<1x1x1xf32>
    %reduce_sum3A_392 = vector.shape_cast %convert_element_type3A_377 : vector<16x1xf32> to vector<1x16x1xf32>
    %reduce_sum3A_393 = arith.constant dense<0.000000e+00> : vector<1xf32>
    %reduce_sum3A_394 = vector.multi_reduction <add>, %reduce_sum3A_392, %reduce_sum3A_393 [1, 2] : vector<1x16x1xf32> to vector<1xf32>
    %reduce_sum3A_395 = vector.shape_cast %reduce_sum3A_394 : vector<1xf32> to vector<1x1x1xf32>
    %reduce_sum3A_396 = vector.extract %reduce_sum3A_395[0, 0, 0] : f32 from vector<1x1x1xf32>
    %gt3A_397 = arith.constant 1.000000e+00 : f32
    %gt3A_398 = arith.cmpf ogt, %reduce_sum3A_396, %gt3A_397 : f32
    %mul3A_399 = arith.mulf %max3A_386, %mul3A_380 : vector<16x16xf32>
    %reduce_sum3A_400 = vector.shape_cast %mul3A_399 : vector<16x16xf32> to vector<1x16x16xf32>
    %reduce_sum3A_401 = arith.constant dense<0.000000e+00> : vector<1xf32>
    %reduce_sum3A_402 = vector.multi_reduction <add>, %reduce_sum3A_400, %reduce_sum3A_401 [1, 2] : vector<1x16x16xf32> to vector<1xf32>
    %reduce_sum3A_403 = vector.shape_cast %reduce_sum3A_402 : vector<1xf32> to vector<1x1x1xf32>
    %reduce_sum3A_404 = vector.extract %reduce_sum3A_403[0, 0, 0] : f32 from vector<1x1x1xf32>
    %max3A_405 = arith.constant 1.000000e+00 : f32
    %max3A_406 = arith.maximumf %reduce_sum3A_391, %max3A_405 : f32
    %div3A_407 = arith.divf %reduce_sum3A_404, %max3A_406 : f32
    %jit3A_408 = arith.constant 0.000000e+00 : f32
    %select_n3A_409 = arith.select %gt3A_398, %div3A_407, %jit3A_408 : f32
    %add3A_410 = arith.addf %add3A_338, %select_n3A_409 : f32
    %slice3A_411 = vector.extract_strided_slice %broadcast_in_dim3A {offsets = [64, 0], sizes = [16, 1], strides = [1, 1]} : vector<128x1xf32> to vector<16x1xf32>
    %slice3A_412 = vector.extract_strided_slice %add3A {offsets = [64, 0], sizes = [16, 64], strides = [1, 1]} : vector<128x64xf32> to vector<16x64xf32>
    %max3A_413 = arith.constant 1.000000e+00 : f32
    %max3A_414 = vector.broadcast %max3A_413 : f32 to vector<16x1xf32>
    %max3A_415 = arith.maximumf %slice3A_411, %max3A_414 : vector<16x1xf32>
    %div3A_416 = vector.broadcast %max3A_415 : vector<16x1xf32> to vector<16x64xf32>
    %div3A_417 = arith.divf %slice3A_412, %div3A_416 : vector<16x64xf32>
    %dot_general3A_418 = arith.constant dense<0.000000e+00> : vector<16x16xf32>
    %dot_general3A_419 = tpu.matmul %div3A_417, %div3A_417, %dot_general3A_418 {dimension_numbers = #tpu.dot_dimension_numbers<[1], [1], [0], [0], [0, 0, 1, 0], [], []>, transpose_lhs_hint = false} : vector<16x64xf32>, vector<16x64xf32>, vector<16x16xf32> -> vector<16x16xf32>
    %mul3A_420 = arith.mulf %dot_general3A_419, %convert_element_type3A_120 : vector<16x16xf32>
    %reduce_sum3A_421 = arith.constant dense<0.000000e+00> : vector<16xf32>
    %reduce_sum3A_422 = vector.multi_reduction <add>, %mul3A_420, %reduce_sum3A_421 [1] : vector<16x16xf32> to vector<16xf32>
    %broadcast_in_dim3A_423 = vector.shape_cast %reduce_sum3A_422 : vector<16xf32> to vector<16x1xf32>
    %mul3A_424 = arith.mulf %dot_general3A_419, %convert_element_type3A_120 : vector<16x16xf32>
    %reduce_sum3A_425 = arith.constant dense<0.000000e+00> : vector<16xf32>
    %reduce_sum3A_426 = vector.multi_reduction <add>, %mul3A_424, %reduce_sum3A_425 [0] : vector<16x16xf32> to vector<16xf32>
    %broadcast_in_dim3A_427 = vector.shape_cast %reduce_sum3A_426 : vector<16xf32> to vector<1x16xf32>
    %add3A_428 = vector.broadcast %broadcast_in_dim3A_423 : vector<16x1xf32> to vector<16x16xf32>
    %add3A_429 = vector.broadcast %broadcast_in_dim3A_427 : vector<1x16xf32> to vector<16x16xf32>
    %add3A_430 = arith.addf %add3A_428, %add3A_429 : vector<16x16xf32>
    %mul3A_431 = arith.constant 2.000000e+00 : f32
    %mul3A_432 = vector.broadcast %mul3A_431 : f32 to vector<16x16xf32>
    %mul3A_433 = arith.mulf %mul3A_432, %dot_general3A_419 : vector<16x16xf32>
    %sub3A_434 = arith.subf %add3A_430, %mul3A_433 : vector<16x16xf32>
    %gt3A_435 = arith.constant 0.000000e+00 : f32
    %gt3A_436 = vector.broadcast %gt3A_435 : f32 to vector<16x16xf32>
    %gt3A_437 = arith.cmpf ogt, %sub3A_434, %gt3A_436 : vector<16x16xf32>
    %jit3A_438 = arith.constant 1.000000e+00 : f32
    %broadcast_in_dim3A_439 = vector.broadcast %jit3A_438 : f32 to vector<16x16xf32>
    %select_n3A_440 = arith.select %gt3A_437, %sub3A_434, %broadcast_in_dim3A_439 : vector<16x16xi1>, vector<16x16xf32>
    %sqrt3A_441 = math.sqrt %select_n3A_440 : vector<16x16xf32>
    %jit3A_442 = arith.constant 0.000000e+00 : f32
    %broadcast_in_dim3A_443 = vector.broadcast %jit3A_442 : f32 to vector<16x16xf32>
    %select_n3A_444 = arith.select %gt3A_437, %sqrt3A_441, %broadcast_in_dim3A_443 : vector<16x16xi1>, vector<16x16xf32>
    %gt3A_445 = arith.constant 0.000000e+00 : f32
    %gt3A_446 = vector.broadcast %gt3A_445 : f32 to vector<16x1xf32>
    %gt3A_447 = arith.cmpf ogt, %slice3A_411, %gt3A_446 : vector<16x1xf32>
    %convert_element_type3A_448 = arith.extui %gt3A_447 : vector<16x1xi1> to vector<16x1xi32>
    %convert_element_type3A_449 = arith.sitofp %convert_element_type3A_448 : vector<16x1xi32> to vector<16x1xf32>
    %dot_general3A_450 = arith.constant dense<0.000000e+00> : vector<16x16xf32>
    %dot_general3A_451 = tpu.matmul %convert_element_type3A_449, %convert_element_type3A_449, %dot_general3A_450 {dimension_numbers = #tpu.dot_dimension_numbers<[1], [1], [0], [0], [0, 0, 1, 0], [], []>, transpose_lhs_hint = false} : vector<16x1xf32>, vector<16x1xf32>, vector<16x16xf32> -> vector<16x16xf32>
    %mul3A_452 = arith.mulf %dot_general3A_451, %sub3A_123 : vector<16x16xf32>
    %sub3A_453 = arith.constant 5.000000e-01 : f32
    %sub3A_454 = vector.broadcast %sub3A_453 : f32 to vector<16x16xf32>
    %sub3A_455 = arith.subf %sub3A_454, %select_n3A_444 : vector<16x16xf32>
    %max3A_456 = arith.constant 0.000000e+00 : f32
    %max3A_457 = vector.broadcast %max3A_456 : f32 to vector<16x16xf32>
    %max3A_458 = arith.maximumf %sub3A_455, %max3A_457 : vector<16x16xf32>
    %reduce_sum3A_459 = vector.shape_cast %mul3A_452 : vector<16x16xf32> to vector<1x16x16xf32>
    %reduce_sum3A_460 = arith.constant dense<0.000000e+00> : vector<1xf32>
    %reduce_sum3A_461 = vector.multi_reduction <add>, %reduce_sum3A_459, %reduce_sum3A_460 [1, 2] : vector<1x16x16xf32> to vector<1xf32>
    %reduce_sum3A_462 = vector.shape_cast %reduce_sum3A_461 : vector<1xf32> to vector<1x1x1xf32>
    %reduce_sum3A_463 = vector.extract %reduce_sum3A_462[0, 0, 0] : f32 from vector<1x1x1xf32>
    %reduce_sum3A_464 = vector.shape_cast %convert_element_type3A_449 : vector<16x1xf32> to vector<1x16x1xf32>
    %reduce_sum3A_465 = arith.constant dense<0.000000e+00> : vector<1xf32>
    %reduce_sum3A_466 = vector.multi_reduction <add>, %reduce_sum3A_464, %reduce_sum3A_465 [1, 2] : vector<1x16x1xf32> to vector<1xf32>
    %reduce_sum3A_467 = vector.shape_cast %reduce_sum3A_466 : vector<1xf32> to vector<1x1x1xf32>
    %reduce_sum3A_468 = vector.extract %reduce_sum3A_467[0, 0, 0] : f32 from vector<1x1x1xf32>
    %gt3A_469 = arith.constant 1.000000e+00 : f32
    %gt3A_470 = arith.cmpf ogt, %reduce_sum3A_468, %gt3A_469 : f32
    %mul3A_471 = arith.mulf %max3A_458, %mul3A_452 : vector<16x16xf32>
    %reduce_sum3A_472 = vector.shape_cast %mul3A_471 : vector<16x16xf32> to vector<1x16x16xf32>
    %reduce_sum3A_473 = arith.constant dense<0.000000e+00> : vector<1xf32>
    %reduce_sum3A_474 = vector.multi_reduction <add>, %reduce_sum3A_472, %reduce_sum3A_473 [1, 2] : vector<1x16x16xf32> to vector<1xf32>
    %reduce_sum3A_475 = vector.shape_cast %reduce_sum3A_474 : vector<1xf32> to vector<1x1x1xf32>
    %reduce_sum3A_476 = vector.extract %reduce_sum3A_475[0, 0, 0] : f32 from vector<1x1x1xf32>
    %max3A_477 = arith.constant 1.000000e+00 : f32
    %max3A_478 = arith.maximumf %reduce_sum3A_463, %max3A_477 : f32
    %div3A_479 = arith.divf %reduce_sum3A_476, %max3A_478 : f32
    %jit3A_480 = arith.constant 0.000000e+00 : f32
    %select_n3A_481 = arith.select %gt3A_470, %div3A_479, %jit3A_480 : f32
    %add3A_482 = arith.addf %add3A_410, %select_n3A_481 : f32
    %slice3A_483 = vector.extract_strided_slice %broadcast_in_dim3A {offsets = [80, 0], sizes = [16, 1], strides = [1, 1]} : vector<128x1xf32> to vector<16x1xf32>
    %slice3A_484 = vector.extract_strided_slice %add3A {offsets = [80, 0], sizes = [16, 64], strides = [1, 1]} : vector<128x64xf32> to vector<16x64xf32>
    %max3A_485 = arith.constant 1.000000e+00 : f32
    %max3A_486 = vector.broadcast %max3A_485 : f32 to vector<16x1xf32>
    %max3A_487 = arith.maximumf %slice3A_483, %max3A_486 : vector<16x1xf32>
    %div3A_488 = vector.broadcast %max3A_487 : vector<16x1xf32> to vector<16x64xf32>
    %div3A_489 = arith.divf %slice3A_484, %div3A_488 : vector<16x64xf32>
    %dot_general3A_490 = arith.constant dense<0.000000e+00> : vector<16x16xf32>
    %dot_general3A_491 = tpu.matmul %div3A_489, %div3A_489, %dot_general3A_490 {dimension_numbers = #tpu.dot_dimension_numbers<[1], [1], [0], [0], [0, 0, 1, 0], [], []>, transpose_lhs_hint = false} : vector<16x64xf32>, vector<16x64xf32>, vector<16x16xf32> -> vector<16x16xf32>
    %mul3A_492 = arith.mulf %dot_general3A_491, %convert_element_type3A_120 : vector<16x16xf32>
    %reduce_sum3A_493 = arith.constant dense<0.000000e+00> : vector<16xf32>
    %reduce_sum3A_494 = vector.multi_reduction <add>, %mul3A_492, %reduce_sum3A_493 [1] : vector<16x16xf32> to vector<16xf32>
    %broadcast_in_dim3A_495 = vector.shape_cast %reduce_sum3A_494 : vector<16xf32> to vector<16x1xf32>
    %mul3A_496 = arith.mulf %dot_general3A_491, %convert_element_type3A_120 : vector<16x16xf32>
    %reduce_sum3A_497 = arith.constant dense<0.000000e+00> : vector<16xf32>
    %reduce_sum3A_498 = vector.multi_reduction <add>, %mul3A_496, %reduce_sum3A_497 [0] : vector<16x16xf32> to vector<16xf32>
    %broadcast_in_dim3A_499 = vector.shape_cast %reduce_sum3A_498 : vector<16xf32> to vector<1x16xf32>
    %add3A_500 = vector.broadcast %broadcast_in_dim3A_495 : vector<16x1xf32> to vector<16x16xf32>
    %add3A_501 = vector.broadcast %broadcast_in_dim3A_499 : vector<1x16xf32> to vector<16x16xf32>
    %add3A_502 = arith.addf %add3A_500, %add3A_501 : vector<16x16xf32>
    %mul3A_503 = arith.constant 2.000000e+00 : f32
    %mul3A_504 = vector.broadcast %mul3A_503 : f32 to vector<16x16xf32>
    %mul3A_505 = arith.mulf %mul3A_504, %dot_general3A_491 : vector<16x16xf32>
    %sub3A_506 = arith.subf %add3A_502, %mul3A_505 : vector<16x16xf32>
    %gt3A_507 = arith.constant 0.000000e+00 : f32
    %gt3A_508 = vector.broadcast %gt3A_507 : f32 to vector<16x16xf32>
    %gt3A_509 = arith.cmpf ogt, %sub3A_506, %gt3A_508 : vector<16x16xf32>
    %jit3A_510 = arith.constant 1.000000e+00 : f32
    %broadcast_in_dim3A_511 = vector.broadcast %jit3A_510 : f32 to vector<16x16xf32>
    %select_n3A_512 = arith.select %gt3A_509, %sub3A_506, %broadcast_in_dim3A_511 : vector<16x16xi1>, vector<16x16xf32>
    %sqrt3A_513 = math.sqrt %select_n3A_512 : vector<16x16xf32>
    %jit3A_514 = arith.constant 0.000000e+00 : f32
    %broadcast_in_dim3A_515 = vector.broadcast %jit3A_514 : f32 to vector<16x16xf32>
    %select_n3A_516 = arith.select %gt3A_509, %sqrt3A_513, %broadcast_in_dim3A_515 : vector<16x16xi1>, vector<16x16xf32>
    %gt3A_517 = arith.constant 0.000000e+00 : f32
    %gt3A_518 = vector.broadcast %gt3A_517 : f32 to vector<16x1xf32>
    %gt3A_519 = arith.cmpf ogt, %slice3A_483, %gt3A_518 : vector<16x1xf32>
    %convert_element_type3A_520 = arith.extui %gt3A_519 : vector<16x1xi1> to vector<16x1xi32>
    %convert_element_type3A_521 = arith.sitofp %convert_element_type3A_520 : vector<16x1xi32> to vector<16x1xf32>
    %dot_general3A_522 = arith.constant dense<0.000000e+00> : vector<16x16xf32>
    %dot_general3A_523 = tpu.matmul %convert_element_type3A_521, %convert_element_type3A_521, %dot_general3A_522 {dimension_numbers = #tpu.dot_dimension_numbers<[1], [1], [0], [0], [0, 0, 1, 0], [], []>, transpose_lhs_hint = false} : vector<16x1xf32>, vector<16x1xf32>, vector<16x16xf32> -> vector<16x16xf32>
    %mul3A_524 = arith.mulf %dot_general3A_523, %sub3A_123 : vector<16x16xf32>
    %sub3A_525 = arith.constant 5.000000e-01 : f32
    %sub3A_526 = vector.broadcast %sub3A_525 : f32 to vector<16x16xf32>
    %sub3A_527 = arith.subf %sub3A_526, %select_n3A_516 : vector<16x16xf32>
    %max3A_528 = arith.constant 0.000000e+00 : f32
    %max3A_529 = vector.broadcast %max3A_528 : f32 to vector<16x16xf32>
    %max3A_530 = arith.maximumf %sub3A_527, %max3A_529 : vector<16x16xf32>
    %reduce_sum3A_531 = vector.shape_cast %mul3A_524 : vector<16x16xf32> to vector<1x16x16xf32>
    %reduce_sum3A_532 = arith.constant dense<0.000000e+00> : vector<1xf32>
    %reduce_sum3A_533 = vector.multi_reduction <add>, %reduce_sum3A_531, %reduce_sum3A_532 [1, 2] : vector<1x16x16xf32> to vector<1xf32>
    %reduce_sum3A_534 = vector.shape_cast %reduce_sum3A_533 : vector<1xf32> to vector<1x1x1xf32>
    %reduce_sum3A_535 = vector.extract %reduce_sum3A_534[0, 0, 0] : f32 from vector<1x1x1xf32>
    %reduce_sum3A_536 = vector.shape_cast %convert_element_type3A_521 : vector<16x1xf32> to vector<1x16x1xf32>
    %reduce_sum3A_537 = arith.constant dense<0.000000e+00> : vector<1xf32>
    %reduce_sum3A_538 = vector.multi_reduction <add>, %reduce_sum3A_536, %reduce_sum3A_537 [1, 2] : vector<1x16x1xf32> to vector<1xf32>
    %reduce_sum3A_539 = vector.shape_cast %reduce_sum3A_538 : vector<1xf32> to vector<1x1x1xf32>
    %reduce_sum3A_540 = vector.extract %reduce_sum3A_539[0, 0, 0] : f32 from vector<1x1x1xf32>
    %gt3A_541 = arith.constant 1.000000e+00 : f32
    %gt3A_542 = arith.cmpf ogt, %reduce_sum3A_540, %gt3A_541 : f32
    %mul3A_543 = arith.mulf %max3A_530, %mul3A_524 : vector<16x16xf32>
    %reduce_sum3A_544 = vector.shape_cast %mul3A_543 : vector<16x16xf32> to vector<1x16x16xf32>
    %reduce_sum3A_545 = arith.constant dense<0.000000e+00> : vector<1xf32>
    %reduce_sum3A_546 = vector.multi_reduction <add>, %reduce_sum3A_544, %reduce_sum3A_545 [1, 2] : vector<1x16x16xf32> to vector<1xf32>
    %reduce_sum3A_547 = vector.shape_cast %reduce_sum3A_546 : vector<1xf32> to vector<1x1x1xf32>
    %reduce_sum3A_548 = vector.extract %reduce_sum3A_547[0, 0, 0] : f32 from vector<1x1x1xf32>
    %max3A_549 = arith.constant 1.000000e+00 : f32
    %max3A_550 = arith.maximumf %reduce_sum3A_535, %max3A_549 : f32
    %div3A_551 = arith.divf %reduce_sum3A_548, %max3A_550 : f32
    %jit3A_552 = arith.constant 0.000000e+00 : f32
    %select_n3A_553 = arith.select %gt3A_542, %div3A_551, %jit3A_552 : f32
    %add3A_554 = arith.addf %add3A_482, %select_n3A_553 : f32
    %slice3A_555 = vector.extract_strided_slice %broadcast_in_dim3A {offsets = [96, 0], sizes = [16, 1], strides = [1, 1]} : vector<128x1xf32> to vector<16x1xf32>
    %slice3A_556 = vector.extract_strided_slice %add3A {offsets = [96, 0], sizes = [16, 64], strides = [1, 1]} : vector<128x64xf32> to vector<16x64xf32>
    %max3A_557 = arith.constant 1.000000e+00 : f32
    %max3A_558 = vector.broadcast %max3A_557 : f32 to vector<16x1xf32>
    %max3A_559 = arith.maximumf %slice3A_555, %max3A_558 : vector<16x1xf32>
    %div3A_560 = vector.broadcast %max3A_559 : vector<16x1xf32> to vector<16x64xf32>
    %div3A_561 = arith.divf %slice3A_556, %div3A_560 : vector<16x64xf32>
    %dot_general3A_562 = arith.constant dense<0.000000e+00> : vector<16x16xf32>
    %dot_general3A_563 = tpu.matmul %div3A_561, %div3A_561, %dot_general3A_562 {dimension_numbers = #tpu.dot_dimension_numbers<[1], [1], [0], [0], [0, 0, 1, 0], [], []>, transpose_lhs_hint = false} : vector<16x64xf32>, vector<16x64xf32>, vector<16x16xf32> -> vector<16x16xf32>
    %mul3A_564 = arith.mulf %dot_general3A_563, %convert_element_type3A_120 : vector<16x16xf32>
    %reduce_sum3A_565 = arith.constant dense<0.000000e+00> : vector<16xf32>
    %reduce_sum3A_566 = vector.multi_reduction <add>, %mul3A_564, %reduce_sum3A_565 [1] : vector<16x16xf32> to vector<16xf32>
    %broadcast_in_dim3A_567 = vector.shape_cast %reduce_sum3A_566 : vector<16xf32> to vector<16x1xf32>
    %mul3A_568 = arith.mulf %dot_general3A_563, %convert_element_type3A_120 : vector<16x16xf32>
    %reduce_sum3A_569 = arith.constant dense<0.000000e+00> : vector<16xf32>
    %reduce_sum3A_570 = vector.multi_reduction <add>, %mul3A_568, %reduce_sum3A_569 [0] : vector<16x16xf32> to vector<16xf32>
    %broadcast_in_dim3A_571 = vector.shape_cast %reduce_sum3A_570 : vector<16xf32> to vector<1x16xf32>
    %add3A_572 = vector.broadcast %broadcast_in_dim3A_567 : vector<16x1xf32> to vector<16x16xf32>
    %add3A_573 = vector.broadcast %broadcast_in_dim3A_571 : vector<1x16xf32> to vector<16x16xf32>
    %add3A_574 = arith.addf %add3A_572, %add3A_573 : vector<16x16xf32>
    %mul3A_575 = arith.constant 2.000000e+00 : f32
    %mul3A_576 = vector.broadcast %mul3A_575 : f32 to vector<16x16xf32>
    %mul3A_577 = arith.mulf %mul3A_576, %dot_general3A_563 : vector<16x16xf32>
    %sub3A_578 = arith.subf %add3A_574, %mul3A_577 : vector<16x16xf32>
    %gt3A_579 = arith.constant 0.000000e+00 : f32
    %gt3A_580 = vector.broadcast %gt3A_579 : f32 to vector<16x16xf32>
    %gt3A_581 = arith.cmpf ogt, %sub3A_578, %gt3A_580 : vector<16x16xf32>
    %jit3A_582 = arith.constant 1.000000e+00 : f32
    %broadcast_in_dim3A_583 = vector.broadcast %jit3A_582 : f32 to vector<16x16xf32>
    %select_n3A_584 = arith.select %gt3A_581, %sub3A_578, %broadcast_in_dim3A_583 : vector<16x16xi1>, vector<16x16xf32>
    %sqrt3A_585 = math.sqrt %select_n3A_584 : vector<16x16xf32>
    %jit3A_586 = arith.constant 0.000000e+00 : f32
    %broadcast_in_dim3A_587 = vector.broadcast %jit3A_586 : f32 to vector<16x16xf32>
    %select_n3A_588 = arith.select %gt3A_581, %sqrt3A_585, %broadcast_in_dim3A_587 : vector<16x16xi1>, vector<16x16xf32>
    %gt3A_589 = arith.constant 0.000000e+00 : f32
    %gt3A_590 = vector.broadcast %gt3A_589 : f32 to vector<16x1xf32>
    %gt3A_591 = arith.cmpf ogt, %slice3A_555, %gt3A_590 : vector<16x1xf32>
    %convert_element_type3A_592 = arith.extui %gt3A_591 : vector<16x1xi1> to vector<16x1xi32>
    %convert_element_type3A_593 = arith.sitofp %convert_element_type3A_592 : vector<16x1xi32> to vector<16x1xf32>
    %dot_general3A_594 = arith.constant dense<0.000000e+00> : vector<16x16xf32>
    %dot_general3A_595 = tpu.matmul %convert_element_type3A_593, %convert_element_type3A_593, %dot_general3A_594 {dimension_numbers = #tpu.dot_dimension_numbers<[1], [1], [0], [0], [0, 0, 1, 0], [], []>, transpose_lhs_hint = false} : vector<16x1xf32>, vector<16x1xf32>, vector<16x16xf32> -> vector<16x16xf32>
    %mul3A_596 = arith.mulf %dot_general3A_595, %sub3A_123 : vector<16x16xf32>
    %sub3A_597 = arith.constant 5.000000e-01 : f32
    %sub3A_598 = vector.broadcast %sub3A_597 : f32 to vector<16x16xf32>
    %sub3A_599 = arith.subf %sub3A_598, %select_n3A_588 : vector<16x16xf32>
    %max3A_600 = arith.constant 0.000000e+00 : f32
    %max3A_601 = vector.broadcast %max3A_600 : f32 to vector<16x16xf32>
    %max3A_602 = arith.maximumf %sub3A_599, %max3A_601 : vector<16x16xf32>
    %reduce_sum3A_603 = vector.shape_cast %mul3A_596 : vector<16x16xf32> to vector<1x16x16xf32>
    %reduce_sum3A_604 = arith.constant dense<0.000000e+00> : vector<1xf32>
    %reduce_sum3A_605 = vector.multi_reduction <add>, %reduce_sum3A_603, %reduce_sum3A_604 [1, 2] : vector<1x16x16xf32> to vector<1xf32>
    %reduce_sum3A_606 = vector.shape_cast %reduce_sum3A_605 : vector<1xf32> to vector<1x1x1xf32>
    %reduce_sum3A_607 = vector.extract %reduce_sum3A_606[0, 0, 0] : f32 from vector<1x1x1xf32>
    %reduce_sum3A_608 = vector.shape_cast %convert_element_type3A_593 : vector<16x1xf32> to vector<1x16x1xf32>
    %reduce_sum3A_609 = arith.constant dense<0.000000e+00> : vector<1xf32>
    %reduce_sum3A_610 = vector.multi_reduction <add>, %reduce_sum3A_608, %reduce_sum3A_609 [1, 2] : vector<1x16x1xf32> to vector<1xf32>
    %reduce_sum3A_611 = vector.shape_cast %reduce_sum3A_610 : vector<1xf32> to vector<1x1x1xf32>
    %reduce_sum3A_612 = vector.extract %reduce_sum3A_611[0, 0, 0] : f32 from vector<1x1x1xf32>
    %gt3A_613 = arith.constant 1.000000e+00 : f32
    %gt3A_614 = arith.cmpf ogt, %reduce_sum3A_612, %gt3A_613 : f32
    %mul3A_615 = arith.mulf %max3A_602, %mul3A_596 : vector<16x16xf32>
    %reduce_sum3A_616 = vector.shape_cast %mul3A_615 : vector<16x16xf32> to vector<1x16x16xf32>
    %reduce_sum3A_617 = arith.constant dense<0.000000e+00> : vector<1xf32>
    %reduce_sum3A_618 = vector.multi_reduction <add>, %reduce_sum3A_616, %reduce_sum3A_617 [1, 2] : vector<1x16x16xf32> to vector<1xf32>
    %reduce_sum3A_619 = vector.shape_cast %reduce_sum3A_618 : vector<1xf32> to vector<1x1x1xf32>
    %reduce_sum3A_620 = vector.extract %reduce_sum3A_619[0, 0, 0] : f32 from vector<1x1x1xf32>
    %max3A_621 = arith.constant 1.000000e+00 : f32
    %max3A_622 = arith.maximumf %reduce_sum3A_607, %max3A_621 : f32
    %div3A_623 = arith.divf %reduce_sum3A_620, %max3A_622 : f32
    %jit3A_624 = arith.constant 0.000000e+00 : f32
    %select_n3A_625 = arith.select %gt3A_614, %div3A_623, %jit3A_624 : f32
    %add3A_626 = arith.addf %add3A_554, %select_n3A_625 : f32
    %slice3A_627 = vector.extract_strided_slice %broadcast_in_dim3A {offsets = [112, 0], sizes = [16, 1], strides = [1, 1]} : vector<128x1xf32> to vector<16x1xf32>
    %slice3A_628 = vector.extract_strided_slice %add3A {offsets = [112, 0], sizes = [16, 64], strides = [1, 1]} : vector<128x64xf32> to vector<16x64xf32>
    %max3A_629 = arith.constant 1.000000e+00 : f32
    %max3A_630 = vector.broadcast %max3A_629 : f32 to vector<16x1xf32>
    %max3A_631 = arith.maximumf %slice3A_627, %max3A_630 : vector<16x1xf32>
    %div3A_632 = vector.broadcast %max3A_631 : vector<16x1xf32> to vector<16x64xf32>
    %div3A_633 = arith.divf %slice3A_628, %div3A_632 : vector<16x64xf32>
    %dot_general3A_634 = arith.constant dense<0.000000e+00> : vector<16x16xf32>
    %dot_general3A_635 = tpu.matmul %div3A_633, %div3A_633, %dot_general3A_634 {dimension_numbers = #tpu.dot_dimension_numbers<[1], [1], [0], [0], [0, 0, 1, 0], [], []>, transpose_lhs_hint = false} : vector<16x64xf32>, vector<16x64xf32>, vector<16x16xf32> -> vector<16x16xf32>
    %mul3A_636 = arith.mulf %dot_general3A_635, %convert_element_type3A_120 : vector<16x16xf32>
    %reduce_sum3A_637 = arith.constant dense<0.000000e+00> : vector<16xf32>
    %reduce_sum3A_638 = vector.multi_reduction <add>, %mul3A_636, %reduce_sum3A_637 [1] : vector<16x16xf32> to vector<16xf32>
    %broadcast_in_dim3A_639 = vector.shape_cast %reduce_sum3A_638 : vector<16xf32> to vector<16x1xf32>
    %mul3A_640 = arith.mulf %dot_general3A_635, %convert_element_type3A_120 : vector<16x16xf32>
    %reduce_sum3A_641 = arith.constant dense<0.000000e+00> : vector<16xf32>
    %reduce_sum3A_642 = vector.multi_reduction <add>, %mul3A_640, %reduce_sum3A_641 [0] : vector<16x16xf32> to vector<16xf32>
    %broadcast_in_dim3A_643 = vector.shape_cast %reduce_sum3A_642 : vector<16xf32> to vector<1x16xf32>
    %add3A_644 = vector.broadcast %broadcast_in_dim3A_639 : vector<16x1xf32> to vector<16x16xf32>
    %add3A_645 = vector.broadcast %broadcast_in_dim3A_643 : vector<1x16xf32> to vector<16x16xf32>
    %add3A_646 = arith.addf %add3A_644, %add3A_645 : vector<16x16xf32>
    %mul3A_647 = arith.constant 2.000000e+00 : f32
    %mul3A_648 = vector.broadcast %mul3A_647 : f32 to vector<16x16xf32>
    %mul3A_649 = arith.mulf %mul3A_648, %dot_general3A_635 : vector<16x16xf32>
    %sub3A_650 = arith.subf %add3A_646, %mul3A_649 : vector<16x16xf32>
    %gt3A_651 = arith.constant 0.000000e+00 : f32
    %gt3A_652 = vector.broadcast %gt3A_651 : f32 to vector<16x16xf32>
    %gt3A_653 = arith.cmpf ogt, %sub3A_650, %gt3A_652 : vector<16x16xf32>
    %jit3A_654 = arith.constant 1.000000e+00 : f32
    %broadcast_in_dim3A_655 = vector.broadcast %jit3A_654 : f32 to vector<16x16xf32>
    %select_n3A_656 = arith.select %gt3A_653, %sub3A_650, %broadcast_in_dim3A_655 : vector<16x16xi1>, vector<16x16xf32>
    %sqrt3A_657 = math.sqrt %select_n3A_656 : vector<16x16xf32>
    %jit3A_658 = arith.constant 0.000000e+00 : f32
    %broadcast_in_dim3A_659 = vector.broadcast %jit3A_658 : f32 to vector<16x16xf32>
    %select_n3A_660 = arith.select %gt3A_653, %sqrt3A_657, %broadcast_in_dim3A_659 : vector<16x16xi1>, vector<16x16xf32>
    %gt3A_661 = arith.constant 0.000000e+00 : f32
    %gt3A_662 = vector.broadcast %gt3A_661 : f32 to vector<16x1xf32>
    %gt3A_663 = arith.cmpf ogt, %slice3A_627, %gt3A_662 : vector<16x1xf32>
    %convert_element_type3A_664 = arith.extui %gt3A_663 : vector<16x1xi1> to vector<16x1xi32>
    %convert_element_type3A_665 = arith.sitofp %convert_element_type3A_664 : vector<16x1xi32> to vector<16x1xf32>
    %dot_general3A_666 = arith.constant dense<0.000000e+00> : vector<16x16xf32>
    %dot_general3A_667 = tpu.matmul %convert_element_type3A_665, %convert_element_type3A_665, %dot_general3A_666 {dimension_numbers = #tpu.dot_dimension_numbers<[1], [1], [0], [0], [0, 0, 1, 0], [], []>, transpose_lhs_hint = false} : vector<16x1xf32>, vector<16x1xf32>, vector<16x16xf32> -> vector<16x16xf32>
    %mul3A_668 = arith.mulf %dot_general3A_667, %sub3A_123 : vector<16x16xf32>
    %sub3A_669 = arith.constant 5.000000e-01 : f32
    %sub3A_670 = vector.broadcast %sub3A_669 : f32 to vector<16x16xf32>
    %sub3A_671 = arith.subf %sub3A_670, %select_n3A_660 : vector<16x16xf32>
    %max3A_672 = arith.constant 0.000000e+00 : f32
    %max3A_673 = vector.broadcast %max3A_672 : f32 to vector<16x16xf32>
    %max3A_674 = arith.maximumf %sub3A_671, %max3A_673 : vector<16x16xf32>
    %reduce_sum3A_675 = vector.shape_cast %mul3A_668 : vector<16x16xf32> to vector<1x16x16xf32>
    %reduce_sum3A_676 = arith.constant dense<0.000000e+00> : vector<1xf32>
    %reduce_sum3A_677 = vector.multi_reduction <add>, %reduce_sum3A_675, %reduce_sum3A_676 [1, 2] : vector<1x16x16xf32> to vector<1xf32>
    %reduce_sum3A_678 = vector.shape_cast %reduce_sum3A_677 : vector<1xf32> to vector<1x1x1xf32>
    %reduce_sum3A_679 = vector.extract %reduce_sum3A_678[0, 0, 0] : f32 from vector<1x1x1xf32>
    %reduce_sum3A_680 = vector.shape_cast %convert_element_type3A_665 : vector<16x1xf32> to vector<1x16x1xf32>
    %reduce_sum3A_681 = arith.constant dense<0.000000e+00> : vector<1xf32>
    %reduce_sum3A_682 = vector.multi_reduction <add>, %reduce_sum3A_680, %reduce_sum3A_681 [1, 2] : vector<1x16x1xf32> to vector<1xf32>
    %reduce_sum3A_683 = vector.shape_cast %reduce_sum3A_682 : vector<1xf32> to vector<1x1x1xf32>
    %reduce_sum3A_684 = vector.extract %reduce_sum3A_683[0, 0, 0] : f32 from vector<1x1x1xf32>
    %gt3A_685 = arith.constant 1.000000e+00 : f32
    %gt3A_686 = arith.cmpf ogt, %reduce_sum3A_684, %gt3A_685 : f32
    %mul3A_687 = arith.mulf %max3A_674, %mul3A_668 : vector<16x16xf32>
    %reduce_sum3A_688 = vector.shape_cast %mul3A_687 : vector<16x16xf32> to vector<1x16x16xf32>
    %reduce_sum3A_689 = arith.constant dense<0.000000e+00> : vector<1xf32>
    %reduce_sum3A_690 = vector.multi_reduction <add>, %reduce_sum3A_688, %reduce_sum3A_689 [1, 2] : vector<1x16x16xf32> to vector<1xf32>
    %reduce_sum3A_691 = vector.shape_cast %reduce_sum3A_690 : vector<1xf32> to vector<1x1x1xf32>
    %reduce_sum3A_692 = vector.extract %reduce_sum3A_691[0, 0, 0] : f32 from vector<1x1x1xf32>
    %max3A_693 = arith.constant 1.000000e+00 : f32
    %max3A_694 = arith.maximumf %reduce_sum3A_679, %max3A_693 : f32
    %div3A_695 = arith.divf %reduce_sum3A_692, %max3A_694 : f32
    %jit3A_696 = arith.constant 0.000000e+00 : f32
    %select_n3A_697 = arith.select %gt3A_686, %div3A_695, %jit3A_696 : f32
    %add3A_698 = arith.addf %add3A_626, %select_n3A_697 : f32
    %gt3A_699 = arith.constant 0.000000e+00 : f32
    %gt3A_700 = arith.cmpf ogt, %reduce_sum3A_115, %gt3A_699 : f32
    %max3A_701 = arith.constant 1.000000e+00 : f32
    %max3A_702 = arith.maximumf %reduce_sum3A_115, %max3A_701 : f32
    %div3A_703 = arith.divf %reduce_sum3A_108, %max3A_702 : f32
    %jit3A_704 = arith.constant 0.000000e+00 : f32
    %select_n3A_705 = arith.select %gt3A_700, %div3A_703, %jit3A_704 : f32
    %gt3A_706 = arith.constant 0.000000e+00 : f32
    %gt3A_707 = arith.cmpf ogt, %reduce_sum3A_115, %gt3A_706 : f32
    %max3A_708 = arith.constant 1.000000e+00 : f32
    %max3A_709 = arith.maximumf %reduce_sum3A_115, %max3A_708 : f32
    %div3A_710 = arith.divf %add3A_698, %max3A_709 : f32
    %jit3A_711 = arith.constant 0.000000e+00 : f32
    %select_n3A_712 = arith.select %gt3A_707, %div3A_710, %jit3A_711 : f32
    %add3A_713 = arith.addf %select_n3A_705, %select_n3A_712 : f32
    %mul3A_714 = arith.constant 0.00999999977 : f32
    %mul3A_715 = arith.mulf %mul3A_714, %add3A_713 : f32
    %reshape3A = vector.broadcast %mul3A_715 : f32 to vector<1x1xf32>
    %swap3A = arith.constant 0 : index
    %swap3A_716 = arith.constant 0 : index
    %swap3A_717 = vector.load %arg5[%swap3A, %swap3A_716] : memref<1x1xf32, #tpu.memory_space<vmem>>, vector<1x1xf32>
    tpu.vector_store %arg5[%swap3A, %swap3A_716], %reshape3A {strides = array<i32>} : memref<1x1xf32, #tpu.memory_space<vmem>>, vector<1x1xf32>,
    return
  }
}

</mosaic_0001>

<sc_bundles>
// kernel: kernel.11.cloned.1.call-start
scs
__scs_entry_jumppad:
0x0: {  	(pc) =	sbr.rel $0x88, $3  }
0x1: {  	(tag) =	ssettag $0x0;
	lr =	simm.s32 $0x1  }
0x2: {  	[smem:$0x3F9D] =	sst lr;
	_ =	strace $0xD0000000  }
0x3: {  	_ = 	snop  }
0x4: {  	_ = 	snop  }
0x5: {  	_ = 	snop  }
0x6: {  	_ = 	snop  }
0x7: {  	_ = 	snop  }
__scs_overlays_trampoline_lowered:
0x8: {  	[smem:$0x3FAC] =	sst s0  }
0x9: {  	[smem:$0x3FAD] =	sst s1  }
0xa: {  	[smem:$0x3FAE] =	sst s2  }
0xb: {  	[smem:$0x3FAF] =	sst s3  }
0xc: {  	[smem:$0x3FB0] =	sst s4  }
0xd: {  	[smem:$0x3FB1] =	sst s5  }
0xe: {  	[smem:$0x3FB2] =	sst s6  }
0xf: {  	[smem:$0x3FB3] =	sst s7  }
0x10: {  	[smem:$0x3FB4] =	sst s8  }
0x11: {  	[smem:$0x3FB5] =	sst s9;
	s0 =	simm.s32 @!p0 $0x0  }
0x12: {  	s1 =	sld [smem:$0x3F9B];
	s0 =	simm.s32 @p0 $0x1  }
0x13: {  	[smem:$0x3FB6] =	sst s0;
	s0 =	simm.s32 @!p1 $0x0  }
0x14: {  	s2 =	sld [smem:$0x3F9A];
	s0 =	simm.s32 @p1 $0x1  }
0x15: {  	[smem:$0x3FB7] =	sst s0;
	s0 =	simm.s32 @!p2 $0x0  }
0x16: {  	s3 =	sld [smem:$0x3FDB];
	s0 =	simm.s32 @p2 $0x1  }
0x17: {  	s4 =	simm.s32 $0x1BF5;
	[smem:$0x3FB9] =	sst s0  }
0x18: {  	s0 =	sld [smem:$0x3F9C];
	_ =	swait.ge [sflag:s4], $0x0  }
0x19: {  	s7 =	sld [smem:$0x3F9D]  }
0x1a: {  	s8 =	sadd.s32 $0xFFFFE003, lr  }
0x1b: {  	s9 =	sadd.s32 $0xFFFFFEF7, lr;
	s5 =	simm.s32 $0xFFFFFFFF;
	p2 =	slt.u32 s8, $0xFFFFF086  }
0x1c: {  	p1 =	slt.u32 s9, $0xF7A;
	s5 =	simm.s32 @!p2 $0x0  }
0x1d: {  	s5 =	simm.s32 @p1 $0x1;
	p0 =	seq.s32 s7, s2  }
0x1e: {  	s7 =	smul.u32 @!p0 $0xF7A, s2;
	p2 =	seq.s32 @!p0 s5, $0x0  }
0x1f: {  	s9 =	smul.u32 $0xF7A, s1;
	s8 =	simm.s32 @!p0 $0x1BF5;
	p2 =	por !p2, p0  }
0x20: {  	[sflag:s8] =	ssyncset.s32 @!p0 $0xFFFFF086;
	s6 =	sadd.s32 @!p0 s3, s7;
	s7 =	simm.s32 @!p0 $0x108  }
0x21: {  	s3 =	sadd.s32 s3, s9;
	s6 =	sadd.s32 @!p0 $0x88, s6;
	s7 =	simm.s32 @p2 $0x1082  }
0x22: {  	[simem:s7], [sflag:s8] =	dma.local @!p0 [hbm:s6], $0xF7A  }
0x23: {  	s9 =	sor.u32 $0xD0000000, s2;
	s6 =	simm.s32 $0x108;
	_ =	swait.ge @!p0 [sflag:s8], $0x0  }
0x24: {  	s3 =	sadd.s32 $0x88, s3;
	s6 =	simm.s32 @!p1 $0x1082;
	[sflag:s4] =	ssyncset.s32 $0xFFFFF086  }
0x25: {  	[simem:s6], [sflag:s4] =	dma.local [hbm:s3], $0xF7A  }
0x26: {  	[smem:$0x3F9D] =	sst s1;
	(tag) =	ssettag s2;
	_ =	strace s9  }
0x27: {  	s1 =	sld [smem:$0x3FAD]  }
0x28: {  	s2 =	sld [smem:$0x3FAE]  }
0x29: {  	s4 =	sld [smem:$0x3FB0]  }
0x2a: {  	p0 =	seq.s32 s5, $0x0;
	s5 =	sld [smem:$0x3FB1]  }
0x2b: {  	s6 =	sld [smem:$0x3FB2]  }
0x2c: {  	s7 =	sld [smem:$0x3FB3]  }
0x2d: {  	s3 =	simm.s32 $0x108;
	s8 =	sld [smem:$0x3FB4]  }
0x2e: {  	s3 =	simm.s32 @!p0 $0x1082;
	s9 =	sld [smem:$0x3FB5]  }
0x2f: {  	lr =	sadd.s32 s0, s3;
	s0 =	sld [smem:$0x3FAC]  }
0x30: {  	s3 =	sld [smem:$0x3FAF]  }
0x31: {  	[smem:$0x3FB8] =	sst s10  }
0x32: {  	s10 =	sld [smem:$0x3FB6];
	_ =	sdelay $0x3  }
0x33: {  	p0 =	seq.s32 s10, $0x1;
	s10 =	sld [smem:$0x3FB8];
	_ =	sdelay $0x3  }
0x34: {  	[smem:$0x3FB8] =	sst s10  }
0x35: {  	s10 =	sld [smem:$0x3FB7];
	_ =	sdelay $0x3  }
0x36: {  	p1 =	seq.s32 s10, $0x1;
	s10 =	sld [smem:$0x3FB8];
	_ =	sdelay $0x3  }
0x37: {  	[smem:$0x3FB8] =	sst s10  }
0x38: {  	s10 =	sld [smem:$0x3FB9]  }
0x39: {  	_ = 	snop;
	(pc) =	sbr.ind lr, $3  }
0x3a: {  	_ = 	snop  }
0x3b: {  	_ = 	snop  }
0x3c: {  	p2 =	seq.s32 s10, $0x1;
	s10 =	sld [smem:$0x3FB8]  }
0x3d: {  	_ =	shalt  }
0x3e: {  	_ =	shalt  }
0x3f: {  	_ =	shalt  }
0x40: {  	_ =	shalt  }
0x41: {  	_ =	shalt  }
0x42: {  	_ =	shalt  }
0x43: {  	_ =	shalt  }
0x44: {  	_ =	shalt  }
0x45: {  	_ =	shalt  }
0x46: {  	_ =	shalt  }
0x47: {  	_ =	shalt  }
0x48: {  	_ =	shalt  }
0x49: {  	_ =	shalt  }
0x4a: {  	_ =	shalt  }
0x4b: {  	_ =	shalt  }
0x4c: {  	_ =	shalt  }
0x4d: {  	_ =	shalt  }
0x4e: {  	_ =	shalt  }
0x4f: {  	_ =	shalt  }
0x50: {  	_ =	shalt  }
0x51: {  	_ =	shalt  }
0x52: {  	_ =	shalt  }
0x53: {  	_ =	shalt  }
0x54: {  	_ =	shalt  }
0x55: {  	_ =	shalt  }
0x56: {  	_ =	shalt  }
0x57: {  	_ =	shalt  }
0x58: {  	_ =	shalt  }
0x59: {  	_ =	shalt  }
0x5a: {  	_ =	shalt  }
0x5b: {  	_ =	shalt  }
0x5c: {  	_ =	shalt  }
0x5d: {  	_ =	shalt  }
0x5e: {  	_ =	shalt  }
0x5f: {  	_ =	shalt  }
0x60: {  	_ =	shalt  }
0x61: {  	_ =	shalt  }
0x62: {  	_ =	shalt  }
0x63: {  	_ =	shalt  }
0x64: {  	_ =	shalt  }
0x65: {  	_ =	shalt  }
0x66: {  	_ =	shalt  }
0x67: {  	_ =	shalt  }
0x68: {  	_ =	shalt  }
0x69: {  	_ =	shalt  }
0x6a: {  	_ =	shalt  }
0x6b: {  	_ =	shalt  }
0x6c: {  	_ =	shalt  }
0x6d: {  	_ =	shalt  }
0x6e: {  	_ =	shalt  }
0x6f: {  	_ =	shalt  }
0x70: {  	_ =	shalt  }
0x71: {  	_ =	shalt  }
0x72: {  	_ =	shalt  }
0x73: {  	_ =	shalt  }
0x74: {  	_ =	shalt  }
0x75: {  	_ =	shalt  }
0x76: {  	_ =	shalt  }
0x77: {  	_ =	shalt  }
0x78: {  	_ =	shalt  }
0x79: {  	_ =	shalt  }
0x7a: {  	_ =	shalt  }
0x7b: {  	_ =	shalt  }
0x7c: {  	_ =	shalt  }
0x7d: {  	_ =	shalt  }
0x7e: {  	_ =	shalt  }
0x7f: {  	_ =	shalt  }
0x80: {  	_ =	shalt  }
0x81: {  	_ =	shalt  }
0x82: {  	_ =	shalt  }
0x83: {  	_ =	shalt  }
0x84: {  	_ =	shalt  }
0x85: {  	_ =	shalt  }
0x86: {  	_ =	shalt  }
0x87: {  	_ =	shalt  }
.Lfunc_end0:
.L_simem_size_0:
called_computation.1_lowered:
.L_overlay_start_0:
0x88: {  	s2 =	sld [smem:$0x3FD9]  }
0x89: {  	s3 =	sld [smem:$0x3FFE];
	_ =	sdelay $0x1  }
0x8a: {  	s1 =	srdreg.scid  }
0x8b: {  	s0 =	sand.u32 $0x1, s1  }
0x8c: {  	s17 =	sshll.u32 s0, $0xA;
	s2 =	sadd.s32 s3, s2  }
0x8d: {  	s2 =	sadd.s32 s2, s17  }
0x8e: {  	[smem:$0x3FC4] =	sst s2  }
0x8f: {  	_ = 	snop  }
0x90: {  	(tm) =	ssettm $0x1  }
0x91: {  	s18 =	sld [smem:$0x3FFB];
	_ =	sdelay $0x3  }
0x92: {  	_ =	strace s18  }
0x93: {  	s2 =	sld [smem:$0x3FFC];
	_ =	sdelay $0x3  }
0x94: {  	_ =	strace s2  }
0x95: {  	s2 =	sld [smem:$0x3FFD];
	_ =	sdelay $0x3  }
0x96: {  	_ =	strace s2  }
0x97: {  	_ =	strace $0x8FFFFFFF  }
0x98: {  	s19 =	sld [smem:$0x3FDB];
	_ =	sdelay $0x1  }
0x99: {  	s20 =	simm.s32 $_scs_section_size  }
0x9a: {  	s4 =	simm.s32 $_size__tile_overlayer_lowered;
	s5 =	simm.s32 $_tile_overlayer_lowered  }
0x9b: {  	s6 =	simm.s32 $0x1BFF;
	s21 =	sshll.u32 s5, $0x1;
	s3 =	sadd.s32 s20, s19  }
0x9c: {  	s22 =	simm.s32 $0x0;
	s4 =	sshll.u32 s4, $0x1;
	s5 =	sadd.s32 s21, s3  }
0x9d: {  	[timem:s22], [sflag:s6] =	dma.local [hbm:s5], s4  }
0x9e: {  	_ =	swait.ge [sflag:s6], s4  }
0x9f: {  	s4 =	ssub.s32 $0x0, s4;
	[sflag:s6] =	ssyncset.done $0x0  }
0xa0: {  	[sflag:s6] =	ssyncadd.s32 s4;
	_ =	sdelay $0x1  }
0xa1: {  	s23 =	simm.s32 $0x1B8B  }
0xa2: {  	_ =	swait.ge [sflag:s23], $0x1  }
0xa3: {  	[sflag:s23] =	ssyncset.done $0x0  }
0xa4: {  	[sflag:s23] =	ssyncadd.s32 $0xFFFFFFFF  }
0xa5: {  	s4 =	sld [smem:$0x0]  }
0xa6: {  	s5 =	sand.u32 $0xFFFFFFFE, s1  }
0xa7: {  	p0 =	sne.s32 s1, s5  }
0xa8: {  	s5 =	sshll.u32 @p0 s5, $0xE  }
0xa9: {  	s5 =	sadd.s32 @p0 $0x11B8D, s5;
	s6 =	sshll.u32 @p0 s4, $0x11  }
0xaa: {  	s5 =	sor.u32 @p0 s6, s5  }
0xab: {  	[sflag:s5] =	ssyncadd.remote.s32 @p0 $0x1;
	_ =	sdelay $0x1  }
0xac: {  	s5 =	simm.s32 @p0 $0x1B8D  }
0xad: {  	_ =	swait.eq @p0 [sflag:s5], $0x1  }
0xae: {  	[sflag:s5] =	ssyncadd.s32 @p0 $0xFFFFFFFF  }
0xaf: {  	s6 =	sshll.u32 @!p0 s1, $0xE  }
0xb0: {  	s6 =	sor.u32 @!p0 $0x4000, s6;
	s5 =	simm.s32 @!p0 $0x1B8D  }
0xb1: {  	s4 =	sshll.u32 @!p0 s4, $0x11;
	s6 =	sadd.s32 @!p0 $0x11B8D, s6;
	_ =	swait.eq @!p0 [sflag:s5], $0x1  }
0xb2: {  	s4 =	sor.u32 @!p0 s4, s6;
	[sflag:s5] =	ssyncadd.s32 @!p0 $0xFFFFFFFF  }
0xb3: {  	s25 =	simm.s32 $0x1B8E;
	s24 =	sld [smem:$0x3FFE];
	[sflag:s4] =	ssyncadd.remote.s32 @!p0 $0x1  }
0xb4: {  	s26 =	simm.s32 $execute0_lowered;
	[smem:$0x3FD2] =	sst s25  }
0xb5: {  	s5 =	sshll.u32 s26, $0x1;
	_ =	strace $0x80000049;
	[dreg:$0x1] =	wrdreg $0xFFFFFFFF  }
0xb6: {  	s28 =	simm.s32 $_size_execute0_lowered;
	s3 =	sadd.s32 s3, s5;
	[dreg:$0x0] =	wrdreg $0x0  }
0xb7: {  	s5 =	sshll.u32 s28, $0x1;
	[dreg:$0x2] =	wrdreg s3  }
0xb8: {  	[dreg:$0x3] =	wrdreg s5  }
0xb9: {  	[dreg:$0x4] =	wrdreg $0xC0  }
0xba: {  	_ =	task [dreg:s22], $0x5FFFF  }
0xbb: {  	[dreg:$0x1] =	wrdreg $0xFFFFFFFF  }
0xbc: {  	[dreg:$0x0] =	wrdreg $0x60  }
0xbd: {  	[dreg:$0x2] =	wrdreg s24  }
0xbe: {  	[dreg:$0x3] =	wrdreg $0x11C000  }
0xbf: {  	[dreg:$0x4] =	wrdreg $0xA  }
0xc0: {  	_ =	task.clear_ibuf [dreg:s22], $0x5FFFF;
	_ =	strace $0x90000049  }
0xc1: {  	s29 =	simm.s32 $0xA;
	_ =	strace $0x8000004B  }
0xc2: {  	_ =	swait.ge [sflag:s29], $0x1  }
0xc3: {  	[sflag:s29] =	ssyncadd.s32 $0xFFFFFFFF  }
0xc4: {  	_ =	strace $0x9000004B  }
0xc5: {  	_ =	sfence  }
0xc6: {  	s30 =	sld [smem:$0x0];
	_ =	sdelay $0x2  }
0xc7: {  	s31 =	sshll.u32 s1, $0xD;
	s1 =	sshrl.u32 s1, $0x2  }
0xc8: {  	s4 =	sand.u32 $0x4000, s31;
	s1 =	sadd.s32 s1, s30  }
0xc9: {  	s0 =	sor.u32 s4, s0;
	s1 =	sshll.u32 s1, $0x11  }
0xca: {  	s0 =	sor.u32 s1, s0  }
0xcb: {  	s0 =	sadd.s32 $0x8F2B, s0  }
0xcc: {  	[sflag:s0] =	ssyncadd.remote.s32 $0x1  }
0xcd: {  	_ =	sfence.sel $0xFFFF  }
0xce: {  	[dreg:$0x0] =	wrdreg $0xFFFFFFFF;
	(pc) =	sbr.abs _section_cstart, $3  }
0xcf: {  	[dreg:$0x1] =	wrdreg $0xFFFFFFFF  }
0xd0: {  	_ =	task.clear_ibuf [dreg:s22], $0x2FFFF;
	_ =	strace $0x9FFFFFFF  }
0xd1: {  	(tm) =	ssettm $0x7FFFFFFF  }
tec
execute0_lowered:
.L_overlay_start_1:
0x0: {  	(tag) =	ssettag $0x1  }
0x1: {  	s0 =	rddreg [dreg:$0x0]  }
0x2: {  	s1 =	rddreg [dreg:$0x1]  }
0x3: {  	s2 =	srdreg.scid;
	s16 =	stileid.u32;
	s17 =	simm.s32 $0x5  }
0x4: {  	s20 =	simm.s32 $0x1;
	s21 =	simm.s32 $0x8000;
	s22 =	simm.s32 $0x80  }
0x5: {  	s28 =	simm.s32 $0x3;
	s31 =	simm.s32 $0xC000;
	s19 =	simm.s32 $0x11680  }
0x6: {  	s23 =	simm.s32 $0x11700;
	s24 =	simm.s32 $0x11780;
	s29 =	simm.s32 $0x0  }
0x7: {  	s4 =	sand.u32 $0x1, s2;
	s2 =	simm.s32 $0x0;
	s10 =	sshll.u32 s16, $0xA  }
0x8: {  	p0 =	sne.s32 s16, $0x0;
	s3 =	sshll.u32 s4, $0x4;
	[smem:$0x7FF] =	sst s2  }
0x9: {  	s26 =	sshll.u32 s4, $0xB;
	s8 =	ssub.s32 $0x2, s4;
	s3 =	sor.u32 s16, s3  }
0xa: {  	s10 =	sadd.s32 s10, s1;
	s5 =	sshll.u32 s3, $0xF;
	s3 =	sshll.u32 s3, $0x8  }
0xb: {  	_ =	strace $0x8000004A;
	s9 =	sshrl.u32 s8, $0x1;
	s25 =	sadd.s32 s3, s0  }
0xc: {  	s15 =	sadd.s32 s5, s0;
	s3 =	sadd.s32 $0x107600, s25;
	s4 =	sadd.s32 $0x105600, s25  }
0xd: {  	s0 =	sadd.s32 s26, s0;
	s5 =	sadd.s32 $0x10A600, s15;
	s6 =	sadd.s32 $0x10C600, s15  }
0xe: {  	s30 =	ssub.s32 s8, s9;
	s7 =	sadd.s32 $0x20A600, s0;
	s8 =	sadd.s32 $0x10B600, s15  }
0xf: {  	s13 =	smax.u32 s30, $0x1;
	s9 =	sadd.s32 $0x10D600, s15;
	s11 =	sadd.s32 $0x10E600, s15  }
0x10: {  	s26 =	simm.s32 $0x2;
	s12 =	sadd.s32 $0x10F600, s15;
	s14 =	sadd.s32 $0x110600, s15  }
0x11: {  	v0 =	vimm.f32 $0.0e+00;
	s15 =	sadd.s32 $0x111600, s15;
	s25 =	simm.s32 $0x4000;
	s0 =	simm.s32 $0x4  }
.LBB2_1:
0x12: {  	[tilespmem:$0x11800] =	vst v0  }
0x13: {  	[tilespmem:$0x11810] =	vst v0  }
0x14: {  	[tilespmem:$0x11820] =	vst v0  }
0x15: {  	[tilespmem:$0x11830] =	vst v0  }
0x16: {  	[tilespmem:$0x11880] =	vst v0  }
0x17: {  	[tilespmem:$0x11890] =	vst v0  }
0x18: {  	[tilespmem:$0x118A0] =	vst v0  }
0x19: {  	[tilespmem:$0x118B0] =	vst v0  }
0x1a: {  	[tilespmem:$0x11900] =	vst v0  }
0x1b: {  	[tilespmem:$0x11910] =	vst v0  }
0x1c: {  	[tilespmem:$0x11920] =	vst v0  }
0x1d: {  	[tilespmem:$0x11930] =	vst v0  }
0x1e: {  	[tilespmem:$0x11980] =	vst v0  }
0x1f: {  	[tilespmem:$0x11990] =	vst v0  }
0x20: {  	[tilespmem:$0x119A0] =	vst v0  }
0x21: {  	[tilespmem:$0x119B0] =	vst v0  }
0x22: {  	[tilespmem:$0x11A00] =	vst v0  }
0x23: {  	[tilespmem:$0x11A10] =	vst v0  }
0x24: {  	[tilespmem:$0x11A20] =	vst v0  }
0x25: {  	[tilespmem:$0x11A30] =	vst v0  }
0x26: {  	[tilespmem:$0x11A80] =	vst v0  }
0x27: {  	[tilespmem:$0x11A90] =	vst v0  }
0x28: {  	[tilespmem:$0x11AA0] =	vst v0  }
0x29: {  	[tilespmem:$0x11AB0] =	vst v0  }
0x2a: {  	[tilespmem:$0x11B00] =	vst v0  }
0x2b: {  	[tilespmem:$0x11B10] =	vst v0  }
0x2c: {  	[tilespmem:$0x11B20] =	vst v0  }
0x2d: {  	[tilespmem:$0x11B30] =	vst v0  }
0x2e: {  	[tilespmem:$0x11B80] =	vst v0  }
0x2f: {  	[tilespmem:$0x11B90] =	vst v0  }
0x30: {  	[tilespmem:$0x11BA0] =	vst v0  }
0x31: {  	[tilespmem:$0x11BB0] =	vst v0;
	s16 =	simm.s32 $0x11800  }
0x32: {  	[spmem:s10] =	stream.linear.scatter [tilespmem:s16], [sflag:$0x5], $0x400, $0x38;
	[tilespmem:$0x11E00] =	vst v63  }
0x33: {  	_ =	swait.ge [sflag:s17], $0x400  }
0x34: {  	[sflag:s17] =	ssyncset.done $0x0  }
0x35: {  	s18 =	simm.s32 $0x10000;
	[sflag:s17] =	ssyncadd.s32 $0xFFFFFC00  }
0x36: {  	[tilespmem:s18], [sflag:$0x5] =	stream.linear.gather [hbm4b:s3+s2], $0x800, $0x38;
	[tilespmem:$0x11E00] =	vst v63  }
0x37: {  	_ =	swait.ge [sflag:s17], $0x800  }
0x38: {  	[sflag:s17] =	ssyncset.done $0x0  }
0x39: {  	s18 =	simm.s32 $0x10800;
	[sflag:s17] =	ssyncadd.s32 $0xFFFFF800  }
0x3a: {  	[tilespmem:s18], [sflag:$0x5] =	stream.linear.gather [hbm4b:s4+s2], $0x800, $0x38;
	[tilespmem:$0x11E00] =	vst v63  }
0x3b: {  	_ =	swait.ge [sflag:s17], $0x800  }
0x3c: {  	[sflag:s17] =	ssyncset.done $0x0  }
0x3d: {  	s30 =	simm.s32 $0x0;
	[sflag:s17] =	ssyncadd.s32 $0xFFFFF800  }
0x3e: {  	v1 =	vld [tilespmem:s30+$0x10870]  }
0x3f: {  	v2 =	vld [tilespmem:s30+$0x10070]  }
0x40: {  	v3 =	vld [tilespmem:s30+$0x10800]  }
0x41: {  	v4 =	vld [tilespmem:s30+$0x10810]  }
0x42: {  	v5 =	vld [tilespmem:s30+$0x10820]  }
0x43: {  	v7 =	vld [tilespmem:s30+$0x10830]  }
0x44: {  	v10 =	vld [tilespmem:s30+$0x10840]  }
0x45: {  	v9 =	vld [tilespmem:s30+$0x10000]  }
0x46: {  	v11 =	vld [tilespmem:s30+$0x10010];
	v1 =	vshll.u32 v1, $0x4  }
0x47: {  	v1 =	vadd.s32 v2, v1;
	v2 =	vld [tilespmem:s30+$0x10850]  }
0x48: {  	[tilespmem:s30+$0x11070] =	vst v1;
	v1 =	vld [tilespmem:s30+$0x10860]  }
0x49: {  	v8 =	vld [tilespmem:s30+$0x10020]  }
0x4a: {  	v6 =	vld [tilespmem:s30+$0x10030]  }
0x4b: {  	v12 =	vshll.u32 v3, $0x4;
	v3 =	vld [tilespmem:s30+$0x10040];
	v13 =	vshll.u32 v4, $0x4;
	v7 =	vshll.u32 v7, $0x4  }
0x4c: {  	v4 =	vld [tilespmem:s30+$0x10050];
	v12 =	vadd.s32 v9, v12;
	v9 =	vshll.u32 v5, $0x4;
	v5 =	vshll.u32 v10, $0x4  }
0x4d: {  	s16 =	simm.s32 $0x80;
	s18 =	simm.s32 $0x400;
	v11 =	vadd.s32 v11, v13;
	v10 =	vld [tilespmem:s30+$0x10060];
	[tilespmem:s30+$0x11000] =	vst v12;
	v2 =	vshll.u32 v2, $0x4;
	v1 =	vshll.u32 v1, $0x4  }
.LBB2_2:
0x4e: {  	p1 =	sne.s32 s18, $0x1E00;
	v12 =	vld [tilespmem:s16+$0x10870];
	[tilespmem:s30+$0x11010] =	vst v11;
	v8 =	vadd.s32 v8, v9  }
0x4f: {  	v9 =	vld [tilespmem:s16+$0x10070];
	[tilespmem:s30+$0x11020] =	vst v8;
	v6 =	vadd.s32 v6, v7  }
0x50: {  	v7 =	vld [tilespmem:s16+$0x10800];
	[tilespmem:s30+$0x11030] =	vst v6;
	v3 =	vadd.s32 v3, v5  }
0x51: {  	v5 =	vld [tilespmem:s16+$0x10810];
	[tilespmem:s30+$0x11040] =	vst v3;
	v2 =	vadd.s32 v4, v2  }
0x52: {  	v3 =	vld [tilespmem:s16+$0x10820];
	[tilespmem:s30+$0x11050] =	vst v2;
	v1 =	vadd.s32 v10, v1  }
0x53: {  	v2 =	vld [tilespmem:s16+$0x10830];
	v4 =	vshll.u32 v12, $0x4;
	[tilespmem:s30+$0x11060] =	vst v1;
	s30 =	smov.u32 s16  }
0x54: {  	v1 =	vld [tilespmem:s30+$0x10840];
	v4 =	vadd.s32 v9, v4  }
0x55: {  	v10 =	vshll.u32 v7, $0x4;
	v11 =	vld [tilespmem:s30+$0x10850];
	[tilespmem:s30+$0x11070] =	vst v4  }
0x56: {  	v12 =	vshll.u32 v5, $0x4;
	v4 =	vld [tilespmem:s30+$0x10860]  }
0x57: {  	v13 =	vld [tilespmem:s30+$0x10000];
	v9 =	vshll.u32 v3, $0x4  }
0x58: {  	v14 =	vld [tilespmem:s30+$0x10010];
	v7 =	vshll.u32 v2, $0x4  }
.Ltmp0:
0x59: {  	v8 =	vld [tilespmem:s30+$0x10020];
	v5 =	vshll.u32 v1, $0x4;
	(pc) =	sbr.rel @p1 .LBB2_2-.Ltmp0, $4  }
0x5a: {  	v6 =	vld [tilespmem:s30+$0x10030];
	v2 =	vshll.u32 v11, $0x4  }
0x5b: {  	v3 =	vld [tilespmem:s30+$0x10040];
	v1 =	vshll.u32 v4, $0x4  }
0x5c: {  	v10 =	vadd.s32 v13, v10;
	v4 =	vld [tilespmem:s30+$0x10050]  }
0x5d: {  	s16 =	sshra.s32 s18, $0x2;
	s18 =	sadd.s32 $0x200, s18;
	[tilespmem:s30+$0x11000] =	vst v10;
	v11 =	vadd.s32 v14, v12;
	v10 =	vld [tilespmem:s30+$0x10060]  }
0x5e: {  	v12 =	vld [tilespmem:s16+$0x10870];
	[tilespmem:s30+$0x11010] =	vst v11;
	v8 =	vadd.s32 v8, v9  }
0x5f: {  	v55 =	vld [tilespmem:s16+$0x10070];
	[tilespmem:s30+$0x11020] =	vst v8;
	v6 =	vadd.s32 v6, v7  }
0x60: {  	v56 =	vld [tilespmem:s16+$0x10800];
	[tilespmem:s30+$0x11030] =	vst v6;
	v3 =	vadd.s32 v3, v5  }
0x61: {  	v57 =	vld [tilespmem:s16+$0x10810];
	[tilespmem:s30+$0x11040] =	vst v3;
	v2 =	vadd.s32 v4, v2  }
0x62: {  	v3 =	vld [tilespmem:s16+$0x10820];
	[tilespmem:s30+$0x11050] =	vst v2;
	v1 =	vadd.s32 v10, v1  }
0x63: {  	v2 =	vld [tilespmem:s16+$0x10830];
	[tilespmem:s30+$0x11060] =	vst v1  }
0x64: {  	v58 =	vld [tilespmem:s16+$0x10840]  }
0x65: {  	v6 =	vld [tilespmem:s16+$0x10850]  }
0x66: {  	v8 =	vld [tilespmem:s16+$0x10000]  }
0x67: {  	v59 =	vld [tilespmem:s16+$0x10010]  }
0x68: {  	v60 =	vld [tilespmem:s16+$0x10020]  }
0x69: {  	v11 =	vld [tilespmem:s16+$0x10030]  }
0x6a: {  	v1 =	vshll.u32 v12, $0x4;
	v61 =	vld [tilespmem:s16+$0x10040]  }
0x6b: {  	v1 =	vadd.s32 v55, v1;
	v62 =	vld [tilespmem:s16+$0x10050];
	v7 =	vshll.u32 v56, $0x4  }
0x6c: {  	[tilespmem:s16+$0x11070] =	vst v1;
	v1 =	vld [tilespmem:s16+$0x10860];
	v5 =	vshll.u32 v57, $0x4;
	v7 =	vadd.s32 v8, v7  }
0x6d: {  	v63 =	vld [tilespmem:s16+$0x10060];
	v3 =	vshll.u32 v3, $0x4;
	v5 =	vadd.s32 v59, v5;
	[tilespmem:s16+$0x11000] =	vst v7  }
0x6e: {  	v2 =	vshll.u32 v2, $0x4;
	v3 =	vadd.s32 v60, v3;
	[tilespmem:s16+$0x11010] =	vst v5  }
0x6f: {  	v4 =	vshll.u32 v58, $0x4;
	v2 =	vadd.s32 v11, v2;
	[tilespmem:s16+$0x11020] =	vst v3  }
0x70: {  	v3 =	vshll.u32 v6, $0x4;
	[tilespmem:s16+$0x11030] =	vst v2;
	v2 =	vadd.s32 v61, v4  }
0x71: {  	v1 =	vshll.u32 v1, $0x4;
	[tilespmem:s16+$0x11040] =	vst v2;
	v2 =	vadd.s32 v62, v3  }
0x72: {  	v1 =	vadd.s32 v63, v1;
	[tilespmem:s16+$0x11050] =	vst v2  }
0x73: {  	[tilespmem:s16+$0x11060] =	vst v1  }
0x74: {  	[bflag:$0x0] =	sbarrier.arrive $0xFFFF  }
0x75: {  	[tilespmem:s2], [sflag:$0x1] =	stream.linear.gather [hbm4b:s5+s2], $0x8000, $0x38;
	[tilespmem:$0x11E00] =	vst v63  }
0x76: {  	_ =	swait.ge [sflag:s20], $0x8000  }
0x77: {  	[sflag:s20] =	ssyncset.done $0x0  }
0x78: {  	[sflag:s20] =	ssyncadd.s32 $0xFFFF8000  }
0x79: {  	[tilespmem:s21], [sflag:$0x2] =	stream.linear.gather [hbm4b:s8+s2], $0x8000, $0x38;
	[tilespmem:$0x11E00] =	vst v63  }
0x7a: {  	s30 =	simm.s32 $0x11000  }
0x7b: {  	[spmem:s1] =	stream.indirect.scatter.add.f32 [tilespmem:s2], [sflag:$0x3], $0x40, s30, s22, $0xb8;
	[tilespmem:$0x11E00] =	vst v63  }
0x7c: {  	s18 =	simm.s32 $0x11080  }
0x7d: {  	[spmem:s1] =	stream.indirect.scatter.add.f32 [tilespmem:s25], [sflag:$0x3], $0x40, s18, s22, $0xb8;
	[tilespmem:$0x11E00] =	vst v63  }
0x7e: {  	_ =	swait.ge [sflag:s26], $0x8000  }
0x7f: {  	[sflag:s26] =	ssyncset.done $0x0  }
0x80: {  	[sflag:s26] =	ssyncadd.s32 $0xFFFF8000  }
0x81: {  	_ =	swait.ge [sflag:s28], $0x2000  }
0x82: {  	[sflag:s28] =	ssyncset.done $0x0  }
0x83: {  	[sflag:s28] =	ssyncadd.s32 $0xFFFFE000  }
0x84: {  	_ =	swait.ge [sflag:s28], $0x2000  }
0x85: {  	[sflag:s28] =	ssyncset.done $0x0  }
0x86: {  	[sflag:s28] =	ssyncadd.s32 $0xFFFFE000  }
0x87: {  	[tilespmem:s2], [sflag:$0x1] =	stream.linear.gather [hbm4b:s6+s2], $0x8000, $0x38;
	[tilespmem:$0x11E00] =	vst v63  }
0x88: {  	s30 =	simm.s32 $0x11100  }
0x89: {  	[spmem:s1] =	stream.indirect.scatter.add.f32 [tilespmem:s21], [sflag:$0x4], $0x40, s30, s22, $0xb8;
	[tilespmem:$0x11E00] =	vst v63  }
0x8a: {  	s18 =	simm.s32 $0x11180  }
0x8b: {  	[spmem:s1] =	stream.indirect.scatter.add.f32 [tilespmem:s31], [sflag:$0x4], $0x40, s18, s22, $0xb8;
	[tilespmem:$0x11E00] =	vst v63  }
0x8c: {  	_ =	swait.ge [sflag:s20], $0x8000  }
0x8d: {  	[sflag:s20] =	ssyncset.done $0x0  }
0x8e: {  	[sflag:s20] =	ssyncadd.s32 $0xFFFF8000  }
0x8f: {  	_ =	swait.ge [sflag:s0], $0x2000  }
0x90: {  	[sflag:s0] =	ssyncset.done $0x0  }
0x91: {  	[sflag:s0] =	ssyncadd.s32 $0xFFFFE000  }
0x92: {  	_ =	swait.ge [sflag:s0], $0x2000  }
0x93: {  	[sflag:s0] =	ssyncset.done $0x0  }
0x94: {  	[sflag:s0] =	ssyncadd.s32 $0xFFFFE000  }
0x95: {  	[tilespmem:s21], [sflag:$0x2] =	stream.linear.gather [hbm4b:s9+s2], $0x8000, $0x38;
	[tilespmem:$0x11E00] =	vst v63  }
0x96: {  	s30 =	simm.s32 $0x11200  }
0x97: {  	[spmem:s1] =	stream.indirect.scatter.add.f32 [tilespmem:s2], [sflag:$0x3], $0x40, s30, s22, $0xb8;
	[tilespmem:$0x11E00] =	vst v63  }
0x98: {  	s18 =	simm.s32 $0x11280  }
0x99: {  	[spmem:s1] =	stream.indirect.scatter.add.f32 [tilespmem:s25], [sflag:$0x3], $0x40, s18, s22, $0xb8;
	[tilespmem:$0x11E00] =	vst v63  }
0x9a: {  	_ =	swait.ge [sflag:s26], $0x8000  }
0x9b: {  	[sflag:s26] =	ssyncset.done $0x0  }
0x9c: {  	[sflag:s26] =	ssyncadd.s32 $0xFFFF8000  }
0x9d: {  	_ =	swait.ge [sflag:s28], $0x2000  }
0x9e: {  	[sflag:s28] =	ssyncset.done $0x0  }
0x9f: {  	[sflag:s28] =	ssyncadd.s32 $0xFFFFE000  }
0xa0: {  	_ =	swait.ge [sflag:s28], $0x2000  }
0xa1: {  	[sflag:s28] =	ssyncset.done $0x0  }
0xa2: {  	[sflag:s28] =	ssyncadd.s32 $0xFFFFE000  }
0xa3: {  	[tilespmem:s2], [sflag:$0x1] =	stream.linear.gather [hbm4b:s11+s2], $0x8000, $0x38;
	[tilespmem:$0x11E00] =	vst v63  }
0xa4: {  	s30 =	simm.s32 $0x11300  }
0xa5: {  	[spmem:s1] =	stream.indirect.scatter.add.f32 [tilespmem:s21], [sflag:$0x4], $0x40, s30, s22, $0xb8;
	[tilespmem:$0x11E00] =	vst v63  }
0xa6: {  	s18 =	simm.s32 $0x11380  }
0xa7: {  	[spmem:s1] =	stream.indirect.scatter.add.f32 [tilespmem:s31], [sflag:$0x4], $0x40, s18, s22, $0xb8;
	[tilespmem:$0x11E00] =	vst v63  }
0xa8: {  	_ =	swait.ge [sflag:s20], $0x8000  }
0xa9: {  	[sflag:s20] =	ssyncset.done $0x0  }
0xaa: {  	[sflag:s20] =	ssyncadd.s32 $0xFFFF8000  }
0xab: {  	_ =	swait.ge [sflag:s0], $0x2000  }
0xac: {  	[sflag:s0] =	ssyncset.done $0x0  }
0xad: {  	[sflag:s0] =	ssyncadd.s32 $0xFFFFE000  }
0xae: {  	_ =	swait.ge [sflag:s0], $0x2000  }
0xaf: {  	[sflag:s0] =	ssyncset.done $0x0  }
0xb0: {  	[sflag:s0] =	ssyncadd.s32 $0xFFFFE000  }
0xb1: {  	[tilespmem:s21], [sflag:$0x2] =	stream.linear.gather [hbm4b:s12+s2], $0x8000, $0x38;
	[tilespmem:$0x11E00] =	vst v63  }
0xb2: {  	s30 =	simm.s32 $0x11400  }
0xb3: {  	[spmem:s1] =	stream.indirect.scatter.add.f32 [tilespmem:s2], [sflag:$0x3], $0x40, s30, s22, $0xb8;
	[tilespmem:$0x11E00] =	vst v63  }
0xb4: {  	s18 =	simm.s32 $0x11480  }
0xb5: {  	[spmem:s1] =	stream.indirect.scatter.add.f32 [tilespmem:s25], [sflag:$0x3], $0x40, s18, s22, $0xb8;
	[tilespmem:$0x11E00] =	vst v63  }
0xb6: {  	_ =	swait.ge [sflag:s26], $0x8000  }
0xb7: {  	[sflag:s26] =	ssyncset.done $0x0  }
0xb8: {  	[sflag:s26] =	ssyncadd.s32 $0xFFFF8000  }
0xb9: {  	_ =	swait.ge [sflag:s28], $0x2000  }
0xba: {  	[sflag:s28] =	ssyncset.done $0x0  }
0xbb: {  	[sflag:s28] =	ssyncadd.s32 $0xFFFFE000  }
0xbc: {  	_ =	swait.ge [sflag:s28], $0x2000  }
0xbd: {  	[sflag:s28] =	ssyncset.done $0x0  }
0xbe: {  	[sflag:s28] =	ssyncadd.s32 $0xFFFFE000  }
0xbf: {  	[tilespmem:s2], [sflag:$0x1] =	stream.linear.gather [hbm4b:s14+s2], $0x8000, $0x38;
	[tilespmem:$0x11E00] =	vst v63  }
0xc0: {  	s30 =	simm.s32 $0x11500  }
0xc1: {  	[spmem:s1] =	stream.indirect.scatter.add.f32 [tilespmem:s21], [sflag:$0x4], $0x40, s30, s22, $0xb8;
	[tilespmem:$0x11E00] =	vst v63  }
0xc2: {  	s18 =	simm.s32 $0x11580  }
0xc3: {  	[spmem:s1] =	stream.indirect.scatter.add.f32 [tilespmem:s31], [sflag:$0x4], $0x40, s18, s22, $0xb8;
	[tilespmem:$0x11E00] =	vst v63  }
0xc4: {  	_ =	swait.ge [sflag:s20], $0x8000  }
0xc5: {  	[sflag:s20] =	ssyncset.done $0x0  }
0xc6: {  	[sflag:s20] =	ssyncadd.s32 $0xFFFF8000  }
0xc7: {  	_ =	swait.ge [sflag:s0], $0x2000  }
0xc8: {  	[sflag:s0] =	ssyncset.done $0x0  }
0xc9: {  	[sflag:s0] =	ssyncadd.s32 $0xFFFFE000  }
0xca: {  	_ =	swait.ge [sflag:s0], $0x2000  }
0xcb: {  	[sflag:s0] =	ssyncset.done $0x0  }
0xcc: {  	[sflag:s0] =	ssyncadd.s32 $0xFFFFE000  }
0xcd: {  	[tilespmem:s21], [sflag:$0x2] =	stream.linear.gather [hbm4b:s15+s2], $0x8000, $0x38;
	[tilespmem:$0x11E00] =	vst v63  }
0xce: {  	s30 =	simm.s32 $0x11600  }
0xcf: {  	[spmem:s1] =	stream.indirect.scatter.add.f32 [tilespmem:s2], [sflag:$0x3], $0x40, s30, s22, $0xb8;
	[tilespmem:$0x11E00] =	vst v63  }
0xd0: {  	_ = 	snop  }
0xd1: {  	[spmem:s1] =	stream.indirect.scatter.add.f32 [tilespmem:s25], [sflag:$0x3], $0x40, s19, s22, $0xb8;
	[tilespmem:$0x11E00] =	vst v63  }
0xd2: {  	_ =	swait.ge [sflag:s26], $0x8000  }
0xd3: {  	[sflag:s26] =	ssyncset.done $0x0  }
0xd4: {  	[sflag:s26] =	ssyncadd.s32 $0xFFFF8000  }
0xd5: {  	_ =	swait.ge [sflag:s28], $0x2000  }
0xd6: {  	[sflag:s28] =	ssyncset.done $0x0  }
0xd7: {  	[sflag:s28] =	ssyncadd.s32 $0xFFFFE000  }
0xd8: {  	_ =	swait.ge [sflag:s28], $0x2000  }
0xd9: {  	[sflag:s28] =	ssyncset.done $0x0  }
0xda: {  	[sflag:s28] =	ssyncadd.s32 $0xFFFFE000  }
0xdb: {  	[spmem:s1] =	stream.indirect.scatter.add.f32 [tilespmem:s21], [sflag:$0x4], $0x40, s23, s22, $0xb8;
	[tilespmem:$0x11E00] =	vst v63  }
0xdc: {  	_ = 	snop  }
0xdd: {  	[spmem:s1] =	stream.indirect.scatter.add.f32 [tilespmem:s31], [sflag:$0x4], $0x40, s24, s22, $0xb8;
	[tilespmem:$0x11E00] =	vst v63  }
0xde: {  	_ =	swait.ge [sflag:s0], $0x2000  }
0xdf: {  	[sflag:s0] =	ssyncset.done $0x0  }
0xe0: {  	[sflag:s0] =	ssyncadd.s32 $0xFFFFE000  }
0xe1: {  	_ =	swait.ge [sflag:s0], $0x2000  }
0xe2: {  	s29 =	sadd.s32 $0x1, s29;
	[sflag:s0] =	ssyncset.done $0x0  }
0xe3: {  	p1 =	sne.s32 s29, s13;
	[sflag:s0] =	ssyncadd.s32 $0xFFFFE000  }
0xe4: {  	s16 =	sshrl.u32 @!p0 s1, $0x3;
	s18 =	simm.s32 @!p0 $0x1C05;
	[bflag:$0x0] =	sbarrier.arrive $0xFFFF  }
0xe5: {  	[hbm:s7], [sflag:s18] =	dma.local @!p0 [spmem:s16], $0x800  }
.Ltmp1:
0xe6: {  	_ = 	snop;
	(pc) =	sbr.rel @p1 .LBB2_1-.Ltmp1, $4  }
0xe7: {  	s16 =	simm.s32 @!p0 $0x5  }
0xe8: {  	_ =	swait.ge @!p0 [sflag:s16], $0x800  }
0xe9: {  	[sflag:s16] =	ssyncset.done @!p0 $0x0  }
0xea: {  	[sflag:s16] =	ssyncadd.s32 @!p0 $0xFFFFF800  }
0xeb: {  	_ =	sfence.sel $0x180000  }
0xec: {  	[bflag:$0x0] =	sbarrier.arrive $0xFFFF  }
0xed: {  	_ =	strace $0x9000004A  }
0xee: {  	[bflag:$0x2] =	sbarrier.arrive $0xFFFF  }
0xef: {  	s0 =	rddreg [dreg:$0x2]  }
0xf0: {  	s0 =	sadd.s32 @!p0 $0x100000, s0  }
0xf1: {  	[sflag:s0] =	ssyncadd.tile.s32 @!p0 $0x1;
	_ =	shalt  }
.Lfunc_end2:
_tile_overlayer_lowered:
.L_overlay_start_2:
0xf2: {  	(tag) =	ssettag $0x2  }
0xf3: {  	s0 =	rddreg [dreg:$0x0];
	s2 =	stileid.u32  }
0xf4: {  	s1 =	rddreg [dreg:$0x1];
	p0 =	sne.s32 s2, $0x0  }
0xf5: {  	s3 =	rddreg [dreg:$0x2];
	[bflag:$0x3] =	sbarrier.arrive $0xFFFF;
	s2 =	simm.s32 @!p0 $0x1C05  }
0xf6: {  	[timem:s3], [sflag:s2] =	dma.local @!p0 [hbm:s0], s1  }
0xf7: {  	s0 =	simm.s32 @!p0 $0x5  }
0xf8: {  	_ =	swait.ge @!p0 [sflag:s0], s1  }
0xf9: {  	s1 =	ssub.s32 @!p0 $0x0, s1;
	[sflag:s0] =	ssyncset.done @!p0 $0x0  }
0xfa: {  	[sflag:s0] =	ssyncadd.s32 @!p0 s1  }
0xfb: {  	[bflag:$0x3] =	sbarrier.arrive $0xFFFF  }
0xfc: {  	_ =	shalt  }

// kernel: kernel.8.cloned.1.call-start
scs
__scs_entry_jumppad:
0x0: {  	(pc) =	sbr.rel $0x88, $3  }
0x1: {  	(tag) =	ssettag $0x0;
	lr =	simm.s32 $0x1  }
0x2: {  	[smem:$0x3F9D] =	sst lr;
	_ =	strace $0xD0000000  }
0x3: {  	_ = 	snop  }
0x4: {  	_ = 	snop  }
0x5: {  	_ = 	snop  }
0x6: {  	_ = 	snop  }
0x7: {  	_ = 	snop  }
__scs_overlays_trampoline_lowered:
0x8: {  	[smem:$0x3FAC] =	sst s0  }
0x9: {  	[smem:$0x3FAD] =	sst s1  }
0xa: {  	[smem:$0x3FAE] =	sst s2  }
0xb: {  	[smem:$0x3FAF] =	sst s3  }
0xc: {  	[smem:$0x3FB0] =	sst s4  }
0xd: {  	[smem:$0x3FB1] =	sst s5  }
0xe: {  	[smem:$0x3FB2] =	sst s6  }
0xf: {  	[smem:$0x3FB3] =	sst s7  }
0x10: {  	[smem:$0x3FB4] =	sst s8  }
0x11: {  	[smem:$0x3FB5] =	sst s9;
	s0 =	simm.s32 @!p0 $0x0  }
0x12: {  	s1 =	sld [smem:$0x3F9B];
	s0 =	simm.s32 @p0 $0x1  }
0x13: {  	[smem:$0x3FB6] =	sst s0;
	s0 =	simm.s32 @!p1 $0x0  }
0x14: {  	s2 =	sld [smem:$0x3F9A];
	s0 =	simm.s32 @p1 $0x1  }
0x15: {  	[smem:$0x3FB7] =	sst s0;
	s0 =	simm.s32 @!p2 $0x0  }
0x16: {  	s3 =	sld [smem:$0x3FDB];
	s0 =	simm.s32 @p2 $0x1  }
0x17: {  	s4 =	simm.s32 $0x1BF5;
	[smem:$0x3FB9] =	sst s0  }
0x18: {  	s0 =	sld [smem:$0x3F9C];
	_ =	swait.ge [sflag:s4], $0x0  }
0x19: {  	s7 =	sld [smem:$0x3F9D]  }
0x1a: {  	s8 =	sadd.s32 $0xFFFFE003, lr  }
0x1b: {  	s9 =	sadd.s32 $0xFFFFFEF7, lr;
	s5 =	simm.s32 $0xFFFFFFFF;
	p2 =	slt.u32 s8, $0xFFFFF086  }
0x1c: {  	p1 =	slt.u32 s9, $0xF7A;
	s5 =	simm.s32 @!p2 $0x0  }
0x1d: {  	s5 =	simm.s32 @p1 $0x1;
	p0 =	seq.s32 s7, s2  }
0x1e: {  	s7 =	smul.u32 @!p0 $0xF7A, s2;
	p2 =	seq.s32 @!p0 s5, $0x0  }
0x1f: {  	s9 =	smul.u32 $0xF7A, s1;
	s8 =	simm.s32 @!p0 $0x1BF5;
	p2 =	por !p2, p0  }
0x20: {  	[sflag:s8] =	ssyncset.s32 @!p0 $0xFFFFF086;
	s6 =	sadd.s32 @!p0 s3, s7;
	s7 =	simm.s32 @!p0 $0x108  }
0x21: {  	s3 =	sadd.s32 s3, s9;
	s6 =	sadd.s32 @!p0 $0x88, s6;
	s7 =	simm.s32 @p2 $0x1082  }
0x22: {  	[simem:s7], [sflag:s8] =	dma.local @!p0 [hbm:s6], $0xF7A  }
0x23: {  	s9 =	sor.u32 $0xD0000000, s2;
	s6 =	simm.s32 $0x108;
	_ =	swait.ge @!p0 [sflag:s8], $0x0  }
0x24: {  	s3 =	sadd.s32 $0x88, s3;
	s6 =	simm.s32 @!p1 $0x1082;
	[sflag:s4] =	ssyncset.s32 $0xFFFFF086  }
0x25: {  	[simem:s6], [sflag:s4] =	dma.local [hbm:s3], $0xF7A  }
0x26: {  	[smem:$0x3F9D] =	sst s1;
	(tag) =	ssettag s2;
	_ =	strace s9  }
0x27: {  	s1 =	sld [smem:$0x3FAD]  }
0x28: {  	s2 =	sld [smem:$0x3FAE]  }
0x29: {  	s4 =	sld [smem:$0x3FB0]  }
0x2a: {  	p0 =	seq.s32 s5, $0x0;
	s5 =	sld [smem:$0x3FB1]  }
0x2b: {  	s6 =	sld [smem:$0x3FB2]  }
0x2c: {  	s7 =	sld [smem:$0x3FB3]  }
0x2d: {  	s3 =	simm.s32 $0x108;
	s8 =	sld [smem:$0x3FB4]  }
0x2e: {  	s3 =	simm.s32 @!p0 $0x1082;
	s9 =	sld [smem:$0x3FB5]  }
0x2f: {  	lr =	sadd.s32 s0, s3;
	s0 =	sld [smem:$0x3FAC]  }
0x30: {  	s3 =	sld [smem:$0x3FAF]  }
0x31: {  	[smem:$0x3FB8] =	sst s10  }
0x32: {  	s10 =	sld [smem:$0x3FB6];
	_ =	sdelay $0x3  }
0x33: {  	p0 =	seq.s32 s10, $0x1;
	s10 =	sld [smem:$0x3FB8];
	_ =	sdelay $0x3  }
0x34: {  	[smem:$0x3FB8] =	sst s10  }
0x35: {  	s10 =	sld [smem:$0x3FB7];
	_ =	sdelay $0x3  }
0x36: {  	p1 =	seq.s32 s10, $0x1;
	s10 =	sld [smem:$0x3FB8];
	_ =	sdelay $0x3  }
0x37: {  	[smem:$0x3FB8] =	sst s10  }
0x38: {  	s10 =	sld [smem:$0x3FB9]  }
0x39: {  	_ = 	snop;
	(pc) =	sbr.ind lr, $3  }
0x3a: {  	_ = 	snop  }
0x3b: {  	_ = 	snop  }
0x3c: {  	p2 =	seq.s32 s10, $0x1;
	s10 =	sld [smem:$0x3FB8]  }
0x3d: {  	_ =	shalt  }
0x3e: {  	_ =	shalt  }
0x3f: {  	_ =	shalt  }
0x40: {  	_ =	shalt  }
0x41: {  	_ =	shalt  }
0x42: {  	_ =	shalt  }
0x43: {  	_ =	shalt  }
0x44: {  	_ =	shalt  }
0x45: {  	_ =	shalt  }
0x46: {  	_ =	shalt  }
0x47: {  	_ =	shalt  }
0x48: {  	_ =	shalt  }
0x49: {  	_ =	shalt  }
0x4a: {  	_ =	shalt  }
0x4b: {  	_ =	shalt  }
0x4c: {  	_ =	shalt  }
0x4d: {  	_ =	shalt  }
0x4e: {  	_ =	shalt  }
0x4f: {  	_ =	shalt  }
0x50: {  	_ =	shalt  }
0x51: {  	_ =	shalt  }
0x52: {  	_ =	shalt  }
0x53: {  	_ =	shalt  }
0x54: {  	_ =	shalt  }
0x55: {  	_ =	shalt  }
0x56: {  	_ =	shalt  }
0x57: {  	_ =	shalt  }
0x58: {  	_ =	shalt  }
0x59: {  	_ =	shalt  }
0x5a: {  	_ =	shalt  }
0x5b: {  	_ =	shalt  }
0x5c: {  	_ =	shalt  }
0x5d: {  	_ =	shalt  }
0x5e: {  	_ =	shalt  }
0x5f: {  	_ =	shalt  }
0x60: {  	_ =	shalt  }
0x61: {  	_ =	shalt  }
0x62: {  	_ =	shalt  }
0x63: {  	_ =	shalt  }
0x64: {  	_ =	shalt  }
0x65: {  	_ =	shalt  }
0x66: {  	_ =	shalt  }
0x67: {  	_ =	shalt  }
0x68: {  	_ =	shalt  }
0x69: {  	_ =	shalt  }
0x6a: {  	_ =	shalt  }
0x6b: {  	_ =	shalt  }
0x6c: {  	_ =	shalt  }
0x6d: {  	_ =	shalt  }
0x6e: {  	_ =	shalt  }
0x6f: {  	_ =	shalt  }
0x70: {  	_ =	shalt  }
0x71: {  	_ =	shalt  }
0x72: {  	_ =	shalt  }
0x73: {  	_ =	shalt  }
0x74: {  	_ =	shalt  }
0x75: {  	_ =	shalt  }
0x76: {  	_ =	shalt  }
0x77: {  	_ =	shalt  }
0x78: {  	_ =	shalt  }
0x79: {  	_ =	shalt  }
0x7a: {  	_ =	shalt  }
0x7b: {  	_ =	shalt  }
0x7c: {  	_ =	shalt  }
0x7d: {  	_ =	shalt  }
0x7e: {  	_ =	shalt  }
0x7f: {  	_ =	shalt  }
0x80: {  	_ =	shalt  }
0x81: {  	_ =	shalt  }
0x82: {  	_ =	shalt  }
0x83: {  	_ =	shalt  }
0x84: {  	_ =	shalt  }
0x85: {  	_ =	shalt  }
0x86: {  	_ =	shalt  }
0x87: {  	_ =	shalt  }
.Lfunc_end0:
.L_simem_size_0:
called_computation_lowered:
.L_overlay_start_0:
0x88: {  	s2 =	sld [smem:$0x3FD9]  }
0x89: {  	s3 =	sld [smem:$0x3FFE];
	_ =	sdelay $0x1  }
0x8a: {  	s1 =	srdreg.scid  }
0x8b: {  	s0 =	sand.u32 $0x1, s1  }
0x8c: {  	s16 =	sshll.u32 s0, $0xA;
	s2 =	sadd.s32 s3, s2  }
0x8d: {  	s2 =	sadd.s32 s2, s16  }
0x8e: {  	[smem:$0x3FC4] =	sst s2  }
0x8f: {  	_ = 	snop  }
0x90: {  	(tm) =	ssettm $0x1  }
0x91: {  	s17 =	sld [smem:$0x3FFB];
	_ =	sdelay $0x3  }
0x92: {  	_ =	strace s17  }
0x93: {  	s2 =	sld [smem:$0x3FFC];
	_ =	sdelay $0x3  }
0x94: {  	_ =	strace s2  }
0x95: {  	s2 =	sld [smem:$0x3FFD];
	_ =	sdelay $0x3  }
0x96: {  	_ =	strace s2  }
0x97: {  	_ =	strace $0x8FFFFFFF  }
0x98: {  	s18 =	sld [smem:$0x3FDB];
	_ =	sdelay $0x1  }
0x99: {  	s19 =	simm.s32 $_scs_section_size  }
0x9a: {  	s4 =	simm.s32 $_size__tile_overlayer_lowered;
	s5 =	simm.s32 $_tile_overlayer_lowered  }
0x9b: {  	s22 =	simm.s32 $0x1BFF;
	s21 =	sshll.u32 s5, $0x1;
	s2 =	sadd.s32 s19, s18  }
0x9c: {  	s6 =	simm.s32 $0x0;
	s20 =	sshll.u32 s4, $0x1;
	s4 =	sadd.s32 s21, s2  }
0x9d: {  	[timem:s6], [sflag:s22] =	dma.local [hbm:s4], s20  }
0x9e: {  	_ =	swait.ge [sflag:s22], s20  }
0x9f: {  	s3 =	ssub.s32 $0x0, s20;
	[sflag:s22] =	ssyncset.done $0x0  }
0xa0: {  	[sflag:s22] =	ssyncadd.s32 s3;
	_ =	sdelay $0x1  }
0xa1: {  	s23 =	simm.s32 $0x1B8B  }
0xa2: {  	_ =	swait.ge [sflag:s23], $0x1  }
0xa3: {  	[sflag:s23] =	ssyncset.done $0x0  }
0xa4: {  	s25 =	simm.s32 $0x1B8E;
	s24 =	sld [smem:$0x3FFE];
	[sflag:s23] =	ssyncadd.s32 $0xFFFFFFFF  }
0xa5: {  	s26 =	simm.s32 $execute0_lowered;
	[smem:$0x3FD2] =	sst s25  }
0xa6: {  	s4 =	sshll.u32 s26, $0x1;
	_ =	strace $0x80000046;
	[dreg:$0x1] =	wrdreg $0xFFFFFFFF  }
0xa7: {  	s28 =	simm.s32 $_size_execute0_lowered;
	s2 =	sadd.s32 s2, s4;
	[dreg:$0x0] =	wrdreg $0x0  }
0xa8: {  	s4 =	sshll.u32 s28, $0x1;
	[dreg:$0x2] =	wrdreg s2  }
0xa9: {  	[dreg:$0x3] =	wrdreg s4  }
0xaa: {  	[dreg:$0x4] =	wrdreg $0xC0  }
0xab: {  	_ =	task [dreg:s6], $0x5FFFF  }
0xac: {  	[dreg:$0x1] =	wrdreg $0xFFFFFFFF  }
0xad: {  	[dreg:$0x0] =	wrdreg $0x60  }
0xae: {  	[dreg:$0x2] =	wrdreg s24  }
0xaf: {  	[dreg:$0x3] =	wrdreg $0x11C000  }
0xb0: {  	[dreg:$0x4] =	wrdreg $0x9  }
0xb1: {  	_ =	task.clear_ibuf [dreg:s6], $0x5FFFF;
	_ =	strace $0x90000046  }
0xb2: {  	s29 =	simm.s32 $0x9;
	_ =	strace $0x80000048  }
0xb3: {  	_ =	swait.ge [sflag:s29], $0x1  }
0xb4: {  	[sflag:s29] =	ssyncadd.s32 $0xFFFFFFFF  }
0xb5: {  	_ =	strace $0x90000048  }
0xb6: {  	_ =	sfence  }
0xb7: {  	s30 =	sld [smem:$0x0];
	_ =	sdelay $0x2  }
0xb8: {  	s31 =	sshll.u32 s1, $0xD;
	s1 =	sshrl.u32 s1, $0x2  }
0xb9: {  	s3 =	sand.u32 $0x4000, s31;
	s1 =	sadd.s32 s1, s30  }
0xba: {  	s0 =	sor.u32 s3, s0;
	s1 =	sshll.u32 s1, $0x11  }
0xbb: {  	s0 =	sor.u32 s1, s0  }
0xbc: {  	s0 =	sadd.s32 $0x8F2B, s0  }
0xbd: {  	[sflag:s0] =	ssyncadd.remote.s32 $0x1  }
0xbe: {  	_ =	sfence.sel $0xFFFF  }
0xbf: {  	[dreg:$0x0] =	wrdreg $0xFFFFFFFF;
	(pc) =	sbr.abs _section_cstart, $3  }
0xc0: {  	[dreg:$0x1] =	wrdreg $0xFFFFFFFF  }
0xc1: {  	_ =	task.clear_ibuf [dreg:s6], $0x2FFFF;
	_ =	strace $0x9FFFFFFF  }
0xc2: {  	(tm) =	ssettm $0x7FFFFFFF  }
0xc3: {  	_ =	shalt  }
tec
execute0_lowered:
.L_overlay_start_1:
0x0: {  	(tag) =	ssettag $0x1  }
0x1: {  	s0 =	rddreg [dreg:$0x0]  }
0x2: {  	s1 =	rddreg [dreg:$0x1]  }
0x3: {  	s2 =	srdreg.scid;
	s16 =	stileid.u32;
	s17 =	simm.s32 $0x5  }
0x4: {  	s20 =	simm.s32 $0x1;
	s21 =	simm.s32 $0x8000;
	s22 =	simm.s32 $0x80  }
0x5: {  	s25 =	simm.s32 $0x4000;
	s28 =	simm.s32 $0x3;
	s31 =	simm.s32 $0xC000  }
0x6: {  	s19 =	simm.s32 $0x11680;
	s23 =	simm.s32 $0x11700;
	s24 =	simm.s32 $0x11780  }
0x7: {  	s29 =	simm.s32 $0x0;
	s3 =	sand.u32 $0x1, s2;
	s2 =	simm.s32 $0x0  }
0x8: {  	s7 =	sshll.u32 s16, $0xA;
	p0 =	sne.s32 s16, $0x0;
	s4 =	sshll.u32 s3, $0x4  }
0x9: {  	[smem:$0x7FF] =	sst s2;
	s30 =	ssub.s32 $0x2, s3;
	s3 =	sshll.u32 s3, $0xB  }
0xa: {  	s4 =	sor.u32 s16, s4;
	_ =	strace $0x80000047;
	s6 =	sshrl.u32 s30, $0x1  }
0xb: {  	s5 =	sshll.u32 s4, $0xF;
	s4 =	sshll.u32 s4, $0x8;
	s9 =	ssub.s32 s30, s6  }
0xc: {  	s15 =	sadd.s32 s5, s0;
	s26 =	sadd.s32 s4, s0;
	s0 =	sadd.s32 s3, s0  }
0xd: {  	s3 =	sadd.s32 s7, s1;
	s9 =	smax.u32 s9, $0x1;
	s4 =	sadd.s32 $0x103600, s26  }
0xe: {  	s5 =	sadd.s32 $0x101600, s26;
	s6 =	sadd.s32 $0x1600, s15;
	s7 =	sadd.s32 $0x3600, s15  }
0xf: {  	s8 =	sadd.s32 $0x109600, s0;
	s10 =	sadd.s32 $0x2600, s15;
	s11 =	sadd.s32 $0x4600, s15  }
0x10: {  	s12 =	sadd.s32 $0x5600, s15;
	s13 =	sadd.s32 $0x6600, s15;
	s14 =	sadd.s32 $0x7600, s15  }
0x11: {  	v0 =	vimm.f32 $0.0e+00;
	s15 =	sadd.s32 $0x8600, s15;
	s26 =	simm.s32 $0x2;
	s0 =	simm.s32 $0x4  }
.LBB2_1:
0x12: {  	[tilespmem:$0x11800] =	vst v0  }
0x13: {  	[tilespmem:$0x11810] =	vst v0  }
0x14: {  	[tilespmem:$0x11820] =	vst v0  }
0x15: {  	[tilespmem:$0x11830] =	vst v0  }
0x16: {  	[tilespmem:$0x11880] =	vst v0  }
0x17: {  	[tilespmem:$0x11890] =	vst v0  }
0x18: {  	[tilespmem:$0x118A0] =	vst v0  }
0x19: {  	[tilespmem:$0x118B0] =	vst v0  }
0x1a: {  	[tilespmem:$0x11900] =	vst v0  }
0x1b: {  	[tilespmem:$0x11910] =	vst v0  }
0x1c: {  	[tilespmem:$0x11920] =	vst v0  }
0x1d: {  	[tilespmem:$0x11930] =	vst v0  }
0x1e: {  	[tilespmem:$0x11980] =	vst v0  }
0x1f: {  	[tilespmem:$0x11990] =	vst v0  }
0x20: {  	[tilespmem:$0x119A0] =	vst v0  }
0x21: {  	[tilespmem:$0x119B0] =	vst v0  }
0x22: {  	[tilespmem:$0x11A00] =	vst v0  }
0x23: {  	[tilespmem:$0x11A10] =	vst v0  }
0x24: {  	[tilespmem:$0x11A20] =	vst v0  }
0x25: {  	[tilespmem:$0x11A30] =	vst v0  }
0x26: {  	[tilespmem:$0x11A80] =	vst v0  }
0x27: {  	[tilespmem:$0x11A90] =	vst v0  }
0x28: {  	[tilespmem:$0x11AA0] =	vst v0  }
0x29: {  	[tilespmem:$0x11AB0] =	vst v0  }
0x2a: {  	[tilespmem:$0x11B00] =	vst v0  }
0x2b: {  	[tilespmem:$0x11B10] =	vst v0  }
0x2c: {  	[tilespmem:$0x11B20] =	vst v0  }
0x2d: {  	[tilespmem:$0x11B30] =	vst v0  }
0x2e: {  	[tilespmem:$0x11B80] =	vst v0  }
0x2f: {  	[tilespmem:$0x11B90] =	vst v0  }
0x30: {  	[tilespmem:$0x11BA0] =	vst v0  }
0x31: {  	[tilespmem:$0x11BB0] =	vst v0;
	s16 =	simm.s32 $0x11800  }
0x32: {  	[spmem:s3] =	stream.linear.scatter [tilespmem:s16], [sflag:$0x5], $0x400, $0x38;
	[tilespmem:$0x11E00] =	vst v63  }
0x33: {  	_ =	swait.ge [sflag:s17], $0x400  }
0x34: {  	[sflag:s17] =	ssyncset.done $0x0  }
0x35: {  	s18 =	simm.s32 $0x10000;
	[sflag:s17] =	ssyncadd.s32 $0xFFFFFC00  }
0x36: {  	[tilespmem:s18], [sflag:$0x5] =	stream.linear.gather [hbm4b:s4+s2], $0x800, $0x38;
	[tilespmem:$0x11E00] =	vst v63  }
0x37: {  	_ =	swait.ge [sflag:s17], $0x800  }
0x38: {  	[sflag:s17] =	ssyncset.done $0x0  }
0x39: {  	s18 =	simm.s32 $0x10800;
	[sflag:s17] =	ssyncadd.s32 $0xFFFFF800  }
0x3a: {  	[tilespmem:s18], [sflag:$0x5] =	stream.linear.gather [hbm4b:s5+s2], $0x800, $0x38;
	[tilespmem:$0x11E00] =	vst v63  }
0x3b: {  	_ =	swait.ge [sflag:s17], $0x800  }
0x3c: {  	[sflag:s17] =	ssyncset.done $0x0  }
0x3d: {  	s30 =	simm.s32 $0x0;
	[sflag:s17] =	ssyncadd.s32 $0xFFFFF800  }
0x3e: {  	v1 =	vld [tilespmem:s30+$0x10870]  }
0x3f: {  	v2 =	vld [tilespmem:s30+$0x10070]  }
0x40: {  	v3 =	vld [tilespmem:s30+$0x10800]  }
0x41: {  	v4 =	vld [tilespmem:s30+$0x10810]  }
0x42: {  	v5 =	vld [tilespmem:s30+$0x10820]  }
0x43: {  	v7 =	vld [tilespmem:s30+$0x10830]  }
0x44: {  	v10 =	vld [tilespmem:s30+$0x10840]  }
0x45: {  	v9 =	vld [tilespmem:s30+$0x10000]  }
0x46: {  	v11 =	vld [tilespmem:s30+$0x10010];
	v1 =	vshll.u32 v1, $0x4  }
0x47: {  	v1 =	vadd.s32 v2, v1;
	v2 =	vld [tilespmem:s30+$0x10850]  }
0x48: {  	[tilespmem:s30+$0x11070] =	vst v1;
	v1 =	vld [tilespmem:s30+$0x10860]  }
0x49: {  	v8 =	vld [tilespmem:s30+$0x10020]  }
0x4a: {  	v6 =	vld [tilespmem:s30+$0x10030]  }
0x4b: {  	v12 =	vshll.u32 v3, $0x4;
	v3 =	vld [tilespmem:s30+$0x10040];
	v13 =	vshll.u32 v4, $0x4;
	v7 =	vshll.u32 v7, $0x4  }
0x4c: {  	v4 =	vld [tilespmem:s30+$0x10050];
	v12 =	vadd.s32 v9, v12;
	v9 =	vshll.u32 v5, $0x4;
	v5 =	vshll.u32 v10, $0x4  }
0x4d: {  	s16 =	simm.s32 $0x80;
	s18 =	simm.s32 $0x400;
	v11 =	vadd.s32 v11, v13;
	v10 =	vld [tilespmem:s30+$0x10060];
	[tilespmem:s30+$0x11000] =	vst v12;
	v2 =	vshll.u32 v2, $0x4;
	v1 =	vshll.u32 v1, $0x4  }
.LBB2_2:
0x4e: {  	p1 =	sne.s32 s18, $0x1E00;
	v12 =	vld [tilespmem:s16+$0x10870];
	[tilespmem:s30+$0x11010] =	vst v11;
	v8 =	vadd.s32 v8, v9  }
0x4f: {  	v9 =	vld [tilespmem:s16+$0x10070];
	[tilespmem:s30+$0x11020] =	vst v8;
	v6 =	vadd.s32 v6, v7  }
0x50: {  	v7 =	vld [tilespmem:s16+$0x10800];
	[tilespmem:s30+$0x11030] =	vst v6;
	v3 =	vadd.s32 v3, v5  }
0x51: {  	v5 =	vld [tilespmem:s16+$0x10810];
	[tilespmem:s30+$0x11040] =	vst v3;
	v2 =	vadd.s32 v4, v2  }
0x52: {  	v3 =	vld [tilespmem:s16+$0x10820];
	[tilespmem:s30+$0x11050] =	vst v2;
	v1 =	vadd.s32 v10, v1  }
0x53: {  	v2 =	vld [tilespmem:s16+$0x10830];
	v4 =	vshll.u32 v12, $0x4;
	[tilespmem:s30+$0x11060] =	vst v1;
	s30 =	smov.u32 s16  }
0x54: {  	v1 =	vld [tilespmem:s30+$0x10840];
	v4 =	vadd.s32 v9, v4  }
0x55: {  	v10 =	vshll.u32 v7, $0x4;
	v11 =	vld [tilespmem:s30+$0x10850];
	[tilespmem:s30+$0x11070] =	vst v4  }
0x56: {  	v12 =	vshll.u32 v5, $0x4;
	v4 =	vld [tilespmem:s30+$0x10860]  }
0x57: {  	v13 =	vld [tilespmem:s30+$0x10000];
	v9 =	vshll.u32 v3, $0x4  }
0x58: {  	v14 =	vld [tilespmem:s30+$0x10010];
	v7 =	vshll.u32 v2, $0x4  }
.Ltmp0:
0x59: {  	v8 =	vld [tilespmem:s30+$0x10020];
	v5 =	vshll.u32 v1, $0x4;
	(pc) =	sbr.rel @p1 .LBB2_2-.Ltmp0, $4  }
0x5a: {  	v6 =	vld [tilespmem:s30+$0x10030];
	v2 =	vshll.u32 v11, $0x4  }
0x5b: {  	v3 =	vld [tilespmem:s30+$0x10040];
	v1 =	vshll.u32 v4, $0x4  }
0x5c: {  	v10 =	vadd.s32 v13, v10;
	v4 =	vld [tilespmem:s30+$0x10050]  }
0x5d: {  	s16 =	sshra.s32 s18, $0x2;
	s18 =	sadd.s32 $0x200, s18;
	[tilespmem:s30+$0x11000] =	vst v10;
	v11 =	vadd.s32 v14, v12;
	v10 =	vld [tilespmem:s30+$0x10060]  }
0x5e: {  	v12 =	vld [tilespmem:s16+$0x10870];
	[tilespmem:s30+$0x11010] =	vst v11;
	v8 =	vadd.s32 v8, v9  }
0x5f: {  	v55 =	vld [tilespmem:s16+$0x10070];
	[tilespmem:s30+$0x11020] =	vst v8;
	v6 =	vadd.s32 v6, v7  }
0x60: {  	v56 =	vld [tilespmem:s16+$0x10800];
	[tilespmem:s30+$0x11030] =	vst v6;
	v3 =	vadd.s32 v3, v5  }
0x61: {  	v57 =	vld [tilespmem:s16+$0x10810];
	[tilespmem:s30+$0x11040] =	vst v3;
	v2 =	vadd.s32 v4, v2  }
0x62: {  	v3 =	vld [tilespmem:s16+$0x10820];
	[tilespmem:s30+$0x11050] =	vst v2;
	v1 =	vadd.s32 v10, v1  }
0x63: {  	v2 =	vld [tilespmem:s16+$0x10830];
	[tilespmem:s30+$0x11060] =	vst v1  }
0x64: {  	v58 =	vld [tilespmem:s16+$0x10840]  }
0x65: {  	v6 =	vld [tilespmem:s16+$0x10850]  }
0x66: {  	v8 =	vld [tilespmem:s16+$0x10000]  }
0x67: {  	v59 =	vld [tilespmem:s16+$0x10010]  }
0x68: {  	v60 =	vld [tilespmem:s16+$0x10020]  }
0x69: {  	v11 =	vld [tilespmem:s16+$0x10030]  }
0x6a: {  	v1 =	vshll.u32 v12, $0x4;
	v61 =	vld [tilespmem:s16+$0x10040]  }
0x6b: {  	v1 =	vadd.s32 v55, v1;
	v62 =	vld [tilespmem:s16+$0x10050];
	v7 =	vshll.u32 v56, $0x4  }
0x6c: {  	[tilespmem:s16+$0x11070] =	vst v1;
	v1 =	vld [tilespmem:s16+$0x10860];
	v5 =	vshll.u32 v57, $0x4;
	v7 =	vadd.s32 v8, v7  }
0x6d: {  	v63 =	vld [tilespmem:s16+$0x10060];
	v3 =	vshll.u32 v3, $0x4;
	v5 =	vadd.s32 v59, v5;
	[tilespmem:s16+$0x11000] =	vst v7  }
0x6e: {  	v2 =	vshll.u32 v2, $0x4;
	v3 =	vadd.s32 v60, v3;
	[tilespmem:s16+$0x11010] =	vst v5  }
0x6f: {  	v4 =	vshll.u32 v58, $0x4;
	v2 =	vadd.s32 v11, v2;
	[tilespmem:s16+$0x11020] =	vst v3  }
0x70: {  	v3 =	vshll.u32 v6, $0x4;
	[tilespmem:s16+$0x11030] =	vst v2;
	v2 =	vadd.s32 v61, v4  }
0x71: {  	v1 =	vshll.u32 v1, $0x4;
	[tilespmem:s16+$0x11040] =	vst v2;
	v2 =	vadd.s32 v62, v3  }
0x72: {  	v1 =	vadd.s32 v63, v1;
	[tilespmem:s16+$0x11050] =	vst v2  }
0x73: {  	[tilespmem:s16+$0x11060] =	vst v1  }
0x74: {  	[bflag:$0x0] =	sbarrier.arrive $0xFFFF  }
0x75: {  	[tilespmem:s2], [sflag:$0x1] =	stream.linear.gather [hbm4b:s6+s2], $0x8000, $0x38;
	[tilespmem:$0x11E00] =	vst v63  }
0x76: {  	_ =	swait.ge [sflag:s20], $0x8000  }
0x77: {  	[sflag:s20] =	ssyncset.done $0x0  }
0x78: {  	[sflag:s20] =	ssyncadd.s32 $0xFFFF8000  }
0x79: {  	[tilespmem:s21], [sflag:$0x2] =	stream.linear.gather [hbm4b:s10+s2], $0x8000, $0x38;
	[tilespmem:$0x11E00] =	vst v63  }
0x7a: {  	s30 =	simm.s32 $0x11000  }
0x7b: {  	[spmem:s1] =	stream.indirect.scatter.add.f32 [tilespmem:s2], [sflag:$0x3], $0x40, s30, s22, $0xb8;
	[tilespmem:$0x11E00] =	vst v63  }
0x7c: {  	s18 =	simm.s32 $0x11080  }
0x7d: {  	[spmem:s1] =	stream.indirect.scatter.add.f32 [tilespmem:s25], [sflag:$0x3], $0x40, s18, s22, $0xb8;
	[tilespmem:$0x11E00] =	vst v63  }
0x7e: {  	_ =	swait.ge [sflag:s26], $0x8000  }
0x7f: {  	[sflag:s26] =	ssyncset.done $0x0  }
0x80: {  	[sflag:s26] =	ssyncadd.s32 $0xFFFF8000  }
0x81: {  	_ =	swait.ge [sflag:s28], $0x2000  }
0x82: {  	[sflag:s28] =	ssyncset.done $0x0  }
0x83: {  	[sflag:s28] =	ssyncadd.s32 $0xFFFFE000  }
0x84: {  	_ =	swait.ge [sflag:s28], $0x2000  }
0x85: {  	[sflag:s28] =	ssyncset.done $0x0  }
0x86: {  	[sflag:s28] =	ssyncadd.s32 $0xFFFFE000  }
0x87: {  	[tilespmem:s2], [sflag:$0x1] =	stream.linear.gather [hbm4b:s7+s2], $0x8000, $0x38;
	[tilespmem:$0x11E00] =	vst v63  }
0x88: {  	s30 =	simm.s32 $0x11100  }
0x89: {  	[spmem:s1] =	stream.indirect.scatter.add.f32 [tilespmem:s21], [sflag:$0x4], $0x40, s30, s22, $0xb8;
	[tilespmem:$0x11E00] =	vst v63  }
0x8a: {  	s18 =	simm.s32 $0x11180  }
0x8b: {  	[spmem:s1] =	stream.indirect.scatter.add.f32 [tilespmem:s31], [sflag:$0x4], $0x40, s18, s22, $0xb8;
	[tilespmem:$0x11E00] =	vst v63  }
0x8c: {  	_ =	swait.ge [sflag:s20], $0x8000  }
0x8d: {  	[sflag:s20] =	ssyncset.done $0x0  }
0x8e: {  	[sflag:s20] =	ssyncadd.s32 $0xFFFF8000  }
0x8f: {  	_ =	swait.ge [sflag:s0], $0x2000  }
0x90: {  	[sflag:s0] =	ssyncset.done $0x0  }
0x91: {  	[sflag:s0] =	ssyncadd.s32 $0xFFFFE000  }
0x92: {  	_ =	swait.ge [sflag:s0], $0x2000  }
0x93: {  	[sflag:s0] =	ssyncset.done $0x0  }
0x94: {  	[sflag:s0] =	ssyncadd.s32 $0xFFFFE000  }
0x95: {  	[tilespmem:s21], [sflag:$0x2] =	stream.linear.gather [hbm4b:s11+s2], $0x8000, $0x38;
	[tilespmem:$0x11E00] =	vst v63  }
0x96: {  	s30 =	simm.s32 $0x11200  }
0x97: {  	[spmem:s1] =	stream.indirect.scatter.add.f32 [tilespmem:s2], [sflag:$0x3], $0x40, s30, s22, $0xb8;
	[tilespmem:$0x11E00] =	vst v63  }
0x98: {  	s18 =	simm.s32 $0x11280  }
0x99: {  	[spmem:s1] =	stream.indirect.scatter.add.f32 [tilespmem:s25], [sflag:$0x3], $0x40, s18, s22, $0xb8;
	[tilespmem:$0x11E00] =	vst v63  }
0x9a: {  	_ =	swait.ge [sflag:s26], $0x8000  }
0x9b: {  	[sflag:s26] =	ssyncset.done $0x0  }
0x9c: {  	[sflag:s26] =	ssyncadd.s32 $0xFFFF8000  }
0x9d: {  	_ =	swait.ge [sflag:s28], $0x2000  }
0x9e: {  	[sflag:s28] =	ssyncset.done $0x0  }
0x9f: {  	[sflag:s28] =	ssyncadd.s32 $0xFFFFE000  }
0xa0: {  	_ =	swait.ge [sflag:s28], $0x2000  }
0xa1: {  	[sflag:s28] =	ssyncset.done $0x0  }
0xa2: {  	[sflag:s28] =	ssyncadd.s32 $0xFFFFE000  }
0xa3: {  	[tilespmem:s2], [sflag:$0x1] =	stream.linear.gather [hbm4b:s12+s2], $0x8000, $0x38;
	[tilespmem:$0x11E00] =	vst v63  }
0xa4: {  	s30 =	simm.s32 $0x11300  }
0xa5: {  	[spmem:s1] =	stream.indirect.scatter.add.f32 [tilespmem:s21], [sflag:$0x4], $0x40, s30, s22, $0xb8;
	[tilespmem:$0x11E00] =	vst v63  }
0xa6: {  	s18 =	simm.s32 $0x11380  }
0xa7: {  	[spmem:s1] =	stream.indirect.scatter.add.f32 [tilespmem:s31], [sflag:$0x4], $0x40, s18, s22, $0xb8;
	[tilespmem:$0x11E00] =	vst v63  }
0xa8: {  	_ =	swait.ge [sflag:s20], $0x8000  }
0xa9: {  	[sflag:s20] =	ssyncset.done $0x0  }
0xaa: {  	[sflag:s20] =	ssyncadd.s32 $0xFFFF8000  }
0xab: {  	_ =	swait.ge [sflag:s0], $0x2000  }
0xac: {  	[sflag:s0] =	ssyncset.done $0x0  }
0xad: {  	[sflag:s0] =	ssyncadd.s32 $0xFFFFE000  }
0xae: {  	_ =	swait.ge [sflag:s0], $0x2000  }
0xaf: {  	[sflag:s0] =	ssyncset.done $0x0  }
0xb0: {  	[sflag:s0] =	ssyncadd.s32 $0xFFFFE000  }
0xb1: {  	[tilespmem:s21], [sflag:$0x2] =	stream.linear.gather [hbm4b:s13+s2], $0x8000, $0x38;
	[tilespmem:$0x11E00] =	vst v63  }
0xb2: {  	s30 =	simm.s32 $0x11400  }
0xb3: {  	[spmem:s1] =	stream.indirect.scatter.add.f32 [tilespmem:s2], [sflag:$0x3], $0x40, s30, s22, $0xb8;
	[tilespmem:$0x11E00] =	vst v63  }
0xb4: {  	s18 =	simm.s32 $0x11480  }
0xb5: {  	[spmem:s1] =	stream.indirect.scatter.add.f32 [tilespmem:s25], [sflag:$0x3], $0x40, s18, s22, $0xb8;
	[tilespmem:$0x11E00] =	vst v63  }
0xb6: {  	_ =	swait.ge [sflag:s26], $0x8000  }
0xb7: {  	[sflag:s26] =	ssyncset.done $0x0  }
0xb8: {  	[sflag:s26] =	ssyncadd.s32 $0xFFFF8000  }
0xb9: {  	_ =	swait.ge [sflag:s28], $0x2000  }
0xba: {  	[sflag:s28] =	ssyncset.done $0x0  }
0xbb: {  	[sflag:s28] =	ssyncadd.s32 $0xFFFFE000  }
0xbc: {  	_ =	swait.ge [sflag:s28], $0x2000  }
0xbd: {  	[sflag:s28] =	ssyncset.done $0x0  }
0xbe: {  	[sflag:s28] =	ssyncadd.s32 $0xFFFFE000  }
0xbf: {  	[tilespmem:s2], [sflag:$0x1] =	stream.linear.gather [hbm4b:s14+s2], $0x8000, $0x38;
	[tilespmem:$0x11E00] =	vst v63  }
0xc0: {  	s30 =	simm.s32 $0x11500  }
0xc1: {  	[spmem:s1] =	stream.indirect.scatter.add.f32 [tilespmem:s21], [sflag:$0x4], $0x40, s30, s22, $0xb8;
	[tilespmem:$0x11E00] =	vst v63  }
0xc2: {  	s18 =	simm.s32 $0x11580  }
0xc3: {  	[spmem:s1] =	stream.indirect.scatter.add.f32 [tilespmem:s31], [sflag:$0x4], $0x40, s18, s22, $0xb8;
	[tilespmem:$0x11E00] =	vst v63  }
0xc4: {  	_ =	swait.ge [sflag:s20], $0x8000  }
0xc5: {  	[sflag:s20] =	ssyncset.done $0x0  }
0xc6: {  	[sflag:s20] =	ssyncadd.s32 $0xFFFF8000  }
0xc7: {  	_ =	swait.ge [sflag:s0], $0x2000  }
0xc8: {  	[sflag:s0] =	ssyncset.done $0x0  }
0xc9: {  	[sflag:s0] =	ssyncadd.s32 $0xFFFFE000  }
0xca: {  	_ =	swait.ge [sflag:s0], $0x2000  }
0xcb: {  	[sflag:s0] =	ssyncset.done $0x0  }
0xcc: {  	[sflag:s0] =	ssyncadd.s32 $0xFFFFE000  }
0xcd: {  	[tilespmem:s21], [sflag:$0x2] =	stream.linear.gather [hbm4b:s15+s2], $0x8000, $0x38;
	[tilespmem:$0x11E00] =	vst v63  }
0xce: {  	s30 =	simm.s32 $0x11600  }
0xcf: {  	[spmem:s1] =	stream.indirect.scatter.add.f32 [tilespmem:s2], [sflag:$0x3], $0x40, s30, s22, $0xb8;
	[tilespmem:$0x11E00] =	vst v63  }
0xd0: {  	_ = 	snop  }
0xd1: {  	[spmem:s1] =	stream.indirect.scatter.add.f32 [tilespmem:s25], [sflag:$0x3], $0x40, s19, s22, $0xb8;
	[tilespmem:$0x11E00] =	vst v63  }
0xd2: {  	_ =	swait.ge [sflag:s26], $0x8000  }
0xd3: {  	[sflag:s26] =	ssyncset.done $0x0  }
0xd4: {  	[sflag:s26] =	ssyncadd.s32 $0xFFFF8000  }
0xd5: {  	_ =	swait.ge [sflag:s28], $0x2000  }
0xd6: {  	[sflag:s28] =	ssyncset.done $0x0  }
0xd7: {  	[sflag:s28] =	ssyncadd.s32 $0xFFFFE000  }
0xd8: {  	_ =	swait.ge [sflag:s28], $0x2000  }
0xd9: {  	[sflag:s28] =	ssyncset.done $0x0  }
0xda: {  	[sflag:s28] =	ssyncadd.s32 $0xFFFFE000  }
0xdb: {  	[spmem:s1] =	stream.indirect.scatter.add.f32 [tilespmem:s21], [sflag:$0x4], $0x40, s23, s22, $0xb8;
	[tilespmem:$0x11E00] =	vst v63  }
0xdc: {  	_ = 	snop  }
0xdd: {  	[spmem:s1] =	stream.indirect.scatter.add.f32 [tilespmem:s31], [sflag:$0x4], $0x40, s24, s22, $0xb8;
	[tilespmem:$0x11E00] =	vst v63  }
0xde: {  	_ =	swait.ge [sflag:s0], $0x2000  }
0xdf: {  	[sflag:s0] =	ssyncset.done $0x0  }
0xe0: {  	[sflag:s0] =	ssyncadd.s32 $0xFFFFE000  }
0xe1: {  	_ =	swait.ge [sflag:s0], $0x2000  }
0xe2: {  	s29 =	sadd.s32 $0x1, s29;
	[sflag:s0] =	ssyncset.done $0x0  }
0xe3: {  	p1 =	sne.s32 s29, s9;
	[sflag:s0] =	ssyncadd.s32 $0xFFFFE000  }
0xe4: {  	s16 =	sshrl.u32 @!p0 s1, $0x3;
	s18 =	simm.s32 @!p0 $0x1C05;
	[bflag:$0x0] =	sbarrier.arrive $0xFFFF  }
0xe5: {  	[hbm:s8], [sflag:s18] =	dma.local @!p0 [spmem:s16], $0x800  }
.Ltmp1:
0xe6: {  	_ = 	snop;
	(pc) =	sbr.rel @p1 .LBB2_1-.Ltmp1, $4  }
0xe7: {  	s16 =	simm.s32 @!p0 $0x5  }
0xe8: {  	_ =	swait.ge @!p0 [sflag:s16], $0x800  }
0xe9: {  	[sflag:s16] =	ssyncset.done @!p0 $0x0  }
0xea: {  	[sflag:s16] =	ssyncadd.s32 @!p0 $0xFFFFF800  }
0xeb: {  	_ =	sfence.sel $0x180000  }
0xec: {  	[bflag:$0x0] =	sbarrier.arrive $0xFFFF  }
0xed: {  	_ =	strace $0x90000047  }
0xee: {  	[bflag:$0x2] =	sbarrier.arrive $0xFFFF  }
0xef: {  	s0 =	rddreg [dreg:$0x2]  }
0xf0: {  	s0 =	sadd.s32 @!p0 $0x100000, s0  }
0xf1: {  	[sflag:s0] =	ssyncadd.tile.s32 @!p0 $0x1;
	_ =	shalt  }
.Lfunc_end2:
_tile_overlayer_lowered:
.L_overlay_start_2:
0xf2: {  	(tag) =	ssettag $0x2  }
0xf3: {  	s0 =	rddreg [dreg:$0x0];
	s2 =	stileid.u32  }
0xf4: {  	s1 =	rddreg [dreg:$0x1];
	p0 =	sne.s32 s2, $0x0  }
0xf5: {  	s3 =	rddreg [dreg:$0x2];
	[bflag:$0x3] =	sbarrier.arrive $0xFFFF;
	s2 =	simm.s32 @!p0 $0x1C05  }
0xf6: {  	[timem:s3], [sflag:s2] =	dma.local @!p0 [hbm:s0], s1  }
0xf7: {  	s0 =	simm.s32 @!p0 $0x5  }
0xf8: {  	_ =	swait.ge @!p0 [sflag:s0], s1  }
0xf9: {  	s1 =	ssub.s32 @!p0 $0x0, s1;
	[sflag:s0] =	ssyncset.done @!p0 $0x0  }
0xfa: {  	[sflag:s0] =	ssyncadd.s32 @!p0 s1  }
0xfb: {  	[bflag:$0x3] =	sbarrier.arrive $0xFFFF  }
0xfc: {  	_ =	shalt  }

</sc_bundles>
